<compile_context>
chip_gen: v7x
topology: tpu7x:2x2x1
jax: 0.10.2.dev20260603
libtpu: 0.0.44.dev20260713+nightly
codegen_flags: <defaults>
</compile_context>

<pallas_src>
import functools

import jax
import jax.numpy as jnp
from jax import lax
from jax.experimental import pallas as pl
from jax.experimental.pallas import tpu as pltpu
from jax.experimental.pallas import tpu_sc as plsc

N = 10000
E = 320000
D = 128

NC = 2
NS = 16
NW = NC * NS
EPT = E // NW
C = 80
K = 5
GROUPS = EPT // (K * C)
CHUNKS = EPT // C
RPT = 624
RPT_LAST = N - 15 * RPT
RB = 1280
GRID = (N + RB - 1) // RB

_mesh = plsc.VectorSubcoreMesh(core_axis_name="c", subcore_axis_name="s")


DEGW = 128

@functools.partial(
    pl.kernel,
    out_type=jax.ShapeDtypeStruct((NC, N, DEGW), jnp.float32),
    mesh=_mesh,
    scratch_types=[
        pltpu.VMEM((CHUNKS, C), jnp.int32),
        pltpu.VMEM((C, DEGW), jnp.float32),
        pltpu.VMEM_SHARED((N, DEGW), jnp.float32),
        pltpu.SemaphoreType.DMA,
    ],
)
def _deg_pass(col_hbm, ones_hbm, zeros_hbm, parts_hbm, cidx, ones_v, acc, sem_s):
    cid = lax.axis_index("c")
    sid = lax.axis_index("s")
    wid = sid * NC + cid
    pltpu.sync_copy(ones_hbm, ones_v)
    pltpu.sync_copy(col_hbm.at[wid], cidx)
    nbase = sid * RPT

    @pl.when(sid < NS - 1)
    def _():
        pltpu.sync_copy(zeros_hbm.at[pl.ds(0, RPT)], acc.at[pl.ds(nbase, RPT)])

    @pl.when(sid == NS - 1)
    def _():
        pltpu.sync_copy(zeros_hbm, acc.at[pl.ds(nbase, RPT_LAST)])

    plsc.subcore_barrier()

    def body(g, carry):
        base = g * K
        cps = [pltpu.async_copy(ones_v, acc.at[cidx.at[base + b]], sem_s,
                                add=True) for b in range(K)]
        for cp in cps:
            cp.wait()
        return carry

    lax.fori_loop(0, GROUPS, body, 0)
    plsc.subcore_barrier()

    @pl.when(sid < NS - 1)
    def _():
        pltpu.sync_copy(acc.at[pl.ds(nbase, RPT)],
                        parts_hbm.at[cid, pl.ds(nbase, RPT)])

    @pl.when(sid == NS - 1)
    def _():
        pltpu.sync_copy(acc.at[pl.ds(nbase, RPT_LAST)],
                        parts_hbm.at[cid, pl.ds(nbase, RPT_LAST)])


@functools.partial(
    pl.kernel,
    out_type=jax.ShapeDtypeStruct((NC, N, D), jnp.float32),
    mesh=_mesh,
    scratch_types=[
        pltpu.VMEM((K, C), jnp.int32),
        pltpu.VMEM((CHUNKS, C), jnp.int32),
        pltpu.VMEM((2, C, D), jnp.float32),
        pltpu.VMEM_SHARED((N, D), jnp.float32),
        pltpu.SemaphoreType.DMA,
        pltpu.SemaphoreType.DMA,
        pltpu.SemaphoreType.DMA,
    ],
)
def _edge_pass(y_hbm, row_hbm, col_hbm, zeros_hbm, out_hbm,
               ridx, cidx, rows, acc, sem_i, sem_g, sem_s):
    cid = lax.axis_index("c")
    sid = lax.axis_index("s")
    wid = sid * NC + cid

    pltpu.sync_copy(col_hbm.at[wid], cidx)

    nbase = sid * RPT

    @pl.when(sid < NS - 1)
    def _():
        pltpu.sync_copy(zeros_hbm.at[pl.ds(0, RPT)], acc.at[pl.ds(nbase, RPT)])

    @pl.when(sid == NS - 1)
    def _():
        pltpu.sync_copy(zeros_hbm, acc.at[pl.ds(nbase, RPT_LAST)])

    plsc.subcore_barrier()

    def body(g, carry):
        base = g * K
        idx_cps = [pltpu.async_copy(row_hbm.at[wid, base + b],
                                    ridx.at[b], sem_i) for b in range(K)]
        for cp in idx_cps:
            cp.wait()
        g_cps = [pltpu.async_copy(y_hbm.at[ridx.at[0]], rows.at[0], sem_g)]
        s_cps = []
        for b in range(K):
            if b + 1 < K:
                if b >= 1:
                    s_cps[b - 1].wait()
                g_cps.append(pltpu.async_copy(
                    y_hbm.at[ridx.at[b + 1]], rows.at[(b + 1) % 2], sem_g))
            g_cps[b].wait()
            s_cps.append(pltpu.async_copy(
                rows.at[b % 2], acc.at[cidx.at[base + b]], sem_s, add=True))
        s_cps[K - 2].wait()
        s_cps[K - 1].wait()
        return carry

    lax.fori_loop(0, GROUPS, body, 0)
    plsc.subcore_barrier()

    @pl.when(sid < NS - 1)
    def _():
        pltpu.sync_copy(acc.at[pl.ds(nbase, RPT)],
                        out_hbm.at[cid, pl.ds(nbase, RPT)])

    @pl.when(sid == NS - 1)
    def _():
        pltpu.sync_copy(acc.at[pl.ds(nbase, RPT_LAST)],
                        out_hbm.at[cid, pl.ds(nbase, RPT_LAST)])


def _dis(deg_ref):
    deg = deg_ref[0, :, :1] + deg_ref[1, :, :1] + 1.0
    return lax.rsqrt(deg)


def _mm1_body(deg_ref, x_ref, w_ref, y_ref, dis_ref):
    dis = _dis(deg_ref)
    dis_ref[...] = jnp.broadcast_to(dis, (RB, D))
    y_ref[...] = jnp.dot(x_ref[...], w_ref[...],
                         preferred_element_type=jnp.float32) * dis


def _mid_body(dis_ref, s_ref, y1_ref, b1_ref, w2_ref, y2_ref):
    dis = dis_ref[...]
    h = dis * (s_ref[0] + s_ref[1] + y1_ref[...]) + b1_ref[...]
    h = jnp.maximum(h, 0.0)
    y2_ref[...] = jnp.dot(h, w2_ref[...],
                          preferred_element_type=jnp.float32) * dis


def _fin_body(dis_ref, s_ref, y2_ref, b2_ref, o_ref):
    o_ref[...] = dis_ref[...] * (s_ref[0] + s_ref[1] + y2_ref[...]) + b2_ref[...]


def _deg_spec():
    return pl.BlockSpec((NC, RB, DEGW), lambda i: (0, i, 0))


def _row_spec():
    return pl.BlockSpec((RB, D), lambda i: (i, 0))


def _s_spec():
    return pl.BlockSpec((NC, RB, D), lambda i: (0, i, 0))


def _w_spec():
    return pl.BlockSpec((D, D), lambda i: (0, 0))


def _b_spec():
    return pl.BlockSpec((1, D), lambda i: (0, 0))


_out_rb = jax.ShapeDtypeStruct((N, D), jnp.float32)

_mm1 = pl.pallas_call(
    _mm1_body, grid=(GRID,),
    in_specs=[_deg_spec(), _row_spec(), _w_spec()],
    out_specs=[_row_spec(), _row_spec()], out_shape=[_out_rb, _out_rb])

_mid = pl.pallas_call(
    _mid_body, grid=(GRID,),
    in_specs=[_row_spec(), _s_spec(), _row_spec(), _b_spec(), _w_spec()],
    out_specs=_row_spec(), out_shape=_out_rb)

_fin = pl.pallas_call(
    _fin_body, grid=(GRID,),
    in_specs=[_row_spec(), _s_spec(), _row_spec(), _b_spec()],
    out_specs=_row_spec(), out_shape=_out_rb)


def kernel(x, edge_index, W1, b1, W2, b2):
    row = edge_index[0].astype(jnp.int32).reshape(NW, CHUNKS, C)
    col = edge_index[1].astype(jnp.int32).reshape(NW, CHUNKS, C)
    ones_deg = jnp.ones((C, DEGW), jnp.float32)
    zeros_deg = jnp.zeros((RPT_LAST, DEGW), jnp.float32)
    zeros_blk = jnp.zeros((RPT_LAST, D), jnp.float32)
    b1r = b1.reshape(1, D)
    b2r = b2.reshape(1, D)

    deg_parts = _deg_pass(col, ones_deg, zeros_deg)
    y1, dis_b = _mm1(deg_parts, x, W1)
    s1 = _edge_pass(y1, row, col, zeros_blk)
    y2 = _mid(dis_b, s1, y1, b1r, W2)
    s2 = _edge_pass(y2, row, col, zeros_blk)
    return _fin(dis_b, s2, y2, b2r)

# --- scband reference (transcript-rebuilt; emitter-appended) ---
"""Pipeline reference for scband-gcn-1-hidden-model-70145405878898 (READ-ONLY COPY).

The authoritative reference and input builder live on the scoring server;
editing this copy changes nothing except your own understanding.
"""

import jax, jax.numpy as jnp
import numpy as np

N_NODES = 10000
N_EDGES = 320000
IN_DIM = 128
HID_DIM = 128
OUT_DIM = 128


def setup_inputs(seed: int = 0) -> dict:
    key = jax.random.key(seed)
    k1, k2, k3, k4, k5, k6 = jax.random.split(key, 6)
    x = jax.random.normal(k1, (N_NODES, IN_DIM), dtype=jnp.float32)
    edge_index = jax.random.randint(k2, (2, N_EDGES), 0, N_NODES, dtype=jnp.int64)
    # Glorot-style init like PyG GCNConv
    W1 = jax.random.normal(k3, (IN_DIM, HID_DIM), dtype=jnp.float32) * (1.0 / np.sqrt(IN_DIM))
    b1 = jnp.zeros((HID_DIM,), dtype=jnp.float32)
    W2 = jax.random.normal(k4, (HID_DIM, OUT_DIM), dtype=jnp.float32) * (1.0 / np.sqrt(HID_DIM))
    b2 = jnp.zeros((OUT_DIM,), dtype=jnp.float32)
    return {"x": x, "edge_index": edge_index, "W1": W1, "b1": b1, "W2": W2, "b2": b2}


def _gcn_conv(x, edge_index, W, b):
    # Faithful PyG GCNConv: add self-loops, symmetric normalization, sum aggregation.
    N = x.shape[0]
    loop = jnp.arange(N, dtype=edge_index.dtype)
    row = jnp.concatenate([edge_index[0], loop])  # source nodes
    col = jnp.concatenate([edge_index[1], loop])  # destination nodes
    x = x @ W
    deg = jax.ops.segment_sum(jnp.ones_like(col, dtype=x.dtype), col, num_segments=N)
    deg_inv_sqrt = jnp.where(deg > 0, deg ** -0.5, 0.0)
    norm = deg_inv_sqrt[row] * deg_inv_sqrt[col]
    msgs = x[row] * norm[:, None]
    out = jax.ops.segment_sum(msgs, col, num_segments=N)
    return out + b


def reference(x, edge_index, W1, b1, W2, b2):
    # eval mode: dropout(p=0.5, training=False) is identity
    h = _gcn_conv(x, edge_index, W1, b1)
    h = jax.nn.relu(h)
    out = _gcn_conv(h, edge_index, W2, b2)
    return out

if __name__ == "__main__":
    import jax
    _d = setup_inputs()
    print(jax.jit(kernel)(*tuple(_d.values())))

</pallas_src>

<mosaic_0001>
#map = affine_map<(d0, d1) -> (0, 0, 0)>
#map1 = affine_map<(d0, d1) -> (0, 0)>
module attributes {stable_mosaic.version = 14 : i64} {
  func.func @_deg_pass(%arg0: i32, %arg1: i32, %arg2: memref<32x125x80xi32, #tpu.memory_space<hbm>>, %arg3: memref<80x128xf32, #tpu.memory_space<hbm>>, %arg4: memref<640x128xf32, #tpu.memory_space<hbm>>, %arg5: memref<2x10000x128xf32, #tpu.memory_space<hbm>>, %arg6: memref<125x80xi32, #tpu.memory_space<vmem>>, %arg7: memref<80x128xf32, #tpu.memory_space<vmem>>, %arg8: memref<10000x128xf32, #tpu.memory_space<vmem_shared>>, %arg9: memref<!tpu.dma_semaphore, #tpu.memory_space<semaphore_mem>>) attributes {dimension_semantics = [#tpu.dimension_semantics<core_parallel>, #tpu.dimension_semantics<subcore_parallel>], iteration_bounds = array<i64: 2, 16>, scalar_prefetch = 0 : i64, scratch_operands = 4 : i64, tpu.core_type = #tpu.core_type<sc_vector_subcore>, window_params = [{transform_indices = #map}, {transform_indices = #map1}, {transform_indices = #map1}, {transform_indices = #map}]} {
    %mul3A = arith.constant 2 : i32
    %mul3A_0 = arith.muli %arg1, %mul3A : i32
    %add3A = arith.addi %mul3A_0, %arg0 : i32
    "tpu.region"() ({
      %run_scoped3A = tpu.sem_alloc : memref<!tpu.dma_semaphore, #tpu.memory_space<semaphore_mem>>
      tpu.enqueue_dma source(%arg3 : memref<80x128xf32, #tpu.memory_space<hbm>>) target(%arg7 : memref<80x128xf32, #tpu.memory_space<vmem>>) target_semaphore(%run_scoped3A : memref<!tpu.dma_semaphore, #tpu.memory_space<semaphore_mem>>)
      tpu.wait_dma2 semaphore(%run_scoped3A : memref<!tpu.dma_semaphore, #tpu.memory_space<semaphore_mem>>) src(%arg3 : memref<80x128xf32, #tpu.memory_space<hbm>>) dst(%arg7 : memref<80x128xf32, #tpu.memory_space<vmem>>)
      tpu.yield
    }) : () -> ()
    "tpu.region"() ({
      %run_scoped3A = tpu.sem_alloc : memref<!tpu.dma_semaphore, #tpu.memory_space<semaphore_mem>>
      %dma_start3A = arith.constant 0 : i32
      %dma_start3A_25 = arith.constant 0 : i32
      %dma_start3A_26 = tpu.memref_slice %arg2[%add3A, %dma_start3A, %dma_start3A_25] : memref<32x125x80xi32, #tpu.memory_space<hbm>> -> memref<1x125x80xi32, #tpu.memory_space<hbm>>
      %dma_start3A_27 = tpu.memref_squeeze %dma_start3A_26 : memref<1x125x80xi32, #tpu.memory_space<hbm>> -> memref<125x80xi32, #tpu.memory_space<hbm>>
      %dma_start3A_28 = arith.constant 0 : i32
      %dma_start3A_29 = arith.constant 0 : i32
      %dma_start3A_30 = tpu.memref_slice %arg2[%add3A, %dma_start3A_28, %dma_start3A_29] : memref<32x125x80xi32, #tpu.memory_space<hbm>> -> memref<1x125x80xi32, #tpu.memory_space<hbm>>
      %dma_start3A_31 = tpu.memref_squeeze %dma_start3A_30 : memref<1x125x80xi32, #tpu.memory_space<hbm>> -> memref<125x80xi32, #tpu.memory_space<hbm>>
      tpu.enqueue_dma source(%dma_start3A_31 : memref<125x80xi32, #tpu.memory_space<hbm>>) target(%arg6 : memref<125x80xi32, #tpu.memory_space<vmem>>) target_semaphore(%run_scoped3A : memref<!tpu.dma_semaphore, #tpu.memory_space<semaphore_mem>>)
      %dma_wait3A = arith.constant 0 : i32
      %dma_wait3A_32 = arith.constant 0 : i32
      %dma_wait3A_33 = tpu.memref_slice %arg2[%add3A, %dma_wait3A, %dma_wait3A_32] : memref<32x125x80xi32, #tpu.memory_space<hbm>> -> memref<1x125x80xi32, #tpu.memory_space<hbm>>
      %dma_wait3A_34 = tpu.memref_squeeze %dma_wait3A_33 : memref<1x125x80xi32, #tpu.memory_space<hbm>> -> memref<125x80xi32, #tpu.memory_space<hbm>>
      %dma_wait3A_35 = arith.constant 0 : i32
      %dma_wait3A_36 = arith.constant 0 : i32
      %dma_wait3A_37 = tpu.memref_slice %arg2[%add3A, %dma_wait3A_35, %dma_wait3A_36] : memref<32x125x80xi32, #tpu.memory_space<hbm>> -> memref<1x125x80xi32, #tpu.memory_space<hbm>>
      %dma_wait3A_38 = tpu.memref_squeeze %dma_wait3A_37 : memref<1x125x80xi32, #tpu.memory_space<hbm>> -> memref<125x80xi32, #tpu.memory_space<hbm>>
      tpu.wait_dma2 semaphore(%run_scoped3A : memref<!tpu.dma_semaphore, #tpu.memory_space<semaphore_mem>>) src(%dma_wait3A_38 : memref<125x80xi32, #tpu.memory_space<hbm>>) dst(%arg6 : memref<125x80xi32, #tpu.memory_space<vmem>>)
      tpu.yield
    }) : () -> ()
    %mul3A_1 = arith.constant 624 : i32
    %mul3A_2 = arith.muli %arg1, %mul3A_1 : i32
    %lt3A = arith.constant 15 : i32
    %lt3A_3 = arith.cmpi slt, %arg1, %lt3A : i32
    %convert_element_type3A = arith.extui %lt3A_3 : i1 to i32
    %cond3A = arith.constant 0 : i32
    %cond3A_4 = arith.cmpi ne, %convert_element_type3A, %cond3A : i32
    scf.if %cond3A_4 {
      "tpu.region"() ({
        %run_scoped3A = tpu.sem_alloc : memref<!tpu.dma_semaphore, #tpu.memory_space<semaphore_mem>>
        %dma_start3A = arith.constant 0 : i32
        %dma_start3A_25 = tpu.memref_slice %arg8[%mul3A_2, %dma_start3A] : memref<10000x128xf32, #tpu.memory_space<vmem_shared>> -> memref<624x128xf32, #tpu.memory_space<vmem_shared>>
        %dma_start3A_26 = arith.constant 0 : i32
        %dma_start3A_27 = arith.constant 0 : i32
        %dma_start3A_28 = tpu.memref_slice %arg4[%dma_start3A_26, %dma_start3A_27] : memref<640x128xf32, #tpu.memory_space<hbm>> -> memref<624x128xf32, #tpu.memory_space<hbm>>
        tpu.enqueue_dma source(%dma_start3A_28 : memref<624x128xf32, #tpu.memory_space<hbm>>) target(%dma_start3A_25 : memref<624x128xf32, #tpu.memory_space<vmem_shared>>) target_semaphore(%run_scoped3A : memref<!tpu.dma_semaphore, #tpu.memory_space<semaphore_mem>>)
        %dma_wait3A = arith.constant 0 : i32
        %dma_wait3A_29 = tpu.memref_slice %arg8[%mul3A_2, %dma_wait3A] : memref<10000x128xf32, #tpu.memory_space<vmem_shared>> -> memref<624x128xf32, #tpu.memory_space<vmem_shared>>
        %dma_wait3A_30 = arith.constant 0 : i32
        %dma_wait3A_31 = arith.constant 0 : i32
        %dma_wait3A_32 = tpu.memref_slice %arg4[%dma_wait3A_30, %dma_wait3A_31] : memref<640x128xf32, #tpu.memory_space<hbm>> -> memref<624x128xf32, #tpu.memory_space<hbm>>
        tpu.wait_dma2 semaphore(%run_scoped3A : memref<!tpu.dma_semaphore, #tpu.memory_space<semaphore_mem>>) src(%dma_wait3A_32 : memref<624x128xf32, #tpu.memory_space<hbm>>) dst(%dma_wait3A_29 : memref<624x128xf32, #tpu.memory_space<vmem_shared>>)
        tpu.yield
      }) : () -> ()
    } else {
    }
    %eq3A = arith.constant 15 : i32
    %eq3A_5 = arith.cmpi eq, %arg1, %eq3A : i32
    %convert_element_type3A_6 = arith.extui %eq3A_5 : i1 to i32
    %cond3A_7 = arith.constant 0 : i32
    %cond3A_8 = arith.cmpi ne, %convert_element_type3A_6, %cond3A_7 : i32
    scf.if %cond3A_8 {
      "tpu.region"() ({
        %run_scoped3A = tpu.sem_alloc : memref<!tpu.dma_semaphore, #tpu.memory_space<semaphore_mem>>
        %dma_start3A = arith.constant 0 : i32
        %dma_start3A_25 = tpu.memref_slice %arg8[%mul3A_2, %dma_start3A] : memref<10000x128xf32, #tpu.memory_space<vmem_shared>> -> memref<640x128xf32, #tpu.memory_space<vmem_shared>>
        tpu.enqueue_dma source(%arg4 : memref<640x128xf32, #tpu.memory_space<hbm>>) target(%dma_start3A_25 : memref<640x128xf32, #tpu.memory_space<vmem_shared>>) target_semaphore(%run_scoped3A : memref<!tpu.dma_semaphore, #tpu.memory_space<semaphore_mem>>)
        %dma_wait3A = arith.constant 0 : i32
        %dma_wait3A_26 = tpu.memref_slice %arg8[%mul3A_2, %dma_wait3A] : memref<10000x128xf32, #tpu.memory_space<vmem_shared>> -> memref<640x128xf32, #tpu.memory_space<vmem_shared>>
        tpu.wait_dma2 semaphore(%run_scoped3A : memref<!tpu.dma_semaphore, #tpu.memory_space<semaphore_mem>>) src(%arg4 : memref<640x128xf32, #tpu.memory_space<hbm>>) dst(%dma_wait3A_26 : memref<640x128xf32, #tpu.memory_space<vmem_shared>>)
        tpu.yield
      }) : () -> ()
    } else {
    }
    %barrier3A = arith.constant 0 : index
    tpu.barrier barrier_id(%barrier3A)
    %scan3A = arith.constant 0 : i32
    %scan3A_9 = arith.constant 0 : i32
    %scan3A_10 = arith.constant 25 : i32
    %scan3A_11 = arith.addi %scan3A_9, %scan3A_10 : i32
    %scan3A_12 = arith.constant 1 : i32
    scf.for %scan3A_25 = %scan3A_9 to %scan3A_11 step %scan3A_12  : i32 {
      %mul3A_26 = arith.constant 5 : i32
      %mul3A_27 = arith.muli %scan3A_25, %mul3A_26 : i32
      %add3A_28 = arith.constant 0 : i32
      %add3A_29 = arith.addi %mul3A_27, %add3A_28 : i32
      %dma_start3A = arith.constant 0 : i32
      %dma_start3A_30 = tpu.memref_slice %arg6[%add3A_29, %dma_start3A] : memref<125x80xi32, #tpu.memory_space<vmem>> -> memref<1x80xi32, #tpu.memory_space<vmem>>
      %dma_start3A_31 = tpu.memref_squeeze %dma_start3A_30 : memref<1x80xi32, #tpu.memory_space<vmem>> -> memref<80xi32, #tpu.memory_space<vmem>>
      %dma_start3A_32 = arith.constant 0 : i32
      %dma_start3A_33 = arith.constant 0 : i32
      %dma_start3A_34 = tpu.memref_slice %arg8[%dma_start3A_32, %dma_start3A_33] : memref<10000x128xf32, #tpu.memory_space<vmem_shared>> -> memref<10000x128xf32, #tpu.memory_space<vmem_shared>>
      tpu.enqueue_indirect_dma source(%arg7 : memref<80x128xf32, #tpu.memory_space<vmem>>) target(%dma_start3A_34 : memref<10000x128xf32, #tpu.memory_space<vmem_shared>>) offsets(%dma_start3A_31 : memref<80xi32, #tpu.memory_space<vmem>>) semaphore(%arg9 : memref<!tpu.dma_semaphore, #tpu.memory_space<semaphore_mem>>) {add = true}
      %add3A_35 = arith.constant 1 : i32
      %add3A_36 = arith.addi %mul3A_27, %add3A_35 : i32
      %dma_start3A_37 = arith.constant 0 : i32
      %dma_start3A_38 = tpu.memref_slice %arg6[%add3A_36, %dma_start3A_37] : memref<125x80xi32, #tpu.memory_space<vmem>> -> memref<1x80xi32, #tpu.memory_space<vmem>>
      %dma_start3A_39 = tpu.memref_squeeze %dma_start3A_38 : memref<1x80xi32, #tpu.memory_space<vmem>> -> memref<80xi32, #tpu.memory_space<vmem>>
      %dma_start3A_40 = arith.constant 0 : i32
      %dma_start3A_41 = arith.constant 0 : i32
      %dma_start3A_42 = tpu.memref_slice %arg8[%dma_start3A_40, %dma_start3A_41] : memref<10000x128xf32, #tpu.memory_space<vmem_shared>> -> memref<10000x128xf32, #tpu.memory_space<vmem_shared>>
      tpu.enqueue_indirect_dma source(%arg7 : memref<80x128xf32, #tpu.memory_space<vmem>>) target(%dma_start3A_42 : memref<10000x128xf32, #tpu.memory_space<vmem_shared>>) offsets(%dma_start3A_39 : memref<80xi32, #tpu.memory_space<vmem>>) semaphore(%arg9 : memref<!tpu.dma_semaphore, #tpu.memory_space<semaphore_mem>>) {add = true}
      %add3A_43 = arith.constant 2 : i32
      %add3A_44 = arith.addi %mul3A_27, %add3A_43 : i32
      %dma_start3A_45 = arith.constant 0 : i32
      %dma_start3A_46 = tpu.memref_slice %arg6[%add3A_44, %dma_start3A_45] : memref<125x80xi32, #tpu.memory_space<vmem>> -> memref<1x80xi32, #tpu.memory_space<vmem>>
      %dma_start3A_47 = tpu.memref_squeeze %dma_start3A_46 : memref<1x80xi32, #tpu.memory_space<vmem>> -> memref<80xi32, #tpu.memory_space<vmem>>
      %dma_start3A_48 = arith.constant 0 : i32
      %dma_start3A_49 = arith.constant 0 : i32
      %dma_start3A_50 = tpu.memref_slice %arg8[%dma_start3A_48, %dma_start3A_49] : memref<10000x128xf32, #tpu.memory_space<vmem_shared>> -> memref<10000x128xf32, #tpu.memory_space<vmem_shared>>
      tpu.enqueue_indirect_dma source(%arg7 : memref<80x128xf32, #tpu.memory_space<vmem>>) target(%dma_start3A_50 : memref<10000x128xf32, #tpu.memory_space<vmem_shared>>) offsets(%dma_start3A_47 : memref<80xi32, #tpu.memory_space<vmem>>) semaphore(%arg9 : memref<!tpu.dma_semaphore, #tpu.memory_space<semaphore_mem>>) {add = true}
      %add3A_51 = arith.constant 3 : i32
      %add3A_52 = arith.addi %mul3A_27, %add3A_51 : i32
      %dma_start3A_53 = arith.constant 0 : i32
      %dma_start3A_54 = tpu.memref_slice %arg6[%add3A_52, %dma_start3A_53] : memref<125x80xi32, #tpu.memory_space<vmem>> -> memref<1x80xi32, #tpu.memory_space<vmem>>
      %dma_start3A_55 = tpu.memref_squeeze %dma_start3A_54 : memref<1x80xi32, #tpu.memory_space<vmem>> -> memref<80xi32, #tpu.memory_space<vmem>>
      %dma_start3A_56 = arith.constant 0 : i32
      %dma_start3A_57 = arith.constant 0 : i32
      %dma_start3A_58 = tpu.memref_slice %arg8[%dma_start3A_56, %dma_start3A_57] : memref<10000x128xf32, #tpu.memory_space<vmem_shared>> -> memref<10000x128xf32, #tpu.memory_space<vmem_shared>>
      tpu.enqueue_indirect_dma source(%arg7 : memref<80x128xf32, #tpu.memory_space<vmem>>) target(%dma_start3A_58 : memref<10000x128xf32, #tpu.memory_space<vmem_shared>>) offsets(%dma_start3A_55 : memref<80xi32, #tpu.memory_space<vmem>>) semaphore(%arg9 : memref<!tpu.dma_semaphore, #tpu.memory_space<semaphore_mem>>) {add = true}
      %add3A_59 = arith.constant 4 : i32
      %add3A_60 = arith.addi %mul3A_27, %add3A_59 : i32
      %dma_start3A_61 = arith.constant 0 : i32
      %dma_start3A_62 = tpu.memref_slice %arg6[%add3A_60, %dma_start3A_61] : memref<125x80xi32, #tpu.memory_space<vmem>> -> memref<1x80xi32, #tpu.memory_space<vmem>>
      %dma_start3A_63 = tpu.memref_squeeze %dma_start3A_62 : memref<1x80xi32, #tpu.memory_space<vmem>> -> memref<80xi32, #tpu.memory_space<vmem>>
      %dma_start3A_64 = arith.constant 0 : i32
      %dma_start3A_65 = arith.constant 0 : i32
      %dma_start3A_66 = tpu.memref_slice %arg8[%dma_start3A_64, %dma_start3A_65] : memref<10000x128xf32, #tpu.memory_space<vmem_shared>> -> memref<10000x128xf32, #tpu.memory_space<vmem_shared>>
      tpu.enqueue_indirect_dma source(%arg7 : memref<80x128xf32, #tpu.memory_space<vmem>>) target(%dma_start3A_66 : memref<10000x128xf32, #tpu.memory_space<vmem_shared>>) offsets(%dma_start3A_63 : memref<80xi32, #tpu.memory_space<vmem>>) semaphore(%arg9 : memref<!tpu.dma_semaphore, #tpu.memory_space<semaphore_mem>>) {add = true}
      %dma_wait3A = arith.constant 0 : i32
      %dma_wait3A_67 = tpu.memref_slice %arg6[%add3A_29, %dma_wait3A] : memref<125x80xi32, #tpu.memory_space<vmem>> -> memref<1x80xi32, #tpu.memory_space<vmem>>
      %dma_wait3A_68 = tpu.memref_squeeze %dma_wait3A_67 : memref<1x80xi32, #tpu.memory_space<vmem>> -> memref<80xi32, #tpu.memory_space<vmem>>
      %dma_wait3A_69 = arith.constant 0 : i32
      %dma_wait3A_70 = arith.constant 0 : i32
      %dma_wait3A_71 = tpu.memref_slice %arg8[%dma_wait3A_69, %dma_wait3A_70] : memref<10000x128xf32, #tpu.memory_space<vmem_shared>> -> memref<10000x128xf32, #tpu.memory_space<vmem_shared>>
      tpu.wait_indirect_dma semaphore(%arg9 : memref<!tpu.dma_semaphore, #tpu.memory_space<semaphore_mem>>) src(%arg7 : memref<80x128xf32, #tpu.memory_space<vmem>>) dst(%dma_wait3A_71 : memref<10000x128xf32, #tpu.memory_space<vmem_shared>>)
      %dma_wait3A_72 = arith.constant 0 : i32
      %dma_wait3A_73 = tpu.memref_slice %arg6[%add3A_36, %dma_wait3A_72] : memref<125x80xi32, #tpu.memory_space<vmem>> -> memref<1x80xi32, #tpu.memory_space<vmem>>
      %dma_wait3A_74 = tpu.memref_squeeze %dma_wait3A_73 : memref<1x80xi32, #tpu.memory_space<vmem>> -> memref<80xi32, #tpu.memory_space<vmem>>
      %dma_wait3A_75 = arith.constant 0 : i32
      %dma_wait3A_76 = arith.constant 0 : i32
      %dma_wait3A_77 = tpu.memref_slice %arg8[%dma_wait3A_75, %dma_wait3A_76] : memref<10000x128xf32, #tpu.memory_space<vmem_shared>> -> memref<10000x128xf32, #tpu.memory_space<vmem_shared>>
      tpu.wait_indirect_dma semaphore(%arg9 : memref<!tpu.dma_semaphore, #tpu.memory_space<semaphore_mem>>) src(%arg7 : memref<80x128xf32, #tpu.memory_space<vmem>>) dst(%dma_wait3A_77 : memref<10000x128xf32, #tpu.memory_space<vmem_shared>>)
      %dma_wait3A_78 = arith.constant 0 : i32
      %dma_wait3A_79 = tpu.memref_slice %arg6[%add3A_44, %dma_wait3A_78] : memref<125x80xi32, #tpu.memory_space<vmem>> -> memref<1x80xi32, #tpu.memory_space<vmem>>
      %dma_wait3A_80 = tpu.memref_squeeze %dma_wait3A_79 : memref<1x80xi32, #tpu.memory_space<vmem>> -> memref<80xi32, #tpu.memory_space<vmem>>
      %dma_wait3A_81 = arith.constant 0 : i32
      %dma_wait3A_82 = arith.constant 0 : i32
      %dma_wait3A_83 = tpu.memref_slice %arg8[%dma_wait3A_81, %dma_wait3A_82] : memref<10000x128xf32, #tpu.memory_space<vmem_shared>> -> memref<10000x128xf32, #tpu.memory_space<vmem_shared>>
      tpu.wait_indirect_dma semaphore(%arg9 : memref<!tpu.dma_semaphore, #tpu.memory_space<semaphore_mem>>) src(%arg7 : memref<80x128xf32, #tpu.memory_space<vmem>>) dst(%dma_wait3A_83 : memref<10000x128xf32, #tpu.memory_space<vmem_shared>>)
      %dma_wait3A_84 = arith.constant 0 : i32
      %dma_wait3A_85 = tpu.memref_slice %arg6[%add3A_52, %dma_wait3A_84] : memref<125x80xi32, #tpu.memory_space<vmem>> -> memref<1x80xi32, #tpu.memory_space<vmem>>
      %dma_wait3A_86 = tpu.memref_squeeze %dma_wait3A_85 : memref<1x80xi32, #tpu.memory_space<vmem>> -> memref<80xi32, #tpu.memory_space<vmem>>
      %dma_wait3A_87 = arith.constant 0 : i32
      %dma_wait3A_88 = arith.constant 0 : i32
      %dma_wait3A_89 = tpu.memref_slice %arg8[%dma_wait3A_87, %dma_wait3A_88] : memref<10000x128xf32, #tpu.memory_space<vmem_shared>> -> memref<10000x128xf32, #tpu.memory_space<vmem_shared>>
      tpu.wait_indirect_dma semaphore(%arg9 : memref<!tpu.dma_semaphore, #tpu.memory_space<semaphore_mem>>) src(%arg7 : memref<80x128xf32, #tpu.memory_space<vmem>>) dst(%dma_wait3A_89 : memref<10000x128xf32, #tpu.memory_space<vmem_shared>>)
      %dma_wait3A_90 = arith.constant 0 : i32
      %dma_wait3A_91 = tpu.memref_slice %arg6[%add3A_60, %dma_wait3A_90] : memref<125x80xi32, #tpu.memory_space<vmem>> -> memref<1x80xi32, #tpu.memory_space<vmem>>
      %dma_wait3A_92 = tpu.memref_squeeze %dma_wait3A_91 : memref<1x80xi32, #tpu.memory_space<vmem>> -> memref<80xi32, #tpu.memory_space<vmem>>
      %dma_wait3A_93 = arith.constant 0 : i32
      %dma_wait3A_94 = arith.constant 0 : i32
      %dma_wait3A_95 = tpu.memref_slice %arg8[%dma_wait3A_93, %dma_wait3A_94] : memref<10000x128xf32, #tpu.memory_space<vmem_shared>> -> memref<10000x128xf32, #tpu.memory_space<vmem_shared>>
      tpu.wait_indirect_dma semaphore(%arg9 : memref<!tpu.dma_semaphore, #tpu.memory_space<semaphore_mem>>) src(%arg7 : memref<80x128xf32, #tpu.memory_space<vmem>>) dst(%dma_wait3A_95 : memref<10000x128xf32, #tpu.memory_space<vmem_shared>>)
    }
    %scan3A_13 = arith.constant 25 : i32
    %barrier3A_14 = arith.constant 0 : index
    tpu.barrier barrier_id(%barrier3A_14)
    %lt3A_15 = arith.constant 15 : i32
    %lt3A_16 = arith.cmpi slt, %arg1, %lt3A_15 : i32
    %convert_element_type3A_17 = arith.extui %lt3A_16 : i1 to i32
    %cond3A_18 = arith.constant 0 : i32
    %cond3A_19 = arith.cmpi ne, %convert_element_type3A_17, %cond3A_18 : i32
    scf.if %cond3A_19 {
      "tpu.region"() ({
        %run_scoped3A = tpu.sem_alloc : memref<!tpu.dma_semaphore, #tpu.memory_space<semaphore_mem>>
        %dma_start3A = arith.constant 0 : i32
        %dma_start3A_25 = tpu.memref_slice %arg5[%arg0, %mul3A_2, %dma_start3A] : memref<2x10000x128xf32, #tpu.memory_space<hbm>> -> memref<1x624x128xf32, #tpu.memory_space<hbm>>
        %dma_start3A_26 = tpu.memref_squeeze %dma_start3A_25 : memref<1x624x128xf32, #tpu.memory_space<hbm>> -> memref<624x128xf32, #tpu.memory_space<hbm>>
        %dma_start3A_27 = arith.constant 0 : i32
        %dma_start3A_28 = tpu.memref_slice %arg8[%mul3A_2, %dma_start3A_27] : memref<10000x128xf32, #tpu.memory_space<vmem_shared>> -> memref<624x128xf32, #tpu.memory_space<vmem_shared>>
        tpu.enqueue_dma source(%dma_start3A_28 : memref<624x128xf32, #tpu.memory_space<vmem_shared>>) target(%dma_start3A_26 : memref<624x128xf32, #tpu.memory_space<hbm>>) target_semaphore(%run_scoped3A : memref<!tpu.dma_semaphore, #tpu.memory_space<semaphore_mem>>)
        %dma_wait3A = arith.constant 0 : i32
        %dma_wait3A_29 = tpu.memref_slice %arg5[%arg0, %mul3A_2, %dma_wait3A] : memref<2x10000x128xf32, #tpu.memory_space<hbm>> -> memref<1x624x128xf32, #tpu.memory_space<hbm>>
        %dma_wait3A_30 = tpu.memref_squeeze %dma_wait3A_29 : memref<1x624x128xf32, #tpu.memory_space<hbm>> -> memref<624x128xf32, #tpu.memory_space<hbm>>
        %dma_wait3A_31 = arith.constant 0 : i32
        %dma_wait3A_32 = tpu.memref_slice %arg8[%mul3A_2, %dma_wait3A_31] : memref<10000x128xf32, #tpu.memory_space<vmem_shared>> -> memref<624x128xf32, #tpu.memory_space<vmem_shared>>
        tpu.wait_dma2 semaphore(%run_scoped3A : memref<!tpu.dma_semaphore, #tpu.memory_space<semaphore_mem>>) src(%dma_wait3A_32 : memref<624x128xf32, #tpu.memory_space<vmem_shared>>) dst(%dma_wait3A_30 : memref<624x128xf32, #tpu.memory_space<hbm>>)
        tpu.yield
      }) : () -> ()
    } else {
    }
    %eq3A_20 = arith.constant 15 : i32
    %eq3A_21 = arith.cmpi eq, %arg1, %eq3A_20 : i32
    %convert_element_type3A_22 = arith.extui %eq3A_21 : i1 to i32
    %cond3A_23 = arith.constant 0 : i32
    %cond3A_24 = arith.cmpi ne, %convert_element_type3A_22, %cond3A_23 : i32
    scf.if %cond3A_24 {
      "tpu.region"() ({
        %run_scoped3A = tpu.sem_alloc : memref<!tpu.dma_semaphore, #tpu.memory_space<semaphore_mem>>
        %dma_start3A = arith.constant 0 : i32
        %dma_start3A_25 = tpu.memref_slice %arg5[%arg0, %mul3A_2, %dma_start3A] : memref<2x10000x128xf32, #tpu.memory_space<hbm>> -> memref<1x640x128xf32, #tpu.memory_space<hbm>>
        %dma_start3A_26 = tpu.memref_squeeze %dma_start3A_25 : memref<1x640x128xf32, #tpu.memory_space<hbm>> -> memref<640x128xf32, #tpu.memory_space<hbm>>
        %dma_start3A_27 = arith.constant 0 : i32
        %dma_start3A_28 = tpu.memref_slice %arg8[%mul3A_2, %dma_start3A_27] : memref<10000x128xf32, #tpu.memory_space<vmem_shared>> -> memref<640x128xf32, #tpu.memory_space<vmem_shared>>
        tpu.enqueue_dma source(%dma_start3A_28 : memref<640x128xf32, #tpu.memory_space<vmem_shared>>) target(%dma_start3A_26 : memref<640x128xf32, #tpu.memory_space<hbm>>) target_semaphore(%run_scoped3A : memref<!tpu.dma_semaphore, #tpu.memory_space<semaphore_mem>>)
        %dma_wait3A = arith.constant 0 : i32
        %dma_wait3A_29 = tpu.memref_slice %arg5[%arg0, %mul3A_2, %dma_wait3A] : memref<2x10000x128xf32, #tpu.memory_space<hbm>> -> memref<1x640x128xf32, #tpu.memory_space<hbm>>
        %dma_wait3A_30 = tpu.memref_squeeze %dma_wait3A_29 : memref<1x640x128xf32, #tpu.memory_space<hbm>> -> memref<640x128xf32, #tpu.memory_space<hbm>>
        %dma_wait3A_31 = arith.constant 0 : i32
        %dma_wait3A_32 = tpu.memref_slice %arg8[%mul3A_2, %dma_wait3A_31] : memref<10000x128xf32, #tpu.memory_space<vmem_shared>> -> memref<640x128xf32, #tpu.memory_space<vmem_shared>>
        tpu.wait_dma2 semaphore(%run_scoped3A : memref<!tpu.dma_semaphore, #tpu.memory_space<semaphore_mem>>) src(%dma_wait3A_32 : memref<640x128xf32, #tpu.memory_space<vmem_shared>>) dst(%dma_wait3A_30 : memref<640x128xf32, #tpu.memory_space<hbm>>)
        tpu.yield
      }) : () -> ()
    } else {
    }
    return
  }
}

#map = affine_map<(d0, d1) -> (0, 0)>
#map1 = affine_map<(d0, d1) -> (0, 0, 0)>
module attributes {stable_mosaic.version = 14 : i64} {
  func.func @_edge_pass(%arg0: i32, %arg1: i32, %arg2: memref<10000x128xf32, #tpu.memory_space<hbm>>, %arg3: memref<32x125x80xi32, #tpu.memory_space<hbm>>, %arg4: memref<32x125x80xi32, #tpu.memory_space<hbm>>, %arg5: memref<640x128xf32, #tpu.memory_space<hbm>>, %arg6: memref<2x10000x128xf32, #tpu.memory_space<hbm>>, %arg7: memref<5x80xi32, #tpu.memory_space<vmem>>, %arg8: memref<125x80xi32, #tpu.memory_space<vmem>>, %arg9: memref<2x80x128xf32, #tpu.memory_space<vmem>>, %arg10: memref<10000x128xf32, #tpu.memory_space<vmem_shared>>, %arg11: memref<!tpu.dma_semaphore, #tpu.memory_space<semaphore_mem>>, %arg12: memref<!tpu.dma_semaphore, #tpu.memory_space<semaphore_mem>>, %arg13: memref<!tpu.dma_semaphore, #tpu.memory_space<semaphore_mem>>) attributes {dimension_semantics = [#tpu.dimension_semantics<core_parallel>, #tpu.dimension_semantics<subcore_parallel>], iteration_bounds = array<i64: 2, 16>, scalar_prefetch = 0 : i64, scratch_operands = 7 : i64, tpu.core_type = #tpu.core_type<sc_vector_subcore>, window_params = [{transform_indices = #map}, {transform_indices = #map1}, {transform_indices = #map1}, {transform_indices = #map}, {transform_indices = #map1}]} {
    %mul3A = arith.constant 2 : i32
    %mul3A_0 = arith.muli %arg1, %mul3A : i32
    %add3A = arith.addi %mul3A_0, %arg0 : i32
    "tpu.region"() ({
      %run_scoped3A = tpu.sem_alloc : memref<!tpu.dma_semaphore, #tpu.memory_space<semaphore_mem>>
      %dma_start3A = arith.constant 0 : i32
      %dma_start3A_25 = arith.constant 0 : i32
      %dma_start3A_26 = tpu.memref_slice %arg4[%add3A, %dma_start3A, %dma_start3A_25] : memref<32x125x80xi32, #tpu.memory_space<hbm>> -> memref<1x125x80xi32, #tpu.memory_space<hbm>>
      %dma_start3A_27 = tpu.memref_squeeze %dma_start3A_26 : memref<1x125x80xi32, #tpu.memory_space<hbm>> -> memref<125x80xi32, #tpu.memory_space<hbm>>
      %dma_start3A_28 = arith.constant 0 : i32
      %dma_start3A_29 = arith.constant 0 : i32
      %dma_start3A_30 = tpu.memref_slice %arg4[%add3A, %dma_start3A_28, %dma_start3A_29] : memref<32x125x80xi32, #tpu.memory_space<hbm>> -> memref<1x125x80xi32, #tpu.memory_space<hbm>>
      %dma_start3A_31 = tpu.memref_squeeze %dma_start3A_30 : memref<1x125x80xi32, #tpu.memory_space<hbm>> -> memref<125x80xi32, #tpu.memory_space<hbm>>
      tpu.enqueue_dma source(%dma_start3A_31 : memref<125x80xi32, #tpu.memory_space<hbm>>) target(%arg8 : memref<125x80xi32, #tpu.memory_space<vmem>>) target_semaphore(%run_scoped3A : memref<!tpu.dma_semaphore, #tpu.memory_space<semaphore_mem>>)
      %dma_wait3A = arith.constant 0 : i32
      %dma_wait3A_32 = arith.constant 0 : i32
      %dma_wait3A_33 = tpu.memref_slice %arg4[%add3A, %dma_wait3A, %dma_wait3A_32] : memref<32x125x80xi32, #tpu.memory_space<hbm>> -> memref<1x125x80xi32, #tpu.memory_space<hbm>>
      %dma_wait3A_34 = tpu.memref_squeeze %dma_wait3A_33 : memref<1x125x80xi32, #tpu.memory_space<hbm>> -> memref<125x80xi32, #tpu.memory_space<hbm>>
      %dma_wait3A_35 = arith.constant 0 : i32
      %dma_wait3A_36 = arith.constant 0 : i32
      %dma_wait3A_37 = tpu.memref_slice %arg4[%add3A, %dma_wait3A_35, %dma_wait3A_36] : memref<32x125x80xi32, #tpu.memory_space<hbm>> -> memref<1x125x80xi32, #tpu.memory_space<hbm>>
      %dma_wait3A_38 = tpu.memref_squeeze %dma_wait3A_37 : memref<1x125x80xi32, #tpu.memory_space<hbm>> -> memref<125x80xi32, #tpu.memory_space<hbm>>
      tpu.wait_dma2 semaphore(%run_scoped3A : memref<!tpu.dma_semaphore, #tpu.memory_space<semaphore_mem>>) src(%dma_wait3A_38 : memref<125x80xi32, #tpu.memory_space<hbm>>) dst(%arg8 : memref<125x80xi32, #tpu.memory_space<vmem>>)
      tpu.yield
    }) : () -> ()
    %mul3A_1 = arith.constant 624 : i32
    %mul3A_2 = arith.muli %arg1, %mul3A_1 : i32
    %lt3A = arith.constant 15 : i32
    %lt3A_3 = arith.cmpi slt, %arg1, %lt3A : i32
    %convert_element_type3A = arith.extui %lt3A_3 : i1 to i32
    %cond3A = arith.constant 0 : i32
    %cond3A_4 = arith.cmpi ne, %convert_element_type3A, %cond3A : i32
    scf.if %cond3A_4 {
      "tpu.region"() ({
        %run_scoped3A = tpu.sem_alloc : memref<!tpu.dma_semaphore, #tpu.memory_space<semaphore_mem>>
        %dma_start3A = arith.constant 0 : i32
        %dma_start3A_25 = tpu.memref_slice %arg10[%mul3A_2, %dma_start3A] : memref<10000x128xf32, #tpu.memory_space<vmem_shared>> -> memref<624x128xf32, #tpu.memory_space<vmem_shared>>
        %dma_start3A_26 = arith.constant 0 : i32
        %dma_start3A_27 = arith.constant 0 : i32
        %dma_start3A_28 = tpu.memref_slice %arg5[%dma_start3A_26, %dma_start3A_27] : memref<640x128xf32, #tpu.memory_space<hbm>> -> memref<624x128xf32, #tpu.memory_space<hbm>>
        tpu.enqueue_dma source(%dma_start3A_28 : memref<624x128xf32, #tpu.memory_space<hbm>>) target(%dma_start3A_25 : memref<624x128xf32, #tpu.memory_space<vmem_shared>>) target_semaphore(%run_scoped3A : memref<!tpu.dma_semaphore, #tpu.memory_space<semaphore_mem>>)
        %dma_wait3A = arith.constant 0 : i32
        %dma_wait3A_29 = tpu.memref_slice %arg10[%mul3A_2, %dma_wait3A] : memref<10000x128xf32, #tpu.memory_space<vmem_shared>> -> memref<624x128xf32, #tpu.memory_space<vmem_shared>>
        %dma_wait3A_30 = arith.constant 0 : i32
        %dma_wait3A_31 = arith.constant 0 : i32
        %dma_wait3A_32 = tpu.memref_slice %arg5[%dma_wait3A_30, %dma_wait3A_31] : memref<640x128xf32, #tpu.memory_space<hbm>> -> memref<624x128xf32, #tpu.memory_space<hbm>>
        tpu.wait_dma2 semaphore(%run_scoped3A : memref<!tpu.dma_semaphore, #tpu.memory_space<semaphore_mem>>) src(%dma_wait3A_32 : memref<624x128xf32, #tpu.memory_space<hbm>>) dst(%dma_wait3A_29 : memref<624x128xf32, #tpu.memory_space<vmem_shared>>)
        tpu.yield
      }) : () -> ()
    } else {
    }
    %eq3A = arith.constant 15 : i32
    %eq3A_5 = arith.cmpi eq, %arg1, %eq3A : i32
    %convert_element_type3A_6 = arith.extui %eq3A_5 : i1 to i32
    %cond3A_7 = arith.constant 0 : i32
    %cond3A_8 = arith.cmpi ne, %convert_element_type3A_6, %cond3A_7 : i32
    scf.if %cond3A_8 {
      "tpu.region"() ({
        %run_scoped3A = tpu.sem_alloc : memref<!tpu.dma_semaphore, #tpu.memory_space<semaphore_mem>>
        %dma_start3A = arith.constant 0 : i32
        %dma_start3A_25 = tpu.memref_slice %arg10[%mul3A_2, %dma_start3A] : memref<10000x128xf32, #tpu.memory_space<vmem_shared>> -> memref<640x128xf32, #tpu.memory_space<vmem_shared>>
        tpu.enqueue_dma source(%arg5 : memref<640x128xf32, #tpu.memory_space<hbm>>) target(%dma_start3A_25 : memref<640x128xf32, #tpu.memory_space<vmem_shared>>) target_semaphore(%run_scoped3A : memref<!tpu.dma_semaphore, #tpu.memory_space<semaphore_mem>>)
        %dma_wait3A = arith.constant 0 : i32
        %dma_wait3A_26 = tpu.memref_slice %arg10[%mul3A_2, %dma_wait3A] : memref<10000x128xf32, #tpu.memory_space<vmem_shared>> -> memref<640x128xf32, #tpu.memory_space<vmem_shared>>
        tpu.wait_dma2 semaphore(%run_scoped3A : memref<!tpu.dma_semaphore, #tpu.memory_space<semaphore_mem>>) src(%arg5 : memref<640x128xf32, #tpu.memory_space<hbm>>) dst(%dma_wait3A_26 : memref<640x128xf32, #tpu.memory_space<vmem_shared>>)
        tpu.yield
      }) : () -> ()
    } else {
    }
    %barrier3A = arith.constant 0 : index
    tpu.barrier barrier_id(%barrier3A)
    %scan3A = arith.constant 0 : i32
    %scan3A_9 = arith.constant 0 : i32
    %scan3A_10 = arith.constant 25 : i32
    %scan3A_11 = arith.addi %scan3A_9, %scan3A_10 : i32
    %scan3A_12 = arith.constant 1 : i32
    scf.for %scan3A_25 = %scan3A_9 to %scan3A_11 step %scan3A_12  : i32 {
      %mul3A_26 = arith.constant 5 : i32
      %mul3A_27 = arith.muli %scan3A_25, %mul3A_26 : i32
      %add3A_28 = arith.constant 0 : i32
      %add3A_29 = arith.addi %mul3A_27, %add3A_28 : i32
      %dma_start3A = arith.constant 0 : i32
      %dma_start3A_30 = arith.constant 0 : i32
      %dma_start3A_31 = tpu.memref_slice %arg7[%dma_start3A, %dma_start3A_30] : memref<5x80xi32, #tpu.memory_space<vmem>> -> memref<1x80xi32, #tpu.memory_space<vmem>>
      %dma_start3A_32 = tpu.memref_squeeze %dma_start3A_31 : memref<1x80xi32, #tpu.memory_space<vmem>> -> memref<80xi32, #tpu.memory_space<vmem>>
      %dma_start3A_33 = arith.constant 0 : i32
      %dma_start3A_34 = tpu.memref_slice %arg3[%add3A, %add3A_29, %dma_start3A_33] : memref<32x125x80xi32, #tpu.memory_space<hbm>> -> memref<1x1x80xi32, #tpu.memory_space<hbm>>
      %dma_start3A_35 = tpu.memref_squeeze %dma_start3A_34 : memref<1x1x80xi32, #tpu.memory_space<hbm>> -> memref<80xi32, #tpu.memory_space<hbm>>
      %dma_start3A_36 = arith.constant 0 : i32
      %dma_start3A_37 = tpu.memref_slice %arg7[%dma_start3A, %dma_start3A_36] : memref<5x80xi32, #tpu.memory_space<vmem>> -> memref<1x80xi32, #tpu.memory_space<vmem>>
      %dma_start3A_38 = tpu.memref_squeeze %dma_start3A_37 : memref<1x80xi32, #tpu.memory_space<vmem>> -> memref<80xi32, #tpu.memory_space<vmem>>
      %dma_start3A_39 = arith.constant 0 : i32
      %dma_start3A_40 = tpu.memref_slice %arg3[%add3A, %add3A_29, %dma_start3A_39] : memref<32x125x80xi32, #tpu.memory_space<hbm>> -> memref<1x1x80xi32, #tpu.memory_space<hbm>>
      %dma_start3A_41 = tpu.memref_squeeze %dma_start3A_40 : memref<1x1x80xi32, #tpu.memory_space<hbm>> -> memref<80xi32, #tpu.memory_space<hbm>>
      tpu.enqueue_dma source(%dma_start3A_41 : memref<80xi32, #tpu.memory_space<hbm>>) target(%dma_start3A_38 : memref<80xi32, #tpu.memory_space<vmem>>) target_semaphore(%arg11 : memref<!tpu.dma_semaphore, #tpu.memory_space<semaphore_mem>>)
      %add3A_42 = arith.constant 1 : i32
      %add3A_43 = arith.addi %mul3A_27, %add3A_42 : i32
      %dma_start3A_44 = arith.constant 1 : i32
      %dma_start3A_45 = arith.constant 0 : i32
      %dma_start3A_46 = tpu.memref_slice %arg7[%dma_start3A_44, %dma_start3A_45] : memref<5x80xi32, #tpu.memory_space<vmem>> -> memref<1x80xi32, #tpu.memory_space<vmem>>
      %dma_start3A_47 = tpu.memref_squeeze %dma_start3A_46 : memref<1x80xi32, #tpu.memory_space<vmem>> -> memref<80xi32, #tpu.memory_space<vmem>>
      %dma_start3A_48 = arith.constant 0 : i32
      %dma_start3A_49 = tpu.memref_slice %arg3[%add3A, %add3A_43, %dma_start3A_48] : memref<32x125x80xi32, #tpu.memory_space<hbm>> -> memref<1x1x80xi32, #tpu.memory_space<hbm>>
      %dma_start3A_50 = tpu.memref_squeeze %dma_start3A_49 : memref<1x1x80xi32, #tpu.memory_space<hbm>> -> memref<80xi32, #tpu.memory_space<hbm>>
      %dma_start3A_51 = arith.constant 0 : i32
      %dma_start3A_52 = tpu.memref_slice %arg7[%dma_start3A_44, %dma_start3A_51] : memref<5x80xi32, #tpu.memory_space<vmem>> -> memref<1x80xi32, #tpu.memory_space<vmem>>
      %dma_start3A_53 = tpu.memref_squeeze %dma_start3A_52 : memref<1x80xi32, #tpu.memory_space<vmem>> -> memref<80xi32, #tpu.memory_space<vmem>>
      %dma_start3A_54 = arith.constant 0 : i32
      %dma_start3A_55 = tpu.memref_slice %arg3[%add3A, %add3A_43, %dma_start3A_54] : memref<32x125x80xi32, #tpu.memory_space<hbm>> -> memref<1x1x80xi32, #tpu.memory_space<hbm>>
      %dma_start3A_56 = tpu.memref_squeeze %dma_start3A_55 : memref<1x1x80xi32, #tpu.memory_space<hbm>> -> memref<80xi32, #tpu.memory_space<hbm>>
      tpu.enqueue_dma source(%dma_start3A_56 : memref<80xi32, #tpu.memory_space<hbm>>) target(%dma_start3A_53 : memref<80xi32, #tpu.memory_space<vmem>>) target_semaphore(%arg11 : memref<!tpu.dma_semaphore, #tpu.memory_space<semaphore_mem>>)
      %add3A_57 = arith.constant 2 : i32
      %add3A_58 = arith.addi %mul3A_27, %add3A_57 : i32
      %dma_start3A_59 = arith.constant 2 : i32
      %dma_start3A_60 = arith.constant 0 : i32
      %dma_start3A_61 = tpu.memref_slice %arg7[%dma_start3A_59, %dma_start3A_60] : memref<5x80xi32, #tpu.memory_space<vmem>> -> memref<1x80xi32, #tpu.memory_space<vmem>>
      %dma_start3A_62 = tpu.memref_squeeze %dma_start3A_61 : memref<1x80xi32, #tpu.memory_space<vmem>> -> memref<80xi32, #tpu.memory_space<vmem>>
      %dma_start3A_63 = arith.constant 0 : i32
      %dma_start3A_64 = tpu.memref_slice %arg3[%add3A, %add3A_58, %dma_start3A_63] : memref<32x125x80xi32, #tpu.memory_space<hbm>> -> memref<1x1x80xi32, #tpu.memory_space<hbm>>
      %dma_start3A_65 = tpu.memref_squeeze %dma_start3A_64 : memref<1x1x80xi32, #tpu.memory_space<hbm>> -> memref<80xi32, #tpu.memory_space<hbm>>
      %dma_start3A_66 = arith.constant 0 : i32
      %dma_start3A_67 = tpu.memref_slice %arg7[%dma_start3A_59, %dma_start3A_66] : memref<5x80xi32, #tpu.memory_space<vmem>> -> memref<1x80xi32, #tpu.memory_space<vmem>>
      %dma_start3A_68 = tpu.memref_squeeze %dma_start3A_67 : memref<1x80xi32, #tpu.memory_space<vmem>> -> memref<80xi32, #tpu.memory_space<vmem>>
      %dma_start3A_69 = arith.constant 0 : i32
      %dma_start3A_70 = tpu.memref_slice %arg3[%add3A, %add3A_58, %dma_start3A_69] : memref<32x125x80xi32, #tpu.memory_space<hbm>> -> memref<1x1x80xi32, #tpu.memory_space<hbm>>
      %dma_start3A_71 = tpu.memref_squeeze %dma_start3A_70 : memref<1x1x80xi32, #tpu.memory_space<hbm>> -> memref<80xi32, #tpu.memory_space<hbm>>
      tpu.enqueue_dma source(%dma_start3A_71 : memref<80xi32, #tpu.memory_space<hbm>>) target(%dma_start3A_68 : memref<80xi32, #tpu.memory_space<vmem>>) target_semaphore(%arg11 : memref<!tpu.dma_semaphore, #tpu.memory_space<semaphore_mem>>)
      %add3A_72 = arith.constant 3 : i32
      %add3A_73 = arith.addi %mul3A_27, %add3A_72 : i32
      %dma_start3A_74 = arith.constant 3 : i32
      %dma_start3A_75 = arith.constant 0 : i32
      %dma_start3A_76 = tpu.memref_slice %arg7[%dma_start3A_74, %dma_start3A_75] : memref<5x80xi32, #tpu.memory_space<vmem>> -> memref<1x80xi32, #tpu.memory_space<vmem>>
      %dma_start3A_77 = tpu.memref_squeeze %dma_start3A_76 : memref<1x80xi32, #tpu.memory_space<vmem>> -> memref<80xi32, #tpu.memory_space<vmem>>
      %dma_start3A_78 = arith.constant 0 : i32
      %dma_start3A_79 = tpu.memref_slice %arg3[%add3A, %add3A_73, %dma_start3A_78] : memref<32x125x80xi32, #tpu.memory_space<hbm>> -> memref<1x1x80xi32, #tpu.memory_space<hbm>>
      %dma_start3A_80 = tpu.memref_squeeze %dma_start3A_79 : memref<1x1x80xi32, #tpu.memory_space<hbm>> -> memref<80xi32, #tpu.memory_space<hbm>>
      %dma_start3A_81 = arith.constant 0 : i32
      %dma_start3A_82 = tpu.memref_slice %arg7[%dma_start3A_74, %dma_start3A_81] : memref<5x80xi32, #tpu.memory_space<vmem>> -> memref<1x80xi32, #tpu.memory_space<vmem>>
      %dma_start3A_83 = tpu.memref_squeeze %dma_start3A_82 : memref<1x80xi32, #tpu.memory_space<vmem>> -> memref<80xi32, #tpu.memory_space<vmem>>
      %dma_start3A_84 = arith.constant 0 : i32
      %dma_start3A_85 = tpu.memref_slice %arg3[%add3A, %add3A_73, %dma_start3A_84] : memref<32x125x80xi32, #tpu.memory_space<hbm>> -> memref<1x1x80xi32, #tpu.memory_space<hbm>>
      %dma_start3A_86 = tpu.memref_squeeze %dma_start3A_85 : memref<1x1x80xi32, #tpu.memory_space<hbm>> -> memref<80xi32, #tpu.memory_space<hbm>>
      tpu.enqueue_dma source(%dma_start3A_86 : memref<80xi32, #tpu.memory_space<hbm>>) target(%dma_start3A_83 : memref<80xi32, #tpu.memory_space<vmem>>) target_semaphore(%arg11 : memref<!tpu.dma_semaphore, #tpu.memory_space<semaphore_mem>>)
      %add3A_87 = arith.constant 4 : i32
      %add3A_88 = arith.addi %mul3A_27, %add3A_87 : i32
      %dma_start3A_89 = arith.constant 4 : i32
      %dma_start3A_90 = arith.constant 0 : i32
      %dma_start3A_91 = tpu.memref_slice %arg7[%dma_start3A_89, %dma_start3A_90] : memref<5x80xi32, #tpu.memory_space<vmem>> -> memref<1x80xi32, #tpu.memory_space<vmem>>
      %dma_start3A_92 = tpu.memref_squeeze %dma_start3A_91 : memref<1x80xi32, #tpu.memory_space<vmem>> -> memref<80xi32, #tpu.memory_space<vmem>>
      %dma_start3A_93 = arith.constant 0 : i32
      %dma_start3A_94 = tpu.memref_slice %arg3[%add3A, %add3A_88, %dma_start3A_93] : memref<32x125x80xi32, #tpu.memory_space<hbm>> -> memref<1x1x80xi32, #tpu.memory_space<hbm>>
      %dma_start3A_95 = tpu.memref_squeeze %dma_start3A_94 : memref<1x1x80xi32, #tpu.memory_space<hbm>> -> memref<80xi32, #tpu.memory_space<hbm>>
      %dma_start3A_96 = arith.constant 0 : i32
      %dma_start3A_97 = tpu.memref_slice %arg7[%dma_start3A_89, %dma_start3A_96] : memref<5x80xi32, #tpu.memory_space<vmem>> -> memref<1x80xi32, #tpu.memory_space<vmem>>
      %dma_start3A_98 = tpu.memref_squeeze %dma_start3A_97 : memref<1x80xi32, #tpu.memory_space<vmem>> -> memref<80xi32, #tpu.memory_space<vmem>>
      %dma_start3A_99 = arith.constant 0 : i32
      %dma_start3A_100 = tpu.memref_slice %arg3[%add3A, %add3A_88, %dma_start3A_99] : memref<32x125x80xi32, #tpu.memory_space<hbm>> -> memref<1x1x80xi32, #tpu.memory_space<hbm>>
      %dma_start3A_101 = tpu.memref_squeeze %dma_start3A_100 : memref<1x1x80xi32, #tpu.memory_space<hbm>> -> memref<80xi32, #tpu.memory_space<hbm>>
      tpu.enqueue_dma source(%dma_start3A_101 : memref<80xi32, #tpu.memory_space<hbm>>) target(%dma_start3A_98 : memref<80xi32, #tpu.memory_space<vmem>>) target_semaphore(%arg11 : memref<!tpu.dma_semaphore, #tpu.memory_space<semaphore_mem>>)
      %dma_wait3A = arith.constant 0 : i32
      %dma_wait3A_102 = arith.constant 0 : i32
      %dma_wait3A_103 = tpu.memref_slice %arg7[%dma_wait3A, %dma_wait3A_102] : memref<5x80xi32, #tpu.memory_space<vmem>> -> memref<1x80xi32, #tpu.memory_space<vmem>>
      %dma_wait3A_104 = tpu.memref_squeeze %dma_wait3A_103 : memref<1x80xi32, #tpu.memory_space<vmem>> -> memref<80xi32, #tpu.memory_space<vmem>>
      %dma_wait3A_105 = arith.constant 0 : i32
      %dma_wait3A_106 = tpu.memref_slice %arg3[%add3A, %add3A_29, %dma_wait3A_105] : memref<32x125x80xi32, #tpu.memory_space<hbm>> -> memref<1x1x80xi32, #tpu.memory_space<hbm>>
      %dma_wait3A_107 = tpu.memref_squeeze %dma_wait3A_106 : memref<1x1x80xi32, #tpu.memory_space<hbm>> -> memref<80xi32, #tpu.memory_space<hbm>>
      %dma_wait3A_108 = arith.constant 0 : i32
      %dma_wait3A_109 = tpu.memref_slice %arg7[%dma_wait3A, %dma_wait3A_108] : memref<5x80xi32, #tpu.memory_space<vmem>> -> memref<1x80xi32, #tpu.memory_space<vmem>>
      %dma_wait3A_110 = tpu.memref_squeeze %dma_wait3A_109 : memref<1x80xi32, #tpu.memory_space<vmem>> -> memref<80xi32, #tpu.memory_space<vmem>>
      %dma_wait3A_111 = arith.constant 0 : i32
      %dma_wait3A_112 = tpu.memref_slice %arg3[%add3A, %add3A_29, %dma_wait3A_111] : memref<32x125x80xi32, #tpu.memory_space<hbm>> -> memref<1x1x80xi32, #tpu.memory_space<hbm>>
      %dma_wait3A_113 = tpu.memref_squeeze %dma_wait3A_112 : memref<1x1x80xi32, #tpu.memory_space<hbm>> -> memref<80xi32, #tpu.memory_space<hbm>>
      tpu.wait_dma2 semaphore(%arg11 : memref<!tpu.dma_semaphore, #tpu.memory_space<semaphore_mem>>) src(%dma_wait3A_113 : memref<80xi32, #tpu.memory_space<hbm>>) dst(%dma_wait3A_110 : memref<80xi32, #tpu.memory_space<vmem>>)
      %dma_wait3A_114 = arith.constant 1 : i32
      %dma_wait3A_115 = arith.constant 0 : i32
      %dma_wait3A_116 = tpu.memref_slice %arg7[%dma_wait3A_114, %dma_wait3A_115] : memref<5x80xi32, #tpu.memory_space<vmem>> -> memref<1x80xi32, #tpu.memory_space<vmem>>
      %dma_wait3A_117 = tpu.memref_squeeze %dma_wait3A_116 : memref<1x80xi32, #tpu.memory_space<vmem>> -> memref<80xi32, #tpu.memory_space<vmem>>
      %dma_wait3A_118 = arith.constant 0 : i32
      %dma_wait3A_119 = tpu.memref_slice %arg3[%add3A, %add3A_43, %dma_wait3A_118] : memref<32x125x80xi32, #tpu.memory_space<hbm>> -> memref<1x1x80xi32, #tpu.memory_space<hbm>>
      %dma_wait3A_120 = tpu.memref_squeeze %dma_wait3A_119 : memref<1x1x80xi32, #tpu.memory_space<hbm>> -> memref<80xi32, #tpu.memory_space<hbm>>
      %dma_wait3A_121 = arith.constant 0 : i32
      %dma_wait3A_122 = tpu.memref_slice %arg7[%dma_wait3A_114, %dma_wait3A_121] : memref<5x80xi32, #tpu.memory_space<vmem>> -> memref<1x80xi32, #tpu.memory_space<vmem>>
      %dma_wait3A_123 = tpu.memref_squeeze %dma_wait3A_122 : memref<1x80xi32, #tpu.memory_space<vmem>> -> memref<80xi32, #tpu.memory_space<vmem>>
      %dma_wait3A_124 = arith.constant 0 : i32
      %dma_wait3A_125 = tpu.memref_slice %arg3[%add3A, %add3A_43, %dma_wait3A_124] : memref<32x125x80xi32, #tpu.memory_space<hbm>> -> memref<1x1x80xi32, #tpu.memory_space<hbm>>
      %dma_wait3A_126 = tpu.memref_squeeze %dma_wait3A_125 : memref<1x1x80xi32, #tpu.memory_space<hbm>> -> memref<80xi32, #tpu.memory_space<hbm>>
      tpu.wait_dma2 semaphore(%arg11 : memref<!tpu.dma_semaphore, #tpu.memory_space<semaphore_mem>>) src(%dma_wait3A_126 : memref<80xi32, #tpu.memory_space<hbm>>) dst(%dma_wait3A_123 : memref<80xi32, #tpu.memory_space<vmem>>)
      %dma_wait3A_127 = arith.constant 2 : i32
      %dma_wait3A_128 = arith.constant 0 : i32
      %dma_wait3A_129 = tpu.memref_slice %arg7[%dma_wait3A_127, %dma_wait3A_128] : memref<5x80xi32, #tpu.memory_space<vmem>> -> memref<1x80xi32, #tpu.memory_space<vmem>>
      %dma_wait3A_130 = tpu.memref_squeeze %dma_wait3A_129 : memref<1x80xi32, #tpu.memory_space<vmem>> -> memref<80xi32, #tpu.memory_space<vmem>>
      %dma_wait3A_131 = arith.constant 0 : i32
      %dma_wait3A_132 = tpu.memref_slice %arg3[%add3A, %add3A_58, %dma_wait3A_131] : memref<32x125x80xi32, #tpu.memory_space<hbm>> -> memref<1x1x80xi32, #tpu.memory_space<hbm>>
      %dma_wait3A_133 = tpu.memref_squeeze %dma_wait3A_132 : memref<1x1x80xi32, #tpu.memory_space<hbm>> -> memref<80xi32, #tpu.memory_space<hbm>>
      %dma_wait3A_134 = arith.constant 0 : i32
      %dma_wait3A_135 = tpu.memref_slice %arg7[%dma_wait3A_127, %dma_wait3A_134] : memref<5x80xi32, #tpu.memory_space<vmem>> -> memref<1x80xi32, #tpu.memory_space<vmem>>
      %dma_wait3A_136 = tpu.memref_squeeze %dma_wait3A_135 : memref<1x80xi32, #tpu.memory_space<vmem>> -> memref<80xi32, #tpu.memory_space<vmem>>
      %dma_wait3A_137 = arith.constant 0 : i32
      %dma_wait3A_138 = tpu.memref_slice %arg3[%add3A, %add3A_58, %dma_wait3A_137] : memref<32x125x80xi32, #tpu.memory_space<hbm>> -> memref<1x1x80xi32, #tpu.memory_space<hbm>>
      %dma_wait3A_139 = tpu.memref_squeeze %dma_wait3A_138 : memref<1x1x80xi32, #tpu.memory_space<hbm>> -> memref<80xi32, #tpu.memory_space<hbm>>
      tpu.wait_dma2 semaphore(%arg11 : memref<!tpu.dma_semaphore, #tpu.memory_space<semaphore_mem>>) src(%dma_wait3A_139 : memref<80xi32, #tpu.memory_space<hbm>>) dst(%dma_wait3A_136 : memref<80xi32, #tpu.memory_space<vmem>>)
      %dma_wait3A_140 = arith.constant 3 : i32
      %dma_wait3A_141 = arith.constant 0 : i32
      %dma_wait3A_142 = tpu.memref_slice %arg7[%dma_wait3A_140, %dma_wait3A_141] : memref<5x80xi32, #tpu.memory_space<vmem>> -> memref<1x80xi32, #tpu.memory_space<vmem>>
      %dma_wait3A_143 = tpu.memref_squeeze %dma_wait3A_142 : memref<1x80xi32, #tpu.memory_space<vmem>> -> memref<80xi32, #tpu.memory_space<vmem>>
      %dma_wait3A_144 = arith.constant 0 : i32
      %dma_wait3A_145 = tpu.memref_slice %arg3[%add3A, %add3A_73, %dma_wait3A_144] : memref<32x125x80xi32, #tpu.memory_space<hbm>> -> memref<1x1x80xi32, #tpu.memory_space<hbm>>
      %dma_wait3A_146 = tpu.memref_squeeze %dma_wait3A_145 : memref<1x1x80xi32, #tpu.memory_space<hbm>> -> memref<80xi32, #tpu.memory_space<hbm>>
      %dma_wait3A_147 = arith.constant 0 : i32
      %dma_wait3A_148 = tpu.memref_slice %arg7[%dma_wait3A_140, %dma_wait3A_147] : memref<5x80xi32, #tpu.memory_space<vmem>> -> memref<1x80xi32, #tpu.memory_space<vmem>>
      %dma_wait3A_149 = tpu.memref_squeeze %dma_wait3A_148 : memref<1x80xi32, #tpu.memory_space<vmem>> -> memref<80xi32, #tpu.memory_space<vmem>>
      %dma_wait3A_150 = arith.constant 0 : i32
      %dma_wait3A_151 = tpu.memref_slice %arg3[%add3A, %add3A_73, %dma_wait3A_150] : memref<32x125x80xi32, #tpu.memory_space<hbm>> -> memref<1x1x80xi32, #tpu.memory_space<hbm>>
      %dma_wait3A_152 = tpu.memref_squeeze %dma_wait3A_151 : memref<1x1x80xi32, #tpu.memory_space<hbm>> -> memref<80xi32, #tpu.memory_space<hbm>>
      tpu.wait_dma2 semaphore(%arg11 : memref<!tpu.dma_semaphore, #tpu.memory_space<semaphore_mem>>) src(%dma_wait3A_152 : memref<80xi32, #tpu.memory_space<hbm>>) dst(%dma_wait3A_149 : memref<80xi32, #tpu.memory_space<vmem>>)
      %dma_wait3A_153 = arith.constant 4 : i32
      %dma_wait3A_154 = arith.constant 0 : i32
      %dma_wait3A_155 = tpu.memref_slice %arg7[%dma_wait3A_153, %dma_wait3A_154] : memref<5x80xi32, #tpu.memory_space<vmem>> -> memref<1x80xi32, #tpu.memory_space<vmem>>
      %dma_wait3A_156 = tpu.memref_squeeze %dma_wait3A_155 : memref<1x80xi32, #tpu.memory_space<vmem>> -> memref<80xi32, #tpu.memory_space<vmem>>
      %dma_wait3A_157 = arith.constant 0 : i32
      %dma_wait3A_158 = tpu.memref_slice %arg3[%add3A, %add3A_88, %dma_wait3A_157] : memref<32x125x80xi32, #tpu.memory_space<hbm>> -> memref<1x1x80xi32, #tpu.memory_space<hbm>>
      %dma_wait3A_159 = tpu.memref_squeeze %dma_wait3A_158 : memref<1x1x80xi32, #tpu.memory_space<hbm>> -> memref<80xi32, #tpu.memory_space<hbm>>
      %dma_wait3A_160 = arith.constant 0 : i32
      %dma_wait3A_161 = tpu.memref_slice %arg7[%dma_wait3A_153, %dma_wait3A_160] : memref<5x80xi32, #tpu.memory_space<vmem>> -> memref<1x80xi32, #tpu.memory_space<vmem>>
      %dma_wait3A_162 = tpu.memref_squeeze %dma_wait3A_161 : memref<1x80xi32, #tpu.memory_space<vmem>> -> memref<80xi32, #tpu.memory_space<vmem>>
      %dma_wait3A_163 = arith.constant 0 : i32
      %dma_wait3A_164 = tpu.memref_slice %arg3[%add3A, %add3A_88, %dma_wait3A_163] : memref<32x125x80xi32, #tpu.memory_space<hbm>> -> memref<1x1x80xi32, #tpu.memory_space<hbm>>
      %dma_wait3A_165 = tpu.memref_squeeze %dma_wait3A_164 : memref<1x1x80xi32, #tpu.memory_space<hbm>> -> memref<80xi32, #tpu.memory_space<hbm>>
      tpu.wait_dma2 semaphore(%arg11 : memref<!tpu.dma_semaphore, #tpu.memory_space<semaphore_mem>>) src(%dma_wait3A_165 : memref<80xi32, #tpu.memory_space<hbm>>) dst(%dma_wait3A_162 : memref<80xi32, #tpu.memory_space<vmem>>)
      %dma_start3A_166 = arith.constant 0 : i32
      %dma_start3A_167 = arith.constant 0 : i32
      %dma_start3A_168 = arith.constant 0 : i32
      %dma_start3A_169 = arith.constant 0 : i32
      %dma_start3A_170 = tpu.memref_slice %arg9[%dma_start3A_167, %dma_start3A_168, %dma_start3A_169] : memref<2x80x128xf32, #tpu.memory_space<vmem>> -> memref<1x80x128xf32, #tpu.memory_space<vmem>>
      %dma_start3A_171 = tpu.memref_squeeze %dma_start3A_170 : memref<1x80x128xf32, #tpu.memory_space<vmem>> -> memref<80x128xf32, #tpu.memory_space<vmem>>
      %dma_start3A_172 = arith.constant 0 : i32
      %dma_start3A_173 = tpu.memref_slice %arg7[%dma_start3A_166, %dma_start3A_172] : memref<5x80xi32, #tpu.memory_space<vmem>> -> memref<1x80xi32, #tpu.memory_space<vmem>>
      %dma_start3A_174 = tpu.memref_squeeze %dma_start3A_173 : memref<1x80xi32, #tpu.memory_space<vmem>> -> memref<80xi32, #tpu.memory_space<vmem>>
      %dma_start3A_175 = arith.constant 0 : i32
      %dma_start3A_176 = arith.constant 0 : i32
      %dma_start3A_177 = tpu.memref_slice %arg2[%dma_start3A_175, %dma_start3A_176] : memref<10000x128xf32, #tpu.memory_space<hbm>> -> memref<10000x128xf32, #tpu.memory_space<hbm>>
      tpu.enqueue_indirect_dma source(%dma_start3A_177 : memref<10000x128xf32, #tpu.memory_space<hbm>>) target(%dma_start3A_171 : memref<80x128xf32, #tpu.memory_space<vmem>>) offsets(%dma_start3A_174 : memref<80xi32, #tpu.memory_space<vmem>>) semaphore(%arg12 : memref<!tpu.dma_semaphore, #tpu.memory_space<semaphore_mem>>)
      %dma_start3A_178 = arith.constant 1 : i32
      %dma_start3A_179 = arith.constant 1 : i32
      %dma_start3A_180 = arith.constant 0 : i32
      %dma_start3A_181 = arith.constant 0 : i32
      %dma_start3A_182 = tpu.memref_slice %arg9[%dma_start3A_179, %dma_start3A_180, %dma_start3A_181] : memref<2x80x128xf32, #tpu.memory_space<vmem>> -> memref<1x80x128xf32, #tpu.memory_space<vmem>>
      %dma_start3A_183 = tpu.memref_squeeze %dma_start3A_182 : memref<1x80x128xf32, #tpu.memory_space<vmem>> -> memref<80x128xf32, #tpu.memory_space<vmem>>
      %dma_start3A_184 = arith.constant 0 : i32
      %dma_start3A_185 = tpu.memref_slice %arg7[%dma_start3A_178, %dma_start3A_184] : memref<5x80xi32, #tpu.memory_space<vmem>> -> memref<1x80xi32, #tpu.memory_space<vmem>>
      %dma_start3A_186 = tpu.memref_squeeze %dma_start3A_185 : memref<1x80xi32, #tpu.memory_space<vmem>> -> memref<80xi32, #tpu.memory_space<vmem>>
      %dma_start3A_187 = arith.constant 0 : i32
      %dma_start3A_188 = arith.constant 0 : i32
      %dma_start3A_189 = tpu.memref_slice %arg2[%dma_start3A_187, %dma_start3A_188] : memref<10000x128xf32, #tpu.memory_space<hbm>> -> memref<10000x128xf32, #tpu.memory_space<hbm>>
      tpu.enqueue_indirect_dma source(%dma_start3A_189 : memref<10000x128xf32, #tpu.memory_space<hbm>>) target(%dma_start3A_183 : memref<80x128xf32, #tpu.memory_space<vmem>>) offsets(%dma_start3A_186 : memref<80xi32, #tpu.memory_space<vmem>>) semaphore(%arg12 : memref<!tpu.dma_semaphore, #tpu.memory_space<semaphore_mem>>)
      %dma_wait3A_190 = arith.constant 0 : i32
      %dma_wait3A_191 = arith.constant 0 : i32
      %dma_wait3A_192 = arith.constant 0 : i32
      %dma_wait3A_193 = arith.constant 0 : i32
      %dma_wait3A_194 = tpu.memref_slice %arg9[%dma_wait3A_191, %dma_wait3A_192, %dma_wait3A_193] : memref<2x80x128xf32, #tpu.memory_space<vmem>> -> memref<1x80x128xf32, #tpu.memory_space<vmem>>
      %dma_wait3A_195 = tpu.memref_squeeze %dma_wait3A_194 : memref<1x80x128xf32, #tpu.memory_space<vmem>> -> memref<80x128xf32, #tpu.memory_space<vmem>>
      %dma_wait3A_196 = arith.constant 0 : i32
      %dma_wait3A_197 = tpu.memref_slice %arg7[%dma_wait3A_190, %dma_wait3A_196] : memref<5x80xi32, #tpu.memory_space<vmem>> -> memref<1x80xi32, #tpu.memory_space<vmem>>
      %dma_wait3A_198 = tpu.memref_squeeze %dma_wait3A_197 : memref<1x80xi32, #tpu.memory_space<vmem>> -> memref<80xi32, #tpu.memory_space<vmem>>
      %dma_wait3A_199 = arith.constant 0 : i32
      %dma_wait3A_200 = arith.constant 0 : i32
      %dma_wait3A_201 = tpu.memref_slice %arg2[%dma_wait3A_199, %dma_wait3A_200] : memref<10000x128xf32, #tpu.memory_space<hbm>> -> memref<10000x128xf32, #tpu.memory_space<hbm>>
      tpu.wait_indirect_dma semaphore(%arg12 : memref<!tpu.dma_semaphore, #tpu.memory_space<semaphore_mem>>) src(%dma_wait3A_201 : memref<10000x128xf32, #tpu.memory_space<hbm>>) dst(%dma_wait3A_195 : memref<80x128xf32, #tpu.memory_space<vmem>>)
      %add3A_202 = arith.constant 0 : i32
      %add3A_203 = arith.addi %mul3A_27, %add3A_202 : i32
      %dma_start3A_204 = arith.constant 0 : i32
      %dma_start3A_205 = arith.constant 0 : i32
      %dma_start3A_206 = arith.constant 0 : i32
      %dma_start3A_207 = tpu.memref_slice %arg9[%dma_start3A_204, %dma_start3A_205, %dma_start3A_206] : memref<2x80x128xf32, #tpu.memory_space<vmem>> -> memref<1x80x128xf32, #tpu.memory_space<vmem>>
      %dma_start3A_208 = tpu.memref_squeeze %dma_start3A_207 : memref<1x80x128xf32, #tpu.memory_space<vmem>> -> memref<80x128xf32, #tpu.memory_space<vmem>>
      %dma_start3A_209 = arith.constant 0 : i32
      %dma_start3A_210 = tpu.memref_slice %arg8[%add3A_203, %dma_start3A_209] : memref<125x80xi32, #tpu.memory_space<vmem>> -> memref<1x80xi32, #tpu.memory_space<vmem>>
      %dma_start3A_211 = tpu.memref_squeeze %dma_start3A_210 : memref<1x80xi32, #tpu.memory_space<vmem>> -> memref<80xi32, #tpu.memory_space<vmem>>
      %dma_start3A_212 = arith.constant 0 : i32
      %dma_start3A_213 = arith.constant 0 : i32
      %dma_start3A_214 = tpu.memref_slice %arg10[%dma_start3A_212, %dma_start3A_213] : memref<10000x128xf32, #tpu.memory_space<vmem_shared>> -> memref<10000x128xf32, #tpu.memory_space<vmem_shared>>
      tpu.enqueue_indirect_dma source(%dma_start3A_208 : memref<80x128xf32, #tpu.memory_space<vmem>>) target(%dma_start3A_214 : memref<10000x128xf32, #tpu.memory_space<vmem_shared>>) offsets(%dma_start3A_211 : memref<80xi32, #tpu.memory_space<vmem>>) semaphore(%arg13 : memref<!tpu.dma_semaphore, #tpu.memory_space<semaphore_mem>>) {add = true}
      %dma_wait3A_215 = arith.constant 0 : i32
      %dma_wait3A_216 = arith.constant 0 : i32
      %dma_wait3A_217 = arith.constant 0 : i32
      %dma_wait3A_218 = tpu.memref_slice %arg9[%dma_wait3A_215, %dma_wait3A_216, %dma_wait3A_217] : memref<2x80x128xf32, #tpu.memory_space<vmem>> -> memref<1x80x128xf32, #tpu.memory_space<vmem>>
      %dma_wait3A_219 = tpu.memref_squeeze %dma_wait3A_218 : memref<1x80x128xf32, #tpu.memory_space<vmem>> -> memref<80x128xf32, #tpu.memory_space<vmem>>
      %dma_wait3A_220 = arith.constant 0 : i32
      %dma_wait3A_221 = tpu.memref_slice %arg8[%add3A_203, %dma_wait3A_220] : memref<125x80xi32, #tpu.memory_space<vmem>> -> memref<1x80xi32, #tpu.memory_space<vmem>>
      %dma_wait3A_222 = tpu.memref_squeeze %dma_wait3A_221 : memref<1x80xi32, #tpu.memory_space<vmem>> -> memref<80xi32, #tpu.memory_space<vmem>>
      %dma_wait3A_223 = arith.constant 0 : i32
      %dma_wait3A_224 = arith.constant 0 : i32
      %dma_wait3A_225 = tpu.memref_slice %arg10[%dma_wait3A_223, %dma_wait3A_224] : memref<10000x128xf32, #tpu.memory_space<vmem_shared>> -> memref<10000x128xf32, #tpu.memory_space<vmem_shared>>
      tpu.wait_indirect_dma semaphore(%arg13 : memref<!tpu.dma_semaphore, #tpu.memory_space<semaphore_mem>>) src(%dma_wait3A_219 : memref<80x128xf32, #tpu.memory_space<vmem>>) dst(%dma_wait3A_225 : memref<10000x128xf32, #tpu.memory_space<vmem_shared>>)
      %dma_start3A_226 = arith.constant 2 : i32
      %dma_start3A_227 = arith.constant 0 : i32
      %dma_start3A_228 = arith.constant 0 : i32
      %dma_start3A_229 = arith.constant 0 : i32
      %dma_start3A_230 = tpu.memref_slice %arg9[%dma_start3A_227, %dma_start3A_228, %dma_start3A_229] : memref<2x80x128xf32, #tpu.memory_space<vmem>> -> memref<1x80x128xf32, #tpu.memory_space<vmem>>
      %dma_start3A_231 = tpu.memref_squeeze %dma_start3A_230 : memref<1x80x128xf32, #tpu.memory_space<vmem>> -> memref<80x128xf32, #tpu.memory_space<vmem>>
      %dma_start3A_232 = arith.constant 0 : i32
      %dma_start3A_233 = tpu.memref_slice %arg7[%dma_start3A_226, %dma_start3A_232] : memref<5x80xi32, #tpu.memory_space<vmem>> -> memref<1x80xi32, #tpu.memory_space<vmem>>
      %dma_start3A_234 = tpu.memref_squeeze %dma_start3A_233 : memref<1x80xi32, #tpu.memory_space<vmem>> -> memref<80xi32, #tpu.memory_space<vmem>>
      %dma_start3A_235 = arith.constant 0 : i32
      %dma_start3A_236 = arith.constant 0 : i32
      %dma_start3A_237 = tpu.memref_slice %arg2[%dma_start3A_235, %dma_start3A_236] : memref<10000x128xf32, #tpu.memory_space<hbm>> -> memref<10000x128xf32, #tpu.memory_space<hbm>>
      tpu.enqueue_indirect_dma source(%dma_start3A_237 : memref<10000x128xf32, #tpu.memory_space<hbm>>) target(%dma_start3A_231 : memref<80x128xf32, #tpu.memory_space<vmem>>) offsets(%dma_start3A_234 : memref<80xi32, #tpu.memory_space<vmem>>) semaphore(%arg12 : memref<!tpu.dma_semaphore, #tpu.memory_space<semaphore_mem>>)
      %dma_wait3A_238 = arith.constant 1 : i32
      %dma_wait3A_239 = arith.constant 1 : i32
      %dma_wait3A_240 = arith.constant 0 : i32
      %dma_wait3A_241 = arith.constant 0 : i32
      %dma_wait3A_242 = tpu.memref_slice %arg9[%dma_wait3A_239, %dma_wait3A_240, %dma_wait3A_241] : memref<2x80x128xf32, #tpu.memory_space<vmem>> -> memref<1x80x128xf32, #tpu.memory_space<vmem>>
      %dma_wait3A_243 = tpu.memref_squeeze %dma_wait3A_242 : memref<1x80x128xf32, #tpu.memory_space<vmem>> -> memref<80x128xf32, #tpu.memory_space<vmem>>
      %dma_wait3A_244 = arith.constant 0 : i32
      %dma_wait3A_245 = tpu.memref_slice %arg7[%dma_wait3A_238, %dma_wait3A_244] : memref<5x80xi32, #tpu.memory_space<vmem>> -> memref<1x80xi32, #tpu.memory_space<vmem>>
      %dma_wait3A_246 = tpu.memref_squeeze %dma_wait3A_245 : memref<1x80xi32, #tpu.memory_space<vmem>> -> memref<80xi32, #tpu.memory_space<vmem>>
      %dma_wait3A_247 = arith.constant 0 : i32
      %dma_wait3A_248 = arith.constant 0 : i32
      %dma_wait3A_249 = tpu.memref_slice %arg2[%dma_wait3A_247, %dma_wait3A_248] : memref<10000x128xf32, #tpu.memory_space<hbm>> -> memref<10000x128xf32, #tpu.memory_space<hbm>>
      tpu.wait_indirect_dma semaphore(%arg12 : memref<!tpu.dma_semaphore, #tpu.memory_space<semaphore_mem>>) src(%dma_wait3A_249 : memref<10000x128xf32, #tpu.memory_space<hbm>>) dst(%dma_wait3A_243 : memref<80x128xf32, #tpu.memory_space<vmem>>)
      %add3A_250 = arith.constant 1 : i32
      %add3A_251 = arith.addi %mul3A_27, %add3A_250 : i32
      %dma_start3A_252 = arith.constant 1 : i32
      %dma_start3A_253 = arith.constant 0 : i32
      %dma_start3A_254 = arith.constant 0 : i32
      %dma_start3A_255 = tpu.memref_slice %arg9[%dma_start3A_252, %dma_start3A_253, %dma_start3A_254] : memref<2x80x128xf32, #tpu.memory_space<vmem>> -> memref<1x80x128xf32, #tpu.memory_space<vmem>>
      %dma_start3A_256 = tpu.memref_squeeze %dma_start3A_255 : memref<1x80x128xf32, #tpu.memory_space<vmem>> -> memref<80x128xf32, #tpu.memory_space<vmem>>
      %dma_start3A_257 = arith.constant 0 : i32
      %dma_start3A_258 = tpu.memref_slice %arg8[%add3A_251, %dma_start3A_257] : memref<125x80xi32, #tpu.memory_space<vmem>> -> memref<1x80xi32, #tpu.memory_space<vmem>>
      %dma_start3A_259 = tpu.memref_squeeze %dma_start3A_258 : memref<1x80xi32, #tpu.memory_space<vmem>> -> memref<80xi32, #tpu.memory_space<vmem>>
      %dma_start3A_260 = arith.constant 0 : i32
      %dma_start3A_261 = arith.constant 0 : i32
      %dma_start3A_262 = tpu.memref_slice %arg10[%dma_start3A_260, %dma_start3A_261] : memref<10000x128xf32, #tpu.memory_space<vmem_shared>> -> memref<10000x128xf32, #tpu.memory_space<vmem_shared>>
      tpu.enqueue_indirect_dma source(%dma_start3A_256 : memref<80x128xf32, #tpu.memory_space<vmem>>) target(%dma_start3A_262 : memref<10000x128xf32, #tpu.memory_space<vmem_shared>>) offsets(%dma_start3A_259 : memref<80xi32, #tpu.memory_space<vmem>>) semaphore(%arg13 : memref<!tpu.dma_semaphore, #tpu.memory_space<semaphore_mem>>) {add = true}
      %dma_wait3A_263 = arith.constant 1 : i32
      %dma_wait3A_264 = arith.constant 0 : i32
      %dma_wait3A_265 = arith.constant 0 : i32
      %dma_wait3A_266 = tpu.memref_slice %arg9[%dma_wait3A_263, %dma_wait3A_264, %dma_wait3A_265] : memref<2x80x128xf32, #tpu.memory_space<vmem>> -> memref<1x80x128xf32, #tpu.memory_space<vmem>>
      %dma_wait3A_267 = tpu.memref_squeeze %dma_wait3A_266 : memref<1x80x128xf32, #tpu.memory_space<vmem>> -> memref<80x128xf32, #tpu.memory_space<vmem>>
      %dma_wait3A_268 = arith.constant 0 : i32
      %dma_wait3A_269 = tpu.memref_slice %arg8[%add3A_251, %dma_wait3A_268] : memref<125x80xi32, #tpu.memory_space<vmem>> -> memref<1x80xi32, #tpu.memory_space<vmem>>
      %dma_wait3A_270 = tpu.memref_squeeze %dma_wait3A_269 : memref<1x80xi32, #tpu.memory_space<vmem>> -> memref<80xi32, #tpu.memory_space<vmem>>
      %dma_wait3A_271 = arith.constant 0 : i32
      %dma_wait3A_272 = arith.constant 0 : i32
      %dma_wait3A_273 = tpu.memref_slice %arg10[%dma_wait3A_271, %dma_wait3A_272] : memref<10000x128xf32, #tpu.memory_space<vmem_shared>> -> memref<10000x128xf32, #tpu.memory_space<vmem_shared>>
      tpu.wait_indirect_dma semaphore(%arg13 : memref<!tpu.dma_semaphore, #tpu.memory_space<semaphore_mem>>) src(%dma_wait3A_267 : memref<80x128xf32, #tpu.memory_space<vmem>>) dst(%dma_wait3A_273 : memref<10000x128xf32, #tpu.memory_space<vmem_shared>>)
      %dma_start3A_274 = arith.constant 3 : i32
      %dma_start3A_275 = arith.constant 1 : i32
      %dma_start3A_276 = arith.constant 0 : i32
      %dma_start3A_277 = arith.constant 0 : i32
      %dma_start3A_278 = tpu.memref_slice %arg9[%dma_start3A_275, %dma_start3A_276, %dma_start3A_277] : memref<2x80x128xf32, #tpu.memory_space<vmem>> -> memref<1x80x128xf32, #tpu.memory_space<vmem>>
      %dma_start3A_279 = tpu.memref_squeeze %dma_start3A_278 : memref<1x80x128xf32, #tpu.memory_space<vmem>> -> memref<80x128xf32, #tpu.memory_space<vmem>>
      %dma_start3A_280 = arith.constant 0 : i32
      %dma_start3A_281 = tpu.memref_slice %arg7[%dma_start3A_274, %dma_start3A_280] : memref<5x80xi32, #tpu.memory_space<vmem>> -> memref<1x80xi32, #tpu.memory_space<vmem>>
      %dma_start3A_282 = tpu.memref_squeeze %dma_start3A_281 : memref<1x80xi32, #tpu.memory_space<vmem>> -> memref<80xi32, #tpu.memory_space<vmem>>
      %dma_start3A_283 = arith.constant 0 : i32
      %dma_start3A_284 = arith.constant 0 : i32
      %dma_start3A_285 = tpu.memref_slice %arg2[%dma_start3A_283, %dma_start3A_284] : memref<10000x128xf32, #tpu.memory_space<hbm>> -> memref<10000x128xf32, #tpu.memory_space<hbm>>
      tpu.enqueue_indirect_dma source(%dma_start3A_285 : memref<10000x128xf32, #tpu.memory_space<hbm>>) target(%dma_start3A_279 : memref<80x128xf32, #tpu.memory_space<vmem>>) offsets(%dma_start3A_282 : memref<80xi32, #tpu.memory_space<vmem>>) semaphore(%arg12 : memref<!tpu.dma_semaphore, #tpu.memory_space<semaphore_mem>>)
      %dma_wait3A_286 = arith.constant 2 : i32
      %dma_wait3A_287 = arith.constant 0 : i32
      %dma_wait3A_288 = arith.constant 0 : i32
      %dma_wait3A_289 = arith.constant 0 : i32
      %dma_wait3A_290 = tpu.memref_slice %arg9[%dma_wait3A_287, %dma_wait3A_288, %dma_wait3A_289] : memref<2x80x128xf32, #tpu.memory_space<vmem>> -> memref<1x80x128xf32, #tpu.memory_space<vmem>>
      %dma_wait3A_291 = tpu.memref_squeeze %dma_wait3A_290 : memref<1x80x128xf32, #tpu.memory_space<vmem>> -> memref<80x128xf32, #tpu.memory_space<vmem>>
      %dma_wait3A_292 = arith.constant 0 : i32
      %dma_wait3A_293 = tpu.memref_slice %arg7[%dma_wait3A_286, %dma_wait3A_292] : memref<5x80xi32, #tpu.memory_space<vmem>> -> memref<1x80xi32, #tpu.memory_space<vmem>>
      %dma_wait3A_294 = tpu.memref_squeeze %dma_wait3A_293 : memref<1x80xi32, #tpu.memory_space<vmem>> -> memref<80xi32, #tpu.memory_space<vmem>>
      %dma_wait3A_295 = arith.constant 0 : i32
      %dma_wait3A_296 = arith.constant 0 : i32
      %dma_wait3A_297 = tpu.memref_slice %arg2[%dma_wait3A_295, %dma_wait3A_296] : memref<10000x128xf32, #tpu.memory_space<hbm>> -> memref<10000x128xf32, #tpu.memory_space<hbm>>
      tpu.wait_indirect_dma semaphore(%arg12 : memref<!tpu.dma_semaphore, #tpu.memory_space<semaphore_mem>>) src(%dma_wait3A_297 : memref<10000x128xf32, #tpu.memory_space<hbm>>) dst(%dma_wait3A_291 : memref<80x128xf32, #tpu.memory_space<vmem>>)
      %add3A_298 = arith.constant 2 : i32
      %add3A_299 = arith.addi %mul3A_27, %add3A_298 : i32
      %dma_start3A_300 = arith.constant 0 : i32
      %dma_start3A_301 = arith.constant 0 : i32
      %dma_start3A_302 = arith.constant 0 : i32
      %dma_start3A_303 = tpu.memref_slice %arg9[%dma_start3A_300, %dma_start3A_301, %dma_start3A_302] : memref<2x80x128xf32, #tpu.memory_space<vmem>> -> memref<1x80x128xf32, #tpu.memory_space<vmem>>
      %dma_start3A_304 = tpu.memref_squeeze %dma_start3A_303 : memref<1x80x128xf32, #tpu.memory_space<vmem>> -> memref<80x128xf32, #tpu.memory_space<vmem>>
      %dma_start3A_305 = arith.constant 0 : i32
      %dma_start3A_306 = tpu.memref_slice %arg8[%add3A_299, %dma_start3A_305] : memref<125x80xi32, #tpu.memory_space<vmem>> -> memref<1x80xi32, #tpu.memory_space<vmem>>
      %dma_start3A_307 = tpu.memref_squeeze %dma_start3A_306 : memref<1x80xi32, #tpu.memory_space<vmem>> -> memref<80xi32, #tpu.memory_space<vmem>>
      %dma_start3A_308 = arith.constant 0 : i32
      %dma_start3A_309 = arith.constant 0 : i32
      %dma_start3A_310 = tpu.memref_slice %arg10[%dma_start3A_308, %dma_start3A_309] : memref<10000x128xf32, #tpu.memory_space<vmem_shared>> -> memref<10000x128xf32, #tpu.memory_space<vmem_shared>>
      tpu.enqueue_indirect_dma source(%dma_start3A_304 : memref<80x128xf32, #tpu.memory_space<vmem>>) target(%dma_start3A_310 : memref<10000x128xf32, #tpu.memory_space<vmem_shared>>) offsets(%dma_start3A_307 : memref<80xi32, #tpu.memory_space<vmem>>) semaphore(%arg13 : memref<!tpu.dma_semaphore, #tpu.memory_space<semaphore_mem>>) {add = true}
      %dma_wait3A_311 = arith.constant 0 : i32
      %dma_wait3A_312 = arith.constant 0 : i32
      %dma_wait3A_313 = arith.constant 0 : i32
      %dma_wait3A_314 = tpu.memref_slice %arg9[%dma_wait3A_311, %dma_wait3A_312, %dma_wait3A_313] : memref<2x80x128xf32, #tpu.memory_space<vmem>> -> memref<1x80x128xf32, #tpu.memory_space<vmem>>
      %dma_wait3A_315 = tpu.memref_squeeze %dma_wait3A_314 : memref<1x80x128xf32, #tpu.memory_space<vmem>> -> memref<80x128xf32, #tpu.memory_space<vmem>>
      %dma_wait3A_316 = arith.constant 0 : i32
      %dma_wait3A_317 = tpu.memref_slice %arg8[%add3A_299, %dma_wait3A_316] : memref<125x80xi32, #tpu.memory_space<vmem>> -> memref<1x80xi32, #tpu.memory_space<vmem>>
      %dma_wait3A_318 = tpu.memref_squeeze %dma_wait3A_317 : memref<1x80xi32, #tpu.memory_space<vmem>> -> memref<80xi32, #tpu.memory_space<vmem>>
      %dma_wait3A_319 = arith.constant 0 : i32
      %dma_wait3A_320 = arith.constant 0 : i32
      %dma_wait3A_321 = tpu.memref_slice %arg10[%dma_wait3A_319, %dma_wait3A_320] : memref<10000x128xf32, #tpu.memory_space<vmem_shared>> -> memref<10000x128xf32, #tpu.memory_space<vmem_shared>>
      tpu.wait_indirect_dma semaphore(%arg13 : memref<!tpu.dma_semaphore, #tpu.memory_space<semaphore_mem>>) src(%dma_wait3A_315 : memref<80x128xf32, #tpu.memory_space<vmem>>) dst(%dma_wait3A_321 : memref<10000x128xf32, #tpu.memory_space<vmem_shared>>)
      %dma_start3A_322 = arith.constant 4 : i32
      %dma_start3A_323 = arith.constant 0 : i32
      %dma_start3A_324 = arith.constant 0 : i32
      %dma_start3A_325 = arith.constant 0 : i32
      %dma_start3A_326 = tpu.memref_slice %arg9[%dma_start3A_323, %dma_start3A_324, %dma_start3A_325] : memref<2x80x128xf32, #tpu.memory_space<vmem>> -> memref<1x80x128xf32, #tpu.memory_space<vmem>>
      %dma_start3A_327 = tpu.memref_squeeze %dma_start3A_326 : memref<1x80x128xf32, #tpu.memory_space<vmem>> -> memref<80x128xf32, #tpu.memory_space<vmem>>
      %dma_start3A_328 = arith.constant 0 : i32
      %dma_start3A_329 = tpu.memref_slice %arg7[%dma_start3A_322, %dma_start3A_328] : memref<5x80xi32, #tpu.memory_space<vmem>> -> memref<1x80xi32, #tpu.memory_space<vmem>>
      %dma_start3A_330 = tpu.memref_squeeze %dma_start3A_329 : memref<1x80xi32, #tpu.memory_space<vmem>> -> memref<80xi32, #tpu.memory_space<vmem>>
      %dma_start3A_331 = arith.constant 0 : i32
      %dma_start3A_332 = arith.constant 0 : i32
      %dma_start3A_333 = tpu.memref_slice %arg2[%dma_start3A_331, %dma_start3A_332] : memref<10000x128xf32, #tpu.memory_space<hbm>> -> memref<10000x128xf32, #tpu.memory_space<hbm>>
      tpu.enqueue_indirect_dma source(%dma_start3A_333 : memref<10000x128xf32, #tpu.memory_space<hbm>>) target(%dma_start3A_327 : memref<80x128xf32, #tpu.memory_space<vmem>>) offsets(%dma_start3A_330 : memref<80xi32, #tpu.memory_space<vmem>>) semaphore(%arg12 : memref<!tpu.dma_semaphore, #tpu.memory_space<semaphore_mem>>)
      %dma_wait3A_334 = arith.constant 3 : i32
      %dma_wait3A_335 = arith.constant 1 : i32
      %dma_wait3A_336 = arith.constant 0 : i32
      %dma_wait3A_337 = arith.constant 0 : i32
      %dma_wait3A_338 = tpu.memref_slice %arg9[%dma_wait3A_335, %dma_wait3A_336, %dma_wait3A_337] : memref<2x80x128xf32, #tpu.memory_space<vmem>> -> memref<1x80x128xf32, #tpu.memory_space<vmem>>
      %dma_wait3A_339 = tpu.memref_squeeze %dma_wait3A_338 : memref<1x80x128xf32, #tpu.memory_space<vmem>> -> memref<80x128xf32, #tpu.memory_space<vmem>>
      %dma_wait3A_340 = arith.constant 0 : i32
      %dma_wait3A_341 = tpu.memref_slice %arg7[%dma_wait3A_334, %dma_wait3A_340] : memref<5x80xi32, #tpu.memory_space<vmem>> -> memref<1x80xi32, #tpu.memory_space<vmem>>
      %dma_wait3A_342 = tpu.memref_squeeze %dma_wait3A_341 : memref<1x80xi32, #tpu.memory_space<vmem>> -> memref<80xi32, #tpu.memory_space<vmem>>
      %dma_wait3A_343 = arith.constant 0 : i32
      %dma_wait3A_344 = arith.constant 0 : i32
      %dma_wait3A_345 = tpu.memref_slice %arg2[%dma_wait3A_343, %dma_wait3A_344] : memref<10000x128xf32, #tpu.memory_space<hbm>> -> memref<10000x128xf32, #tpu.memory_space<hbm>>
      tpu.wait_indirect_dma semaphore(%arg12 : memref<!tpu.dma_semaphore, #tpu.memory_space<semaphore_mem>>) src(%dma_wait3A_345 : memref<10000x128xf32, #tpu.memory_space<hbm>>) dst(%dma_wait3A_339 : memref<80x128xf32, #tpu.memory_space<vmem>>)
      %add3A_346 = arith.constant 3 : i32
      %add3A_347 = arith.addi %mul3A_27, %add3A_346 : i32
      %dma_start3A_348 = arith.constant 1 : i32
      %dma_start3A_349 = arith.constant 0 : i32
      %dma_start3A_350 = arith.constant 0 : i32
      %dma_start3A_351 = tpu.memref_slice %arg9[%dma_start3A_348, %dma_start3A_349, %dma_start3A_350] : memref<2x80x128xf32, #tpu.memory_space<vmem>> -> memref<1x80x128xf32, #tpu.memory_space<vmem>>
      %dma_start3A_352 = tpu.memref_squeeze %dma_start3A_351 : memref<1x80x128xf32, #tpu.memory_space<vmem>> -> memref<80x128xf32, #tpu.memory_space<vmem>>
      %dma_start3A_353 = arith.constant 0 : i32
      %dma_start3A_354 = tpu.memref_slice %arg8[%add3A_347, %dma_start3A_353] : memref<125x80xi32, #tpu.memory_space<vmem>> -> memref<1x80xi32, #tpu.memory_space<vmem>>
      %dma_start3A_355 = tpu.memref_squeeze %dma_start3A_354 : memref<1x80xi32, #tpu.memory_space<vmem>> -> memref<80xi32, #tpu.memory_space<vmem>>
      %dma_start3A_356 = arith.constant 0 : i32
      %dma_start3A_357 = arith.constant 0 : i32
      %dma_start3A_358 = tpu.memref_slice %arg10[%dma_start3A_356, %dma_start3A_357] : memref<10000x128xf32, #tpu.memory_space<vmem_shared>> -> memref<10000x128xf32, #tpu.memory_space<vmem_shared>>
      tpu.enqueue_indirect_dma source(%dma_start3A_352 : memref<80x128xf32, #tpu.memory_space<vmem>>) target(%dma_start3A_358 : memref<10000x128xf32, #tpu.memory_space<vmem_shared>>) offsets(%dma_start3A_355 : memref<80xi32, #tpu.memory_space<vmem>>) semaphore(%arg13 : memref<!tpu.dma_semaphore, #tpu.memory_space<semaphore_mem>>) {add = true}
      %dma_wait3A_359 = arith.constant 4 : i32
      %dma_wait3A_360 = arith.constant 0 : i32
      %dma_wait3A_361 = arith.constant 0 : i32
      %dma_wait3A_362 = arith.constant 0 : i32
      %dma_wait3A_363 = tpu.memref_slice %arg9[%dma_wait3A_360, %dma_wait3A_361, %dma_wait3A_362] : memref<2x80x128xf32, #tpu.memory_space<vmem>> -> memref<1x80x128xf32, #tpu.memory_space<vmem>>
      %dma_wait3A_364 = tpu.memref_squeeze %dma_wait3A_363 : memref<1x80x128xf32, #tpu.memory_space<vmem>> -> memref<80x128xf32, #tpu.memory_space<vmem>>
      %dma_wait3A_365 = arith.constant 0 : i32
      %dma_wait3A_366 = tpu.memref_slice %arg7[%dma_wait3A_359, %dma_wait3A_365] : memref<5x80xi32, #tpu.memory_space<vmem>> -> memref<1x80xi32, #tpu.memory_space<vmem>>
      %dma_wait3A_367 = tpu.memref_squeeze %dma_wait3A_366 : memref<1x80xi32, #tpu.memory_space<vmem>> -> memref<80xi32, #tpu.memory_space<vmem>>
      %dma_wait3A_368 = arith.constant 0 : i32
      %dma_wait3A_369 = arith.constant 0 : i32
      %dma_wait3A_370 = tpu.memref_slice %arg2[%dma_wait3A_368, %dma_wait3A_369] : memref<10000x128xf32, #tpu.memory_space<hbm>> -> memref<10000x128xf32, #tpu.memory_space<hbm>>
      tpu.wait_indirect_dma semaphore(%arg12 : memref<!tpu.dma_semaphore, #tpu.memory_space<semaphore_mem>>) src(%dma_wait3A_370 : memref<10000x128xf32, #tpu.memory_space<hbm>>) dst(%dma_wait3A_364 : memref<80x128xf32, #tpu.memory_space<vmem>>)
      %add3A_371 = arith.constant 4 : i32
      %add3A_372 = arith.addi %mul3A_27, %add3A_371 : i32
      %dma_start3A_373 = arith.constant 0 : i32
      %dma_start3A_374 = arith.constant 0 : i32
      %dma_start3A_375 = arith.constant 0 : i32
      %dma_start3A_376 = tpu.memref_slice %arg9[%dma_start3A_373, %dma_start3A_374, %dma_start3A_375] : memref<2x80x128xf32, #tpu.memory_space<vmem>> -> memref<1x80x128xf32, #tpu.memory_space<vmem>>
      %dma_start3A_377 = tpu.memref_squeeze %dma_start3A_376 : memref<1x80x128xf32, #tpu.memory_space<vmem>> -> memref<80x128xf32, #tpu.memory_space<vmem>>
      %dma_start3A_378 = arith.constant 0 : i32
      %dma_start3A_379 = tpu.memref_slice %arg8[%add3A_372, %dma_start3A_378] : memref<125x80xi32, #tpu.memory_space<vmem>> -> memref<1x80xi32, #tpu.memory_space<vmem>>
      %dma_start3A_380 = tpu.memref_squeeze %dma_start3A_379 : memref<1x80xi32, #tpu.memory_space<vmem>> -> memref<80xi32, #tpu.memory_space<vmem>>
      %dma_start3A_381 = arith.constant 0 : i32
      %dma_start3A_382 = arith.constant 0 : i32
      %dma_start3A_383 = tpu.memref_slice %arg10[%dma_start3A_381, %dma_start3A_382] : memref<10000x128xf32, #tpu.memory_space<vmem_shared>> -> memref<10000x128xf32, #tpu.memory_space<vmem_shared>>
      tpu.enqueue_indirect_dma source(%dma_start3A_377 : memref<80x128xf32, #tpu.memory_space<vmem>>) target(%dma_start3A_383 : memref<10000x128xf32, #tpu.memory_space<vmem_shared>>) offsets(%dma_start3A_380 : memref<80xi32, #tpu.memory_space<vmem>>) semaphore(%arg13 : memref<!tpu.dma_semaphore, #tpu.memory_space<semaphore_mem>>) {add = true}
      %dma_wait3A_384 = arith.constant 1 : i32
      %dma_wait3A_385 = arith.constant 0 : i32
      %dma_wait3A_386 = arith.constant 0 : i32
      %dma_wait3A_387 = tpu.memref_slice %arg9[%dma_wait3A_384, %dma_wait3A_385, %dma_wait3A_386] : memref<2x80x128xf32, #tpu.memory_space<vmem>> -> memref<1x80x128xf32, #tpu.memory_space<vmem>>
      %dma_wait3A_388 = tpu.memref_squeeze %dma_wait3A_387 : memref<1x80x128xf32, #tpu.memory_space<vmem>> -> memref<80x128xf32, #tpu.memory_space<vmem>>
      %dma_wait3A_389 = arith.constant 0 : i32
      %dma_wait3A_390 = tpu.memref_slice %arg8[%add3A_347, %dma_wait3A_389] : memref<125x80xi32, #tpu.memory_space<vmem>> -> memref<1x80xi32, #tpu.memory_space<vmem>>
      %dma_wait3A_391 = tpu.memref_squeeze %dma_wait3A_390 : memref<1x80xi32, #tpu.memory_space<vmem>> -> memref<80xi32, #tpu.memory_space<vmem>>
      %dma_wait3A_392 = arith.constant 0 : i32
      %dma_wait3A_393 = arith.constant 0 : i32
      %dma_wait3A_394 = tpu.memref_slice %arg10[%dma_wait3A_392, %dma_wait3A_393] : memref<10000x128xf32, #tpu.memory_space<vmem_shared>> -> memref<10000x128xf32, #tpu.memory_space<vmem_shared>>
      tpu.wait_indirect_dma semaphore(%arg13 : memref<!tpu.dma_semaphore, #tpu.memory_space<semaphore_mem>>) src(%dma_wait3A_388 : memref<80x128xf32, #tpu.memory_space<vmem>>) dst(%dma_wait3A_394 : memref<10000x128xf32, #tpu.memory_space<vmem_shared>>)
      %dma_wait3A_395 = arith.constant 0 : i32
      %dma_wait3A_396 = arith.constant 0 : i32
      %dma_wait3A_397 = arith.constant 0 : i32
      %dma_wait3A_398 = tpu.memref_slice %arg9[%dma_wait3A_395, %dma_wait3A_396, %dma_wait3A_397] : memref<2x80x128xf32, #tpu.memory_space<vmem>> -> memref<1x80x128xf32, #tpu.memory_space<vmem>>
      %dma_wait3A_399 = tpu.memref_squeeze %dma_wait3A_398 : memref<1x80x128xf32, #tpu.memory_space<vmem>> -> memref<80x128xf32, #tpu.memory_space<vmem>>
      %dma_wait3A_400 = arith.constant 0 : i32
      %dma_wait3A_401 = tpu.memref_slice %arg8[%add3A_372, %dma_wait3A_400] : memref<125x80xi32, #tpu.memory_space<vmem>> -> memref<1x80xi32, #tpu.memory_space<vmem>>
      %dma_wait3A_402 = tpu.memref_squeeze %dma_wait3A_401 : memref<1x80xi32, #tpu.memory_space<vmem>> -> memref<80xi32, #tpu.memory_space<vmem>>
      %dma_wait3A_403 = arith.constant 0 : i32
      %dma_wait3A_404 = arith.constant 0 : i32
      %dma_wait3A_405 = tpu.memref_slice %arg10[%dma_wait3A_403, %dma_wait3A_404] : memref<10000x128xf32, #tpu.memory_space<vmem_shared>> -> memref<10000x128xf32, #tpu.memory_space<vmem_shared>>
      tpu.wait_indirect_dma semaphore(%arg13 : memref<!tpu.dma_semaphore, #tpu.memory_space<semaphore_mem>>) src(%dma_wait3A_399 : memref<80x128xf32, #tpu.memory_space<vmem>>) dst(%dma_wait3A_405 : memref<10000x128xf32, #tpu.memory_space<vmem_shared>>)
    }
    %scan3A_13 = arith.constant 25 : i32
    %barrier3A_14 = arith.constant 0 : index
    tpu.barrier barrier_id(%barrier3A_14)
    %lt3A_15 = arith.constant 15 : i32
    %lt3A_16 = arith.cmpi slt, %arg1, %lt3A_15 : i32
    %convert_element_type3A_17 = arith.extui %lt3A_16 : i1 to i32
    %cond3A_18 = arith.constant 0 : i32
    %cond3A_19 = arith.cmpi ne, %convert_element_type3A_17, %cond3A_18 : i32
    scf.if %cond3A_19 {
      "tpu.region"() ({
        %run_scoped3A = tpu.sem_alloc : memref<!tpu.dma_semaphore, #tpu.memory_space<semaphore_mem>>
        %dma_start3A = arith.constant 0 : i32
        %dma_start3A_25 = tpu.memref_slice %arg6[%arg0, %mul3A_2, %dma_start3A] : memref<2x10000x128xf32, #tpu.memory_space<hbm>> -> memref<1x624x128xf32, #tpu.memory_space<hbm>>
        %dma_start3A_26 = tpu.memref_squeeze %dma_start3A_25 : memref<1x624x128xf32, #tpu.memory_space<hbm>> -> memref<624x128xf32, #tpu.memory_space<hbm>>
        %dma_start3A_27 = arith.constant 0 : i32
        %dma_start3A_28 = tpu.memref_slice %arg10[%mul3A_2, %dma_start3A_27] : memref<10000x128xf32, #tpu.memory_space<vmem_shared>> -> memref<624x128xf32, #tpu.memory_space<vmem_shared>>
        tpu.enqueue_dma source(%dma_start3A_28 : memref<624x128xf32, #tpu.memory_space<vmem_shared>>) target(%dma_start3A_26 : memref<624x128xf32, #tpu.memory_space<hbm>>) target_semaphore(%run_scoped3A : memref<!tpu.dma_semaphore, #tpu.memory_space<semaphore_mem>>)
        %dma_wait3A = arith.constant 0 : i32
        %dma_wait3A_29 = tpu.memref_slice %arg6[%arg0, %mul3A_2, %dma_wait3A] : memref<2x10000x128xf32, #tpu.memory_space<hbm>> -> memref<1x624x128xf32, #tpu.memory_space<hbm>>
        %dma_wait3A_30 = tpu.memref_squeeze %dma_wait3A_29 : memref<1x624x128xf32, #tpu.memory_space<hbm>> -> memref<624x128xf32, #tpu.memory_space<hbm>>
        %dma_wait3A_31 = arith.constant 0 : i32
        %dma_wait3A_32 = tpu.memref_slice %arg10[%mul3A_2, %dma_wait3A_31] : memref<10000x128xf32, #tpu.memory_space<vmem_shared>> -> memref<624x128xf32, #tpu.memory_space<vmem_shared>>
        tpu.wait_dma2 semaphore(%run_scoped3A : memref<!tpu.dma_semaphore, #tpu.memory_space<semaphore_mem>>) src(%dma_wait3A_32 : memref<624x128xf32, #tpu.memory_space<vmem_shared>>) dst(%dma_wait3A_30 : memref<624x128xf32, #tpu.memory_space<hbm>>)
        tpu.yield
      }) : () -> ()
    } else {
    }
    %eq3A_20 = arith.constant 15 : i32
    %eq3A_21 = arith.cmpi eq, %arg1, %eq3A_20 : i32
    %convert_element_type3A_22 = arith.extui %eq3A_21 : i1 to i32
    %cond3A_23 = arith.constant 0 : i32
    %cond3A_24 = arith.cmpi ne, %convert_element_type3A_22, %cond3A_23 : i32
    scf.if %cond3A_24 {
      "tpu.region"() ({
        %run_scoped3A = tpu.sem_alloc : memref<!tpu.dma_semaphore, #tpu.memory_space<semaphore_mem>>
        %dma_start3A = arith.constant 0 : i32
        %dma_start3A_25 = tpu.memref_slice %arg6[%arg0, %mul3A_2, %dma_start3A] : memref<2x10000x128xf32, #tpu.memory_space<hbm>> -> memref<1x640x128xf32, #tpu.memory_space<hbm>>
        %dma_start3A_26 = tpu.memref_squeeze %dma_start3A_25 : memref<1x640x128xf32, #tpu.memory_space<hbm>> -> memref<640x128xf32, #tpu.memory_space<hbm>>
        %dma_start3A_27 = arith.constant 0 : i32
        %dma_start3A_28 = tpu.memref_slice %arg10[%mul3A_2, %dma_start3A_27] : memref<10000x128xf32, #tpu.memory_space<vmem_shared>> -> memref<640x128xf32, #tpu.memory_space<vmem_shared>>
        tpu.enqueue_dma source(%dma_start3A_28 : memref<640x128xf32, #tpu.memory_space<vmem_shared>>) target(%dma_start3A_26 : memref<640x128xf32, #tpu.memory_space<hbm>>) target_semaphore(%run_scoped3A : memref<!tpu.dma_semaphore, #tpu.memory_space<semaphore_mem>>)
        %dma_wait3A = arith.constant 0 : i32
        %dma_wait3A_29 = tpu.memref_slice %arg6[%arg0, %mul3A_2, %dma_wait3A] : memref<2x10000x128xf32, #tpu.memory_space<hbm>> -> memref<1x640x128xf32, #tpu.memory_space<hbm>>
        %dma_wait3A_30 = tpu.memref_squeeze %dma_wait3A_29 : memref<1x640x128xf32, #tpu.memory_space<hbm>> -> memref<640x128xf32, #tpu.memory_space<hbm>>
        %dma_wait3A_31 = arith.constant 0 : i32
        %dma_wait3A_32 = tpu.memref_slice %arg10[%mul3A_2, %dma_wait3A_31] : memref<10000x128xf32, #tpu.memory_space<vmem_shared>> -> memref<640x128xf32, #tpu.memory_space<vmem_shared>>
        tpu.wait_dma2 semaphore(%run_scoped3A : memref<!tpu.dma_semaphore, #tpu.memory_space<semaphore_mem>>) src(%dma_wait3A_32 : memref<640x128xf32, #tpu.memory_space<vmem_shared>>) dst(%dma_wait3A_30 : memref<640x128xf32, #tpu.memory_space<hbm>>)
        tpu.yield
      }) : () -> ()
    } else {
    }
    return
  }
}

#map = affine_map<(d0, d1) -> (0, 0)>
#map1 = affine_map<(d0, d1) -> (0, 0, 0)>
module attributes {stable_mosaic.version = 14 : i64} {
  func.func @_edge_pass(%arg0: i32, %arg1: i32, %arg2: memref<10000x128xf32, #tpu.memory_space<hbm>>, %arg3: memref<32x125x80xi32, #tpu.memory_space<hbm>>, %arg4: memref<32x125x80xi32, #tpu.memory_space<hbm>>, %arg5: memref<640x128xf32, #tpu.memory_space<hbm>>, %arg6: memref<2x10000x128xf32, #tpu.memory_space<hbm>>, %arg7: memref<5x80xi32, #tpu.memory_space<vmem>>, %arg8: memref<125x80xi32, #tpu.memory_space<vmem>>, %arg9: memref<2x80x128xf32, #tpu.memory_space<vmem>>, %arg10: memref<10000x128xf32, #tpu.memory_space<vmem_shared>>, %arg11: memref<!tpu.dma_semaphore, #tpu.memory_space<semaphore_mem>>, %arg12: memref<!tpu.dma_semaphore, #tpu.memory_space<semaphore_mem>>, %arg13: memref<!tpu.dma_semaphore, #tpu.memory_space<semaphore_mem>>) attributes {dimension_semantics = [#tpu.dimension_semantics<core_parallel>, #tpu.dimension_semantics<subcore_parallel>], iteration_bounds = array<i64: 2, 16>, scalar_prefetch = 0 : i64, scratch_operands = 7 : i64, tpu.core_type = #tpu.core_type<sc_vector_subcore>, window_params = [{transform_indices = #map}, {transform_indices = #map1}, {transform_indices = #map1}, {transform_indices = #map}, {transform_indices = #map1}]} {
    %mul3A = arith.constant 2 : i32
    %mul3A_0 = arith.muli %arg1, %mul3A : i32
    %add3A = arith.addi %mul3A_0, %arg0 : i32
    "tpu.region"() ({
      %run_scoped3A = tpu.sem_alloc : memref<!tpu.dma_semaphore, #tpu.memory_space<semaphore_mem>>
      %dma_start3A = arith.constant 0 : i32
      %dma_start3A_25 = arith.constant 0 : i32
      %dma_start3A_26 = tpu.memref_slice %arg4[%add3A, %dma_start3A, %dma_start3A_25] : memref<32x125x80xi32, #tpu.memory_space<hbm>> -> memref<1x125x80xi32, #tpu.memory_space<hbm>>
      %dma_start3A_27 = tpu.memref_squeeze %dma_start3A_26 : memref<1x125x80xi32, #tpu.memory_space<hbm>> -> memref<125x80xi32, #tpu.memory_space<hbm>>
      %dma_start3A_28 = arith.constant 0 : i32
      %dma_start3A_29 = arith.constant 0 : i32
      %dma_start3A_30 = tpu.memref_slice %arg4[%add3A, %dma_start3A_28, %dma_start3A_29] : memref<32x125x80xi32, #tpu.memory_space<hbm>> -> memref<1x125x80xi32, #tpu.memory_space<hbm>>
      %dma_start3A_31 = tpu.memref_squeeze %dma_start3A_30 : memref<1x125x80xi32, #tpu.memory_space<hbm>> -> memref<125x80xi32, #tpu.memory_space<hbm>>
      tpu.enqueue_dma source(%dma_start3A_31 : memref<125x80xi32, #tpu.memory_space<hbm>>) target(%arg8 : memref<125x80xi32, #tpu.memory_space<vmem>>) target_semaphore(%run_scoped3A : memref<!tpu.dma_semaphore, #tpu.memory_space<semaphore_mem>>)
      %dma_wait3A = arith.constant 0 : i32
      %dma_wait3A_32 = arith.constant 0 : i32
      %dma_wait3A_33 = tpu.memref_slice %arg4[%add3A, %dma_wait3A, %dma_wait3A_32] : memref<32x125x80xi32, #tpu.memory_space<hbm>> -> memref<1x125x80xi32, #tpu.memory_space<hbm>>
      %dma_wait3A_34 = tpu.memref_squeeze %dma_wait3A_33 : memref<1x125x80xi32, #tpu.memory_space<hbm>> -> memref<125x80xi32, #tpu.memory_space<hbm>>
      %dma_wait3A_35 = arith.constant 0 : i32
      %dma_wait3A_36 = arith.constant 0 : i32
      %dma_wait3A_37 = tpu.memref_slice %arg4[%add3A, %dma_wait3A_35, %dma_wait3A_36] : memref<32x125x80xi32, #tpu.memory_space<hbm>> -> memref<1x125x80xi32, #tpu.memory_space<hbm>>
      %dma_wait3A_38 = tpu.memref_squeeze %dma_wait3A_37 : memref<1x125x80xi32, #tpu.memory_space<hbm>> -> memref<125x80xi32, #tpu.memory_space<hbm>>
      tpu.wait_dma2 semaphore(%run_scoped3A : memref<!tpu.dma_semaphore, #tpu.memory_space<semaphore_mem>>) src(%dma_wait3A_38 : memref<125x80xi32, #tpu.memory_space<hbm>>) dst(%arg8 : memref<125x80xi32, #tpu.memory_space<vmem>>)
      tpu.yield
    }) : () -> ()
    %mul3A_1 = arith.constant 624 : i32
    %mul3A_2 = arith.muli %arg1, %mul3A_1 : i32
    %lt3A = arith.constant 15 : i32
    %lt3A_3 = arith.cmpi slt, %arg1, %lt3A : i32
    %convert_element_type3A = arith.extui %lt3A_3 : i1 to i32
    %cond3A = arith.constant 0 : i32
    %cond3A_4 = arith.cmpi ne, %convert_element_type3A, %cond3A : i32
    scf.if %cond3A_4 {
      "tpu.region"() ({
        %run_scoped3A = tpu.sem_alloc : memref<!tpu.dma_semaphore, #tpu.memory_space<semaphore_mem>>
        %dma_start3A = arith.constant 0 : i32
        %dma_start3A_25 = tpu.memref_slice %arg10[%mul3A_2, %dma_start3A] : memref<10000x128xf32, #tpu.memory_space<vmem_shared>> -> memref<624x128xf32, #tpu.memory_space<vmem_shared>>
        %dma_start3A_26 = arith.constant 0 : i32
        %dma_start3A_27 = arith.constant 0 : i32
        %dma_start3A_28 = tpu.memref_slice %arg5[%dma_start3A_26, %dma_start3A_27] : memref<640x128xf32, #tpu.memory_space<hbm>> -> memref<624x128xf32, #tpu.memory_space<hbm>>
        tpu.enqueue_dma source(%dma_start3A_28 : memref<624x128xf32, #tpu.memory_space<hbm>>) target(%dma_start3A_25 : memref<624x128xf32, #tpu.memory_space<vmem_shared>>) target_semaphore(%run_scoped3A : memref<!tpu.dma_semaphore, #tpu.memory_space<semaphore_mem>>)
        %dma_wait3A = arith.constant 0 : i32
        %dma_wait3A_29 = tpu.memref_slice %arg10[%mul3A_2, %dma_wait3A] : memref<10000x128xf32, #tpu.memory_space<vmem_shared>> -> memref<624x128xf32, #tpu.memory_space<vmem_shared>>
        %dma_wait3A_30 = arith.constant 0 : i32
        %dma_wait3A_31 = arith.constant 0 : i32
        %dma_wait3A_32 = tpu.memref_slice %arg5[%dma_wait3A_30, %dma_wait3A_31] : memref<640x128xf32, #tpu.memory_space<hbm>> -> memref<624x128xf32, #tpu.memory_space<hbm>>
        tpu.wait_dma2 semaphore(%run_scoped3A : memref<!tpu.dma_semaphore, #tpu.memory_space<semaphore_mem>>) src(%dma_wait3A_32 : memref<624x128xf32, #tpu.memory_space<hbm>>) dst(%dma_wait3A_29 : memref<624x128xf32, #tpu.memory_space<vmem_shared>>)
        tpu.yield
      }) : () -> ()
    } else {
    }
    %eq3A = arith.constant 15 : i32
    %eq3A_5 = arith.cmpi eq, %arg1, %eq3A : i32
    %convert_element_type3A_6 = arith.extui %eq3A_5 : i1 to i32
    %cond3A_7 = arith.constant 0 : i32
    %cond3A_8 = arith.cmpi ne, %convert_element_type3A_6, %cond3A_7 : i32
    scf.if %cond3A_8 {
      "tpu.region"() ({
        %run_scoped3A = tpu.sem_alloc : memref<!tpu.dma_semaphore, #tpu.memory_space<semaphore_mem>>
        %dma_start3A = arith.constant 0 : i32
        %dma_start3A_25 = tpu.memref_slice %arg10[%mul3A_2, %dma_start3A] : memref<10000x128xf32, #tpu.memory_space<vmem_shared>> -> memref<640x128xf32, #tpu.memory_space<vmem_shared>>
        tpu.enqueue_dma source(%arg5 : memref<640x128xf32, #tpu.memory_space<hbm>>) target(%dma_start3A_25 : memref<640x128xf32, #tpu.memory_space<vmem_shared>>) target_semaphore(%run_scoped3A : memref<!tpu.dma_semaphore, #tpu.memory_space<semaphore_mem>>)
        %dma_wait3A = arith.constant 0 : i32
        %dma_wait3A_26 = tpu.memref_slice %arg10[%mul3A_2, %dma_wait3A] : memref<10000x128xf32, #tpu.memory_space<vmem_shared>> -> memref<640x128xf32, #tpu.memory_space<vmem_shared>>
        tpu.wait_dma2 semaphore(%run_scoped3A : memref<!tpu.dma_semaphore, #tpu.memory_space<semaphore_mem>>) src(%arg5 : memref<640x128xf32, #tpu.memory_space<hbm>>) dst(%dma_wait3A_26 : memref<640x128xf32, #tpu.memory_space<vmem_shared>>)
        tpu.yield
      }) : () -> ()
    } else {
    }
    %barrier3A = arith.constant 0 : index
    tpu.barrier barrier_id(%barrier3A)
    %scan3A = arith.constant 0 : i32
    %scan3A_9 = arith.constant 0 : i32
    %scan3A_10 = arith.constant 25 : i32
    %scan3A_11 = arith.addi %scan3A_9, %scan3A_10 : i32
    %scan3A_12 = arith.constant 1 : i32
    scf.for %scan3A_25 = %scan3A_9 to %scan3A_11 step %scan3A_12  : i32 {
      %mul3A_26 = arith.constant 5 : i32
      %mul3A_27 = arith.muli %scan3A_25, %mul3A_26 : i32
      %add3A_28 = arith.constant 0 : i32
      %add3A_29 = arith.addi %mul3A_27, %add3A_28 : i32
      %dma_start3A = arith.constant 0 : i32
      %dma_start3A_30 = arith.constant 0 : i32
      %dma_start3A_31 = tpu.memref_slice %arg7[%dma_start3A, %dma_start3A_30] : memref<5x80xi32, #tpu.memory_space<vmem>> -> memref<1x80xi32, #tpu.memory_space<vmem>>
      %dma_start3A_32 = tpu.memref_squeeze %dma_start3A_31 : memref<1x80xi32, #tpu.memory_space<vmem>> -> memref<80xi32, #tpu.memory_space<vmem>>
      %dma_start3A_33 = arith.constant 0 : i32
      %dma_start3A_34 = tpu.memref_slice %arg3[%add3A, %add3A_29, %dma_start3A_33] : memref<32x125x80xi32, #tpu.memory_space<hbm>> -> memref<1x1x80xi32, #tpu.memory_space<hbm>>
      %dma_start3A_35 = tpu.memref_squeeze %dma_start3A_34 : memref<1x1x80xi32, #tpu.memory_space<hbm>> -> memref<80xi32, #tpu.memory_space<hbm>>
      %dma_start3A_36 = arith.constant 0 : i32
      %dma_start3A_37 = tpu.memref_slice %arg7[%dma_start3A, %dma_start3A_36] : memref<5x80xi32, #tpu.memory_space<vmem>> -> memref<1x80xi32, #tpu.memory_space<vmem>>
      %dma_start3A_38 = tpu.memref_squeeze %dma_start3A_37 : memref<1x80xi32, #tpu.memory_space<vmem>> -> memref<80xi32, #tpu.memory_space<vmem>>
      %dma_start3A_39 = arith.constant 0 : i32
      %dma_start3A_40 = tpu.memref_slice %arg3[%add3A, %add3A_29, %dma_start3A_39] : memref<32x125x80xi32, #tpu.memory_space<hbm>> -> memref<1x1x80xi32, #tpu.memory_space<hbm>>
      %dma_start3A_41 = tpu.memref_squeeze %dma_start3A_40 : memref<1x1x80xi32, #tpu.memory_space<hbm>> -> memref<80xi32, #tpu.memory_space<hbm>>
      tpu.enqueue_dma source(%dma_start3A_41 : memref<80xi32, #tpu.memory_space<hbm>>) target(%dma_start3A_38 : memref<80xi32, #tpu.memory_space<vmem>>) target_semaphore(%arg11 : memref<!tpu.dma_semaphore, #tpu.memory_space<semaphore_mem>>)
      %add3A_42 = arith.constant 1 : i32
      %add3A_43 = arith.addi %mul3A_27, %add3A_42 : i32
      %dma_start3A_44 = arith.constant 1 : i32
      %dma_start3A_45 = arith.constant 0 : i32
      %dma_start3A_46 = tpu.memref_slice %arg7[%dma_start3A_44, %dma_start3A_45] : memref<5x80xi32, #tpu.memory_space<vmem>> -> memref<1x80xi32, #tpu.memory_space<vmem>>
      %dma_start3A_47 = tpu.memref_squeeze %dma_start3A_46 : memref<1x80xi32, #tpu.memory_space<vmem>> -> memref<80xi32, #tpu.memory_space<vmem>>
      %dma_start3A_48 = arith.constant 0 : i32
      %dma_start3A_49 = tpu.memref_slice %arg3[%add3A, %add3A_43, %dma_start3A_48] : memref<32x125x80xi32, #tpu.memory_space<hbm>> -> memref<1x1x80xi32, #tpu.memory_space<hbm>>
      %dma_start3A_50 = tpu.memref_squeeze %dma_start3A_49 : memref<1x1x80xi32, #tpu.memory_space<hbm>> -> memref<80xi32, #tpu.memory_space<hbm>>
      %dma_start3A_51 = arith.constant 0 : i32
      %dma_start3A_52 = tpu.memref_slice %arg7[%dma_start3A_44, %dma_start3A_51] : memref<5x80xi32, #tpu.memory_space<vmem>> -> memref<1x80xi32, #tpu.memory_space<vmem>>
      %dma_start3A_53 = tpu.memref_squeeze %dma_start3A_52 : memref<1x80xi32, #tpu.memory_space<vmem>> -> memref<80xi32, #tpu.memory_space<vmem>>
      %dma_start3A_54 = arith.constant 0 : i32
      %dma_start3A_55 = tpu.memref_slice %arg3[%add3A, %add3A_43, %dma_start3A_54] : memref<32x125x80xi32, #tpu.memory_space<hbm>> -> memref<1x1x80xi32, #tpu.memory_space<hbm>>
      %dma_start3A_56 = tpu.memref_squeeze %dma_start3A_55 : memref<1x1x80xi32, #tpu.memory_space<hbm>> -> memref<80xi32, #tpu.memory_space<hbm>>
      tpu.enqueue_dma source(%dma_start3A_56 : memref<80xi32, #tpu.memory_space<hbm>>) target(%dma_start3A_53 : memref<80xi32, #tpu.memory_space<vmem>>) target_semaphore(%arg11 : memref<!tpu.dma_semaphore, #tpu.memory_space<semaphore_mem>>)
      %add3A_57 = arith.constant 2 : i32
      %add3A_58 = arith.addi %mul3A_27, %add3A_57 : i32
      %dma_start3A_59 = arith.constant 2 : i32
      %dma_start3A_60 = arith.constant 0 : i32
      %dma_start3A_61 = tpu.memref_slice %arg7[%dma_start3A_59, %dma_start3A_60] : memref<5x80xi32, #tpu.memory_space<vmem>> -> memref<1x80xi32, #tpu.memory_space<vmem>>
      %dma_start3A_62 = tpu.memref_squeeze %dma_start3A_61 : memref<1x80xi32, #tpu.memory_space<vmem>> -> memref<80xi32, #tpu.memory_space<vmem>>
      %dma_start3A_63 = arith.constant 0 : i32
      %dma_start3A_64 = tpu.memref_slice %arg3[%add3A, %add3A_58, %dma_start3A_63] : memref<32x125x80xi32, #tpu.memory_space<hbm>> -> memref<1x1x80xi32, #tpu.memory_space<hbm>>
      %dma_start3A_65 = tpu.memref_squeeze %dma_start3A_64 : memref<1x1x80xi32, #tpu.memory_space<hbm>> -> memref<80xi32, #tpu.memory_space<hbm>>
      %dma_start3A_66 = arith.constant 0 : i32
      %dma_start3A_67 = tpu.memref_slice %arg7[%dma_start3A_59, %dma_start3A_66] : memref<5x80xi32, #tpu.memory_space<vmem>> -> memref<1x80xi32, #tpu.memory_space<vmem>>
      %dma_start3A_68 = tpu.memref_squeeze %dma_start3A_67 : memref<1x80xi32, #tpu.memory_space<vmem>> -> memref<80xi32, #tpu.memory_space<vmem>>
      %dma_start3A_69 = arith.constant 0 : i32
      %dma_start3A_70 = tpu.memref_slice %arg3[%add3A, %add3A_58, %dma_start3A_69] : memref<32x125x80xi32, #tpu.memory_space<hbm>> -> memref<1x1x80xi32, #tpu.memory_space<hbm>>
      %dma_start3A_71 = tpu.memref_squeeze %dma_start3A_70 : memref<1x1x80xi32, #tpu.memory_space<hbm>> -> memref<80xi32, #tpu.memory_space<hbm>>
      tpu.enqueue_dma source(%dma_start3A_71 : memref<80xi32, #tpu.memory_space<hbm>>) target(%dma_start3A_68 : memref<80xi32, #tpu.memory_space<vmem>>) target_semaphore(%arg11 : memref<!tpu.dma_semaphore, #tpu.memory_space<semaphore_mem>>)
      %add3A_72 = arith.constant 3 : i32
      %add3A_73 = arith.addi %mul3A_27, %add3A_72 : i32
      %dma_start3A_74 = arith.constant 3 : i32
      %dma_start3A_75 = arith.constant 0 : i32
      %dma_start3A_76 = tpu.memref_slice %arg7[%dma_start3A_74, %dma_start3A_75] : memref<5x80xi32, #tpu.memory_space<vmem>> -> memref<1x80xi32, #tpu.memory_space<vmem>>
      %dma_start3A_77 = tpu.memref_squeeze %dma_start3A_76 : memref<1x80xi32, #tpu.memory_space<vmem>> -> memref<80xi32, #tpu.memory_space<vmem>>
      %dma_start3A_78 = arith.constant 0 : i32
      %dma_start3A_79 = tpu.memref_slice %arg3[%add3A, %add3A_73, %dma_start3A_78] : memref<32x125x80xi32, #tpu.memory_space<hbm>> -> memref<1x1x80xi32, #tpu.memory_space<hbm>>
      %dma_start3A_80 = tpu.memref_squeeze %dma_start3A_79 : memref<1x1x80xi32, #tpu.memory_space<hbm>> -> memref<80xi32, #tpu.memory_space<hbm>>
      %dma_start3A_81 = arith.constant 0 : i32
      %dma_start3A_82 = tpu.memref_slice %arg7[%dma_start3A_74, %dma_start3A_81] : memref<5x80xi32, #tpu.memory_space<vmem>> -> memref<1x80xi32, #tpu.memory_space<vmem>>
      %dma_start3A_83 = tpu.memref_squeeze %dma_start3A_82 : memref<1x80xi32, #tpu.memory_space<vmem>> -> memref<80xi32, #tpu.memory_space<vmem>>
      %dma_start3A_84 = arith.constant 0 : i32
      %dma_start3A_85 = tpu.memref_slice %arg3[%add3A, %add3A_73, %dma_start3A_84] : memref<32x125x80xi32, #tpu.memory_space<hbm>> -> memref<1x1x80xi32, #tpu.memory_space<hbm>>
      %dma_start3A_86 = tpu.memref_squeeze %dma_start3A_85 : memref<1x1x80xi32, #tpu.memory_space<hbm>> -> memref<80xi32, #tpu.memory_space<hbm>>
      tpu.enqueue_dma source(%dma_start3A_86 : memref<80xi32, #tpu.memory_space<hbm>>) target(%dma_start3A_83 : memref<80xi32, #tpu.memory_space<vmem>>) target_semaphore(%arg11 : memref<!tpu.dma_semaphore, #tpu.memory_space<semaphore_mem>>)
      %add3A_87 = arith.constant 4 : i32
      %add3A_88 = arith.addi %mul3A_27, %add3A_87 : i32
      %dma_start3A_89 = arith.constant 4 : i32
      %dma_start3A_90 = arith.constant 0 : i32
      %dma_start3A_91 = tpu.memref_slice %arg7[%dma_start3A_89, %dma_start3A_90] : memref<5x80xi32, #tpu.memory_space<vmem>> -> memref<1x80xi32, #tpu.memory_space<vmem>>
      %dma_start3A_92 = tpu.memref_squeeze %dma_start3A_91 : memref<1x80xi32, #tpu.memory_space<vmem>> -> memref<80xi32, #tpu.memory_space<vmem>>
      %dma_start3A_93 = arith.constant 0 : i32
      %dma_start3A_94 = tpu.memref_slice %arg3[%add3A, %add3A_88, %dma_start3A_93] : memref<32x125x80xi32, #tpu.memory_space<hbm>> -> memref<1x1x80xi32, #tpu.memory_space<hbm>>
      %dma_start3A_95 = tpu.memref_squeeze %dma_start3A_94 : memref<1x1x80xi32, #tpu.memory_space<hbm>> -> memref<80xi32, #tpu.memory_space<hbm>>
      %dma_start3A_96 = arith.constant 0 : i32
      %dma_start3A_97 = tpu.memref_slice %arg7[%dma_start3A_89, %dma_start3A_96] : memref<5x80xi32, #tpu.memory_space<vmem>> -> memref<1x80xi32, #tpu.memory_space<vmem>>
      %dma_start3A_98 = tpu.memref_squeeze %dma_start3A_97 : memref<1x80xi32, #tpu.memory_space<vmem>> -> memref<80xi32, #tpu.memory_space<vmem>>
      %dma_start3A_99 = arith.constant 0 : i32
      %dma_start3A_100 = tpu.memref_slice %arg3[%add3A, %add3A_88, %dma_start3A_99] : memref<32x125x80xi32, #tpu.memory_space<hbm>> -> memref<1x1x80xi32, #tpu.memory_space<hbm>>
      %dma_start3A_101 = tpu.memref_squeeze %dma_start3A_100 : memref<1x1x80xi32, #tpu.memory_space<hbm>> -> memref<80xi32, #tpu.memory_space<hbm>>
      tpu.enqueue_dma source(%dma_start3A_101 : memref<80xi32, #tpu.memory_space<hbm>>) target(%dma_start3A_98 : memref<80xi32, #tpu.memory_space<vmem>>) target_semaphore(%arg11 : memref<!tpu.dma_semaphore, #tpu.memory_space<semaphore_mem>>)
      %dma_wait3A = arith.constant 0 : i32
      %dma_wait3A_102 = arith.constant 0 : i32
      %dma_wait3A_103 = tpu.memref_slice %arg7[%dma_wait3A, %dma_wait3A_102] : memref<5x80xi32, #tpu.memory_space<vmem>> -> memref<1x80xi32, #tpu.memory_space<vmem>>
      %dma_wait3A_104 = tpu.memref_squeeze %dma_wait3A_103 : memref<1x80xi32, #tpu.memory_space<vmem>> -> memref<80xi32, #tpu.memory_space<vmem>>
      %dma_wait3A_105 = arith.constant 0 : i32
      %dma_wait3A_106 = tpu.memref_slice %arg3[%add3A, %add3A_29, %dma_wait3A_105] : memref<32x125x80xi32, #tpu.memory_space<hbm>> -> memref<1x1x80xi32, #tpu.memory_space<hbm>>
      %dma_wait3A_107 = tpu.memref_squeeze %dma_wait3A_106 : memref<1x1x80xi32, #tpu.memory_space<hbm>> -> memref<80xi32, #tpu.memory_space<hbm>>
      %dma_wait3A_108 = arith.constant 0 : i32
      %dma_wait3A_109 = tpu.memref_slice %arg7[%dma_wait3A, %dma_wait3A_108] : memref<5x80xi32, #tpu.memory_space<vmem>> -> memref<1x80xi32, #tpu.memory_space<vmem>>
      %dma_wait3A_110 = tpu.memref_squeeze %dma_wait3A_109 : memref<1x80xi32, #tpu.memory_space<vmem>> -> memref<80xi32, #tpu.memory_space<vmem>>
      %dma_wait3A_111 = arith.constant 0 : i32
      %dma_wait3A_112 = tpu.memref_slice %arg3[%add3A, %add3A_29, %dma_wait3A_111] : memref<32x125x80xi32, #tpu.memory_space<hbm>> -> memref<1x1x80xi32, #tpu.memory_space<hbm>>
      %dma_wait3A_113 = tpu.memref_squeeze %dma_wait3A_112 : memref<1x1x80xi32, #tpu.memory_space<hbm>> -> memref<80xi32, #tpu.memory_space<hbm>>
      tpu.wait_dma2 semaphore(%arg11 : memref<!tpu.dma_semaphore, #tpu.memory_space<semaphore_mem>>) src(%dma_wait3A_113 : memref<80xi32, #tpu.memory_space<hbm>>) dst(%dma_wait3A_110 : memref<80xi32, #tpu.memory_space<vmem>>)
      %dma_wait3A_114 = arith.constant 1 : i32
      %dma_wait3A_115 = arith.constant 0 : i32
      %dma_wait3A_116 = tpu.memref_slice %arg7[%dma_wait3A_114, %dma_wait3A_115] : memref<5x80xi32, #tpu.memory_space<vmem>> -> memref<1x80xi32, #tpu.memory_space<vmem>>
      %dma_wait3A_117 = tpu.memref_squeeze %dma_wait3A_116 : memref<1x80xi32, #tpu.memory_space<vmem>> -> memref<80xi32, #tpu.memory_space<vmem>>
      %dma_wait3A_118 = arith.constant 0 : i32
      %dma_wait3A_119 = tpu.memref_slice %arg3[%add3A, %add3A_43, %dma_wait3A_118] : memref<32x125x80xi32, #tpu.memory_space<hbm>> -> memref<1x1x80xi32, #tpu.memory_space<hbm>>
      %dma_wait3A_120 = tpu.memref_squeeze %dma_wait3A_119 : memref<1x1x80xi32, #tpu.memory_space<hbm>> -> memref<80xi32, #tpu.memory_space<hbm>>
      %dma_wait3A_121 = arith.constant 0 : i32
      %dma_wait3A_122 = tpu.memref_slice %arg7[%dma_wait3A_114, %dma_wait3A_121] : memref<5x80xi32, #tpu.memory_space<vmem>> -> memref<1x80xi32, #tpu.memory_space<vmem>>
      %dma_wait3A_123 = tpu.memref_squeeze %dma_wait3A_122 : memref<1x80xi32, #tpu.memory_space<vmem>> -> memref<80xi32, #tpu.memory_space<vmem>>
      %dma_wait3A_124 = arith.constant 0 : i32
      %dma_wait3A_125 = tpu.memref_slice %arg3[%add3A, %add3A_43, %dma_wait3A_124] : memref<32x125x80xi32, #tpu.memory_space<hbm>> -> memref<1x1x80xi32, #tpu.memory_space<hbm>>
      %dma_wait3A_126 = tpu.memref_squeeze %dma_wait3A_125 : memref<1x1x80xi32, #tpu.memory_space<hbm>> -> memref<80xi32, #tpu.memory_space<hbm>>
      tpu.wait_dma2 semaphore(%arg11 : memref<!tpu.dma_semaphore, #tpu.memory_space<semaphore_mem>>) src(%dma_wait3A_126 : memref<80xi32, #tpu.memory_space<hbm>>) dst(%dma_wait3A_123 : memref<80xi32, #tpu.memory_space<vmem>>)
      %dma_wait3A_127 = arith.constant 2 : i32
      %dma_wait3A_128 = arith.constant 0 : i32
      %dma_wait3A_129 = tpu.memref_slice %arg7[%dma_wait3A_127, %dma_wait3A_128] : memref<5x80xi32, #tpu.memory_space<vmem>> -> memref<1x80xi32, #tpu.memory_space<vmem>>
      %dma_wait3A_130 = tpu.memref_squeeze %dma_wait3A_129 : memref<1x80xi32, #tpu.memory_space<vmem>> -> memref<80xi32, #tpu.memory_space<vmem>>
      %dma_wait3A_131 = arith.constant 0 : i32
      %dma_wait3A_132 = tpu.memref_slice %arg3[%add3A, %add3A_58, %dma_wait3A_131] : memref<32x125x80xi32, #tpu.memory_space<hbm>> -> memref<1x1x80xi32, #tpu.memory_space<hbm>>
      %dma_wait3A_133 = tpu.memref_squeeze %dma_wait3A_132 : memref<1x1x80xi32, #tpu.memory_space<hbm>> -> memref<80xi32, #tpu.memory_space<hbm>>
      %dma_wait3A_134 = arith.constant 0 : i32
      %dma_wait3A_135 = tpu.memref_slice %arg7[%dma_wait3A_127, %dma_wait3A_134] : memref<5x80xi32, #tpu.memory_space<vmem>> -> memref<1x80xi32, #tpu.memory_space<vmem>>
      %dma_wait3A_136 = tpu.memref_squeeze %dma_wait3A_135 : memref<1x80xi32, #tpu.memory_space<vmem>> -> memref<80xi32, #tpu.memory_space<vmem>>
      %dma_wait3A_137 = arith.constant 0 : i32
      %dma_wait3A_138 = tpu.memref_slice %arg3[%add3A, %add3A_58, %dma_wait3A_137] : memref<32x125x80xi32, #tpu.memory_space<hbm>> -> memref<1x1x80xi32, #tpu.memory_space<hbm>>
      %dma_wait3A_139 = tpu.memref_squeeze %dma_wait3A_138 : memref<1x1x80xi32, #tpu.memory_space<hbm>> -> memref<80xi32, #tpu.memory_space<hbm>>
      tpu.wait_dma2 semaphore(%arg11 : memref<!tpu.dma_semaphore, #tpu.memory_space<semaphore_mem>>) src(%dma_wait3A_139 : memref<80xi32, #tpu.memory_space<hbm>>) dst(%dma_wait3A_136 : memref<80xi32, #tpu.memory_space<vmem>>)
      %dma_wait3A_140 = arith.constant 3 : i32
      %dma_wait3A_141 = arith.constant 0 : i32
      %dma_wait3A_142 = tpu.memref_slice %arg7[%dma_wait3A_140, %dma_wait3A_141] : memref<5x80xi32, #tpu.memory_space<vmem>> -> memref<1x80xi32, #tpu.memory_space<vmem>>
      %dma_wait3A_143 = tpu.memref_squeeze %dma_wait3A_142 : memref<1x80xi32, #tpu.memory_space<vmem>> -> memref<80xi32, #tpu.memory_space<vmem>>
      %dma_wait3A_144 = arith.constant 0 : i32
      %dma_wait3A_145 = tpu.memref_slice %arg3[%add3A, %add3A_73, %dma_wait3A_144] : memref<32x125x80xi32, #tpu.memory_space<hbm>> -> memref<1x1x80xi32, #tpu.memory_space<hbm>>
      %dma_wait3A_146 = tpu.memref_squeeze %dma_wait3A_145 : memref<1x1x80xi32, #tpu.memory_space<hbm>> -> memref<80xi32, #tpu.memory_space<hbm>>
      %dma_wait3A_147 = arith.constant 0 : i32
      %dma_wait3A_148 = tpu.memref_slice %arg7[%dma_wait3A_140, %dma_wait3A_147] : memref<5x80xi32, #tpu.memory_space<vmem>> -> memref<1x80xi32, #tpu.memory_space<vmem>>
      %dma_wait3A_149 = tpu.memref_squeeze %dma_wait3A_148 : memref<1x80xi32, #tpu.memory_space<vmem>> -> memref<80xi32, #tpu.memory_space<vmem>>
      %dma_wait3A_150 = arith.constant 0 : i32
      %dma_wait3A_151 = tpu.memref_slice %arg3[%add3A, %add3A_73, %dma_wait3A_150] : memref<32x125x80xi32, #tpu.memory_space<hbm>> -> memref<1x1x80xi32, #tpu.memory_space<hbm>>
      %dma_wait3A_152 = tpu.memref_squeeze %dma_wait3A_151 : memref<1x1x80xi32, #tpu.memory_space<hbm>> -> memref<80xi32, #tpu.memory_space<hbm>>
      tpu.wait_dma2 semaphore(%arg11 : memref<!tpu.dma_semaphore, #tpu.memory_space<semaphore_mem>>) src(%dma_wait3A_152 : memref<80xi32, #tpu.memory_space<hbm>>) dst(%dma_wait3A_149 : memref<80xi32, #tpu.memory_space<vmem>>)
      %dma_wait3A_153 = arith.constant 4 : i32
      %dma_wait3A_154 = arith.constant 0 : i32
      %dma_wait3A_155 = tpu.memref_slice %arg7[%dma_wait3A_153, %dma_wait3A_154] : memref<5x80xi32, #tpu.memory_space<vmem>> -> memref<1x80xi32, #tpu.memory_space<vmem>>
      %dma_wait3A_156 = tpu.memref_squeeze %dma_wait3A_155 : memref<1x80xi32, #tpu.memory_space<vmem>> -> memref<80xi32, #tpu.memory_space<vmem>>
      %dma_wait3A_157 = arith.constant 0 : i32
      %dma_wait3A_158 = tpu.memref_slice %arg3[%add3A, %add3A_88, %dma_wait3A_157] : memref<32x125x80xi32, #tpu.memory_space<hbm>> -> memref<1x1x80xi32, #tpu.memory_space<hbm>>
      %dma_wait3A_159 = tpu.memref_squeeze %dma_wait3A_158 : memref<1x1x80xi32, #tpu.memory_space<hbm>> -> memref<80xi32, #tpu.memory_space<hbm>>
      %dma_wait3A_160 = arith.constant 0 : i32
      %dma_wait3A_161 = tpu.memref_slice %arg7[%dma_wait3A_153, %dma_wait3A_160] : memref<5x80xi32, #tpu.memory_space<vmem>> -> memref<1x80xi32, #tpu.memory_space<vmem>>
      %dma_wait3A_162 = tpu.memref_squeeze %dma_wait3A_161 : memref<1x80xi32, #tpu.memory_space<vmem>> -> memref<80xi32, #tpu.memory_space<vmem>>
      %dma_wait3A_163 = arith.constant 0 : i32
      %dma_wait3A_164 = tpu.memref_slice %arg3[%add3A, %add3A_88, %dma_wait3A_163] : memref<32x125x80xi32, #tpu.memory_space<hbm>> -> memref<1x1x80xi32, #tpu.memory_space<hbm>>
      %dma_wait3A_165 = tpu.memref_squeeze %dma_wait3A_164 : memref<1x1x80xi32, #tpu.memory_space<hbm>> -> memref<80xi32, #tpu.memory_space<hbm>>
      tpu.wait_dma2 semaphore(%arg11 : memref<!tpu.dma_semaphore, #tpu.memory_space<semaphore_mem>>) src(%dma_wait3A_165 : memref<80xi32, #tpu.memory_space<hbm>>) dst(%dma_wait3A_162 : memref<80xi32, #tpu.memory_space<vmem>>)
      %dma_start3A_166 = arith.constant 0 : i32
      %dma_start3A_167 = arith.constant 0 : i32
      %dma_start3A_168 = arith.constant 0 : i32
      %dma_start3A_169 = arith.constant 0 : i32
      %dma_start3A_170 = tpu.memref_slice %arg9[%dma_start3A_167, %dma_start3A_168, %dma_start3A_169] : memref<2x80x128xf32, #tpu.memory_space<vmem>> -> memref<1x80x128xf32, #tpu.memory_space<vmem>>
      %dma_start3A_171 = tpu.memref_squeeze %dma_start3A_170 : memref<1x80x128xf32, #tpu.memory_space<vmem>> -> memref<80x128xf32, #tpu.memory_space<vmem>>
      %dma_start3A_172 = arith.constant 0 : i32
      %dma_start3A_173 = tpu.memref_slice %arg7[%dma_start3A_166, %dma_start3A_172] : memref<5x80xi32, #tpu.memory_space<vmem>> -> memref<1x80xi32, #tpu.memory_space<vmem>>
      %dma_start3A_174 = tpu.memref_squeeze %dma_start3A_173 : memref<1x80xi32, #tpu.memory_space<vmem>> -> memref<80xi32, #tpu.memory_space<vmem>>
      %dma_start3A_175 = arith.constant 0 : i32
      %dma_start3A_176 = arith.constant 0 : i32
      %dma_start3A_177 = tpu.memref_slice %arg2[%dma_start3A_175, %dma_start3A_176] : memref<10000x128xf32, #tpu.memory_space<hbm>> -> memref<10000x128xf32, #tpu.memory_space<hbm>>
      tpu.enqueue_indirect_dma source(%dma_start3A_177 : memref<10000x128xf32, #tpu.memory_space<hbm>>) target(%dma_start3A_171 : memref<80x128xf32, #tpu.memory_space<vmem>>) offsets(%dma_start3A_174 : memref<80xi32, #tpu.memory_space<vmem>>) semaphore(%arg12 : memref<!tpu.dma_semaphore, #tpu.memory_space<semaphore_mem>>)
      %dma_start3A_178 = arith.constant 1 : i32
      %dma_start3A_179 = arith.constant 1 : i32
      %dma_start3A_180 = arith.constant 0 : i32
      %dma_start3A_181 = arith.constant 0 : i32
      %dma_start3A_182 = tpu.memref_slice %arg9[%dma_start3A_179, %dma_start3A_180, %dma_start3A_181] : memref<2x80x128xf32, #tpu.memory_space<vmem>> -> memref<1x80x128xf32, #tpu.memory_space<vmem>>
      %dma_start3A_183 = tpu.memref_squeeze %dma_start3A_182 : memref<1x80x128xf32, #tpu.memory_space<vmem>> -> memref<80x128xf32, #tpu.memory_space<vmem>>
      %dma_start3A_184 = arith.constant 0 : i32
      %dma_start3A_185 = tpu.memref_slice %arg7[%dma_start3A_178, %dma_start3A_184] : memref<5x80xi32, #tpu.memory_space<vmem>> -> memref<1x80xi32, #tpu.memory_space<vmem>>
      %dma_start3A_186 = tpu.memref_squeeze %dma_start3A_185 : memref<1x80xi32, #tpu.memory_space<vmem>> -> memref<80xi32, #tpu.memory_space<vmem>>
      %dma_start3A_187 = arith.constant 0 : i32
      %dma_start3A_188 = arith.constant 0 : i32
      %dma_start3A_189 = tpu.memref_slice %arg2[%dma_start3A_187, %dma_start3A_188] : memref<10000x128xf32, #tpu.memory_space<hbm>> -> memref<10000x128xf32, #tpu.memory_space<hbm>>
      tpu.enqueue_indirect_dma source(%dma_start3A_189 : memref<10000x128xf32, #tpu.memory_space<hbm>>) target(%dma_start3A_183 : memref<80x128xf32, #tpu.memory_space<vmem>>) offsets(%dma_start3A_186 : memref<80xi32, #tpu.memory_space<vmem>>) semaphore(%arg12 : memref<!tpu.dma_semaphore, #tpu.memory_space<semaphore_mem>>)
      %dma_wait3A_190 = arith.constant 0 : i32
      %dma_wait3A_191 = arith.constant 0 : i32
      %dma_wait3A_192 = arith.constant 0 : i32
      %dma_wait3A_193 = arith.constant 0 : i32
      %dma_wait3A_194 = tpu.memref_slice %arg9[%dma_wait3A_191, %dma_wait3A_192, %dma_wait3A_193] : memref<2x80x128xf32, #tpu.memory_space<vmem>> -> memref<1x80x128xf32, #tpu.memory_space<vmem>>
      %dma_wait3A_195 = tpu.memref_squeeze %dma_wait3A_194 : memref<1x80x128xf32, #tpu.memory_space<vmem>> -> memref<80x128xf32, #tpu.memory_space<vmem>>
      %dma_wait3A_196 = arith.constant 0 : i32
      %dma_wait3A_197 = tpu.memref_slice %arg7[%dma_wait3A_190, %dma_wait3A_196] : memref<5x80xi32, #tpu.memory_space<vmem>> -> memref<1x80xi32, #tpu.memory_space<vmem>>
      %dma_wait3A_198 = tpu.memref_squeeze %dma_wait3A_197 : memref<1x80xi32, #tpu.memory_space<vmem>> -> memref<80xi32, #tpu.memory_space<vmem>>
      %dma_wait3A_199 = arith.constant 0 : i32
      %dma_wait3A_200 = arith.constant 0 : i32
      %dma_wait3A_201 = tpu.memref_slice %arg2[%dma_wait3A_199, %dma_wait3A_200] : memref<10000x128xf32, #tpu.memory_space<hbm>> -> memref<10000x128xf32, #tpu.memory_space<hbm>>
      tpu.wait_indirect_dma semaphore(%arg12 : memref<!tpu.dma_semaphore, #tpu.memory_space<semaphore_mem>>) src(%dma_wait3A_201 : memref<10000x128xf32, #tpu.memory_space<hbm>>) dst(%dma_wait3A_195 : memref<80x128xf32, #tpu.memory_space<vmem>>)
      %add3A_202 = arith.constant 0 : i32
      %add3A_203 = arith.addi %mul3A_27, %add3A_202 : i32
      %dma_start3A_204 = arith.constant 0 : i32
      %dma_start3A_205 = arith.constant 0 : i32
      %dma_start3A_206 = arith.constant 0 : i32
      %dma_start3A_207 = tpu.memref_slice %arg9[%dma_start3A_204, %dma_start3A_205, %dma_start3A_206] : memref<2x80x128xf32, #tpu.memory_space<vmem>> -> memref<1x80x128xf32, #tpu.memory_space<vmem>>
      %dma_start3A_208 = tpu.memref_squeeze %dma_start3A_207 : memref<1x80x128xf32, #tpu.memory_space<vmem>> -> memref<80x128xf32, #tpu.memory_space<vmem>>
      %dma_start3A_209 = arith.constant 0 : i32
      %dma_start3A_210 = tpu.memref_slice %arg8[%add3A_203, %dma_start3A_209] : memref<125x80xi32, #tpu.memory_space<vmem>> -> memref<1x80xi32, #tpu.memory_space<vmem>>
      %dma_start3A_211 = tpu.memref_squeeze %dma_start3A_210 : memref<1x80xi32, #tpu.memory_space<vmem>> -> memref<80xi32, #tpu.memory_space<vmem>>
      %dma_start3A_212 = arith.constant 0 : i32
      %dma_start3A_213 = arith.constant 0 : i32
      %dma_start3A_214 = tpu.memref_slice %arg10[%dma_start3A_212, %dma_start3A_213] : memref<10000x128xf32, #tpu.memory_space<vmem_shared>> -> memref<10000x128xf32, #tpu.memory_space<vmem_shared>>
      tpu.enqueue_indirect_dma source(%dma_start3A_208 : memref<80x128xf32, #tpu.memory_space<vmem>>) target(%dma_start3A_214 : memref<10000x128xf32, #tpu.memory_space<vmem_shared>>) offsets(%dma_start3A_211 : memref<80xi32, #tpu.memory_space<vmem>>) semaphore(%arg13 : memref<!tpu.dma_semaphore, #tpu.memory_space<semaphore_mem>>) {add = true}
      %dma_wait3A_215 = arith.constant 0 : i32
      %dma_wait3A_216 = arith.constant 0 : i32
      %dma_wait3A_217 = arith.constant 0 : i32
      %dma_wait3A_218 = tpu.memref_slice %arg9[%dma_wait3A_215, %dma_wait3A_216, %dma_wait3A_217] : memref<2x80x128xf32, #tpu.memory_space<vmem>> -> memref<1x80x128xf32, #tpu.memory_space<vmem>>
      %dma_wait3A_219 = tpu.memref_squeeze %dma_wait3A_218 : memref<1x80x128xf32, #tpu.memory_space<vmem>> -> memref<80x128xf32, #tpu.memory_space<vmem>>
      %dma_wait3A_220 = arith.constant 0 : i32
      %dma_wait3A_221 = tpu.memref_slice %arg8[%add3A_203, %dma_wait3A_220] : memref<125x80xi32, #tpu.memory_space<vmem>> -> memref<1x80xi32, #tpu.memory_space<vmem>>
      %dma_wait3A_222 = tpu.memref_squeeze %dma_wait3A_221 : memref<1x80xi32, #tpu.memory_space<vmem>> -> memref<80xi32, #tpu.memory_space<vmem>>
      %dma_wait3A_223 = arith.constant 0 : i32
      %dma_wait3A_224 = arith.constant 0 : i32
      %dma_wait3A_225 = tpu.memref_slice %arg10[%dma_wait3A_223, %dma_wait3A_224] : memref<10000x128xf32, #tpu.memory_space<vmem_shared>> -> memref<10000x128xf32, #tpu.memory_space<vmem_shared>>
      tpu.wait_indirect_dma semaphore(%arg13 : memref<!tpu.dma_semaphore, #tpu.memory_space<semaphore_mem>>) src(%dma_wait3A_219 : memref<80x128xf32, #tpu.memory_space<vmem>>) dst(%dma_wait3A_225 : memref<10000x128xf32, #tpu.memory_space<vmem_shared>>)
      %dma_start3A_226 = arith.constant 2 : i32
      %dma_start3A_227 = arith.constant 0 : i32
      %dma_start3A_228 = arith.constant 0 : i32
      %dma_start3A_229 = arith.constant 0 : i32
      %dma_start3A_230 = tpu.memref_slice %arg9[%dma_start3A_227, %dma_start3A_228, %dma_start3A_229] : memref<2x80x128xf32, #tpu.memory_space<vmem>> -> memref<1x80x128xf32, #tpu.memory_space<vmem>>
      %dma_start3A_231 = tpu.memref_squeeze %dma_start3A_230 : memref<1x80x128xf32, #tpu.memory_space<vmem>> -> memref<80x128xf32, #tpu.memory_space<vmem>>
      %dma_start3A_232 = arith.constant 0 : i32
      %dma_start3A_233 = tpu.memref_slice %arg7[%dma_start3A_226, %dma_start3A_232] : memref<5x80xi32, #tpu.memory_space<vmem>> -> memref<1x80xi32, #tpu.memory_space<vmem>>
      %dma_start3A_234 = tpu.memref_squeeze %dma_start3A_233 : memref<1x80xi32, #tpu.memory_space<vmem>> -> memref<80xi32, #tpu.memory_space<vmem>>
      %dma_start3A_235 = arith.constant 0 : i32
      %dma_start3A_236 = arith.constant 0 : i32
      %dma_start3A_237 = tpu.memref_slice %arg2[%dma_start3A_235, %dma_start3A_236] : memref<10000x128xf32, #tpu.memory_space<hbm>> -> memref<10000x128xf32, #tpu.memory_space<hbm>>
      tpu.enqueue_indirect_dma source(%dma_start3A_237 : memref<10000x128xf32, #tpu.memory_space<hbm>>) target(%dma_start3A_231 : memref<80x128xf32, #tpu.memory_space<vmem>>) offsets(%dma_start3A_234 : memref<80xi32, #tpu.memory_space<vmem>>) semaphore(%arg12 : memref<!tpu.dma_semaphore, #tpu.memory_space<semaphore_mem>>)
      %dma_wait3A_238 = arith.constant 1 : i32
      %dma_wait3A_239 = arith.constant 1 : i32
      %dma_wait3A_240 = arith.constant 0 : i32
      %dma_wait3A_241 = arith.constant 0 : i32
      %dma_wait3A_242 = tpu.memref_slice %arg9[%dma_wait3A_239, %dma_wait3A_240, %dma_wait3A_241] : memref<2x80x128xf32, #tpu.memory_space<vmem>> -> memref<1x80x128xf32, #tpu.memory_space<vmem>>
      %dma_wait3A_243 = tpu.memref_squeeze %dma_wait3A_242 : memref<1x80x128xf32, #tpu.memory_space<vmem>> -> memref<80x128xf32, #tpu.memory_space<vmem>>
      %dma_wait3A_244 = arith.constant 0 : i32
      %dma_wait3A_245 = tpu.memref_slice %arg7[%dma_wait3A_238, %dma_wait3A_244] : memref<5x80xi32, #tpu.memory_space<vmem>> -> memref<1x80xi32, #tpu.memory_space<vmem>>
      %dma_wait3A_246 = tpu.memref_squeeze %dma_wait3A_245 : memref<1x80xi32, #tpu.memory_space<vmem>> -> memref<80xi32, #tpu.memory_space<vmem>>
      %dma_wait3A_247 = arith.constant 0 : i32
      %dma_wait3A_248 = arith.constant 0 : i32
      %dma_wait3A_249 = tpu.memref_slice %arg2[%dma_wait3A_247, %dma_wait3A_248] : memref<10000x128xf32, #tpu.memory_space<hbm>> -> memref<10000x128xf32, #tpu.memory_space<hbm>>
      tpu.wait_indirect_dma semaphore(%arg12 : memref<!tpu.dma_semaphore, #tpu.memory_space<semaphore_mem>>) src(%dma_wait3A_249 : memref<10000x128xf32, #tpu.memory_space<hbm>>) dst(%dma_wait3A_243 : memref<80x128xf32, #tpu.memory_space<vmem>>)
      %add3A_250 = arith.constant 1 : i32
      %add3A_251 = arith.addi %mul3A_27, %add3A_250 : i32
      %dma_start3A_252 = arith.constant 1 : i32
      %dma_start3A_253 = arith.constant 0 : i32
      %dma_start3A_254 = arith.constant 0 : i32
      %dma_start3A_255 = tpu.memref_slice %arg9[%dma_start3A_252, %dma_start3A_253, %dma_start3A_254] : memref<2x80x128xf32, #tpu.memory_space<vmem>> -> memref<1x80x128xf32, #tpu.memory_space<vmem>>
      %dma_start3A_256 = tpu.memref_squeeze %dma_start3A_255 : memref<1x80x128xf32, #tpu.memory_space<vmem>> -> memref<80x128xf32, #tpu.memory_space<vmem>>
      %dma_start3A_257 = arith.constant 0 : i32
      %dma_start3A_258 = tpu.memref_slice %arg8[%add3A_251, %dma_start3A_257] : memref<125x80xi32, #tpu.memory_space<vmem>> -> memref<1x80xi32, #tpu.memory_space<vmem>>
      %dma_start3A_259 = tpu.memref_squeeze %dma_start3A_258 : memref<1x80xi32, #tpu.memory_space<vmem>> -> memref<80xi32, #tpu.memory_space<vmem>>
      %dma_start3A_260 = arith.constant 0 : i32
      %dma_start3A_261 = arith.constant 0 : i32
      %dma_start3A_262 = tpu.memref_slice %arg10[%dma_start3A_260, %dma_start3A_261] : memref<10000x128xf32, #tpu.memory_space<vmem_shared>> -> memref<10000x128xf32, #tpu.memory_space<vmem_shared>>
      tpu.enqueue_indirect_dma source(%dma_start3A_256 : memref<80x128xf32, #tpu.memory_space<vmem>>) target(%dma_start3A_262 : memref<10000x128xf32, #tpu.memory_space<vmem_shared>>) offsets(%dma_start3A_259 : memref<80xi32, #tpu.memory_space<vmem>>) semaphore(%arg13 : memref<!tpu.dma_semaphore, #tpu.memory_space<semaphore_mem>>) {add = true}
      %dma_wait3A_263 = arith.constant 1 : i32
      %dma_wait3A_264 = arith.constant 0 : i32
      %dma_wait3A_265 = arith.constant 0 : i32
      %dma_wait3A_266 = tpu.memref_slice %arg9[%dma_wait3A_263, %dma_wait3A_264, %dma_wait3A_265] : memref<2x80x128xf32, #tpu.memory_space<vmem>> -> memref<1x80x128xf32, #tpu.memory_space<vmem>>
      %dma_wait3A_267 = tpu.memref_squeeze %dma_wait3A_266 : memref<1x80x128xf32, #tpu.memory_space<vmem>> -> memref<80x128xf32, #tpu.memory_space<vmem>>
      %dma_wait3A_268 = arith.constant 0 : i32
      %dma_wait3A_269 = tpu.memref_slice %arg8[%add3A_251, %dma_wait3A_268] : memref<125x80xi32, #tpu.memory_space<vmem>> -> memref<1x80xi32, #tpu.memory_space<vmem>>
      %dma_wait3A_270 = tpu.memref_squeeze %dma_wait3A_269 : memref<1x80xi32, #tpu.memory_space<vmem>> -> memref<80xi32, #tpu.memory_space<vmem>>
      %dma_wait3A_271 = arith.constant 0 : i32
      %dma_wait3A_272 = arith.constant 0 : i32
      %dma_wait3A_273 = tpu.memref_slice %arg10[%dma_wait3A_271, %dma_wait3A_272] : memref<10000x128xf32, #tpu.memory_space<vmem_shared>> -> memref<10000x128xf32, #tpu.memory_space<vmem_shared>>
      tpu.wait_indirect_dma semaphore(%arg13 : memref<!tpu.dma_semaphore, #tpu.memory_space<semaphore_mem>>) src(%dma_wait3A_267 : memref<80x128xf32, #tpu.memory_space<vmem>>) dst(%dma_wait3A_273 : memref<10000x128xf32, #tpu.memory_space<vmem_shared>>)
      %dma_start3A_274 = arith.constant 3 : i32
      %dma_start3A_275 = arith.constant 1 : i32
      %dma_start3A_276 = arith.constant 0 : i32
      %dma_start3A_277 = arith.constant 0 : i32
      %dma_start3A_278 = tpu.memref_slice %arg9[%dma_start3A_275, %dma_start3A_276, %dma_start3A_277] : memref<2x80x128xf32, #tpu.memory_space<vmem>> -> memref<1x80x128xf32, #tpu.memory_space<vmem>>
      %dma_start3A_279 = tpu.memref_squeeze %dma_start3A_278 : memref<1x80x128xf32, #tpu.memory_space<vmem>> -> memref<80x128xf32, #tpu.memory_space<vmem>>
      %dma_start3A_280 = arith.constant 0 : i32
      %dma_start3A_281 = tpu.memref_slice %arg7[%dma_start3A_274, %dma_start3A_280] : memref<5x80xi32, #tpu.memory_space<vmem>> -> memref<1x80xi32, #tpu.memory_space<vmem>>
      %dma_start3A_282 = tpu.memref_squeeze %dma_start3A_281 : memref<1x80xi32, #tpu.memory_space<vmem>> -> memref<80xi32, #tpu.memory_space<vmem>>
      %dma_start3A_283 = arith.constant 0 : i32
      %dma_start3A_284 = arith.constant 0 : i32
      %dma_start3A_285 = tpu.memref_slice %arg2[%dma_start3A_283, %dma_start3A_284] : memref<10000x128xf32, #tpu.memory_space<hbm>> -> memref<10000x128xf32, #tpu.memory_space<hbm>>
      tpu.enqueue_indirect_dma source(%dma_start3A_285 : memref<10000x128xf32, #tpu.memory_space<hbm>>) target(%dma_start3A_279 : memref<80x128xf32, #tpu.memory_space<vmem>>) offsets(%dma_start3A_282 : memref<80xi32, #tpu.memory_space<vmem>>) semaphore(%arg12 : memref<!tpu.dma_semaphore, #tpu.memory_space<semaphore_mem>>)
      %dma_wait3A_286 = arith.constant 2 : i32
      %dma_wait3A_287 = arith.constant 0 : i32
      %dma_wait3A_288 = arith.constant 0 : i32
      %dma_wait3A_289 = arith.constant 0 : i32
      %dma_wait3A_290 = tpu.memref_slice %arg9[%dma_wait3A_287, %dma_wait3A_288, %dma_wait3A_289] : memref<2x80x128xf32, #tpu.memory_space<vmem>> -> memref<1x80x128xf32, #tpu.memory_space<vmem>>
      %dma_wait3A_291 = tpu.memref_squeeze %dma_wait3A_290 : memref<1x80x128xf32, #tpu.memory_space<vmem>> -> memref<80x128xf32, #tpu.memory_space<vmem>>
      %dma_wait3A_292 = arith.constant 0 : i32
      %dma_wait3A_293 = tpu.memref_slice %arg7[%dma_wait3A_286, %dma_wait3A_292] : memref<5x80xi32, #tpu.memory_space<vmem>> -> memref<1x80xi32, #tpu.memory_space<vmem>>
      %dma_wait3A_294 = tpu.memref_squeeze %dma_wait3A_293 : memref<1x80xi32, #tpu.memory_space<vmem>> -> memref<80xi32, #tpu.memory_space<vmem>>
      %dma_wait3A_295 = arith.constant 0 : i32
      %dma_wait3A_296 = arith.constant 0 : i32
      %dma_wait3A_297 = tpu.memref_slice %arg2[%dma_wait3A_295, %dma_wait3A_296] : memref<10000x128xf32, #tpu.memory_space<hbm>> -> memref<10000x128xf32, #tpu.memory_space<hbm>>
      tpu.wait_indirect_dma semaphore(%arg12 : memref<!tpu.dma_semaphore, #tpu.memory_space<semaphore_mem>>) src(%dma_wait3A_297 : memref<10000x128xf32, #tpu.memory_space<hbm>>) dst(%dma_wait3A_291 : memref<80x128xf32, #tpu.memory_space<vmem>>)
      %add3A_298 = arith.constant 2 : i32
      %add3A_299 = arith.addi %mul3A_27, %add3A_298 : i32
      %dma_start3A_300 = arith.constant 0 : i32
      %dma_start3A_301 = arith.constant 0 : i32
      %dma_start3A_302 = arith.constant 0 : i32
      %dma_start3A_303 = tpu.memref_slice %arg9[%dma_start3A_300, %dma_start3A_301, %dma_start3A_302] : memref<2x80x128xf32, #tpu.memory_space<vmem>> -> memref<1x80x128xf32, #tpu.memory_space<vmem>>
      %dma_start3A_304 = tpu.memref_squeeze %dma_start3A_303 : memref<1x80x128xf32, #tpu.memory_space<vmem>> -> memref<80x128xf32, #tpu.memory_space<vmem>>
      %dma_start3A_305 = arith.constant 0 : i32
      %dma_start3A_306 = tpu.memref_slice %arg8[%add3A_299, %dma_start3A_305] : memref<125x80xi32, #tpu.memory_space<vmem>> -> memref<1x80xi32, #tpu.memory_space<vmem>>
      %dma_start3A_307 = tpu.memref_squeeze %dma_start3A_306 : memref<1x80xi32, #tpu.memory_space<vmem>> -> memref<80xi32, #tpu.memory_space<vmem>>
      %dma_start3A_308 = arith.constant 0 : i32
      %dma_start3A_309 = arith.constant 0 : i32
      %dma_start3A_310 = tpu.memref_slice %arg10[%dma_start3A_308, %dma_start3A_309] : memref<10000x128xf32, #tpu.memory_space<vmem_shared>> -> memref<10000x128xf32, #tpu.memory_space<vmem_shared>>
      tpu.enqueue_indirect_dma source(%dma_start3A_304 : memref<80x128xf32, #tpu.memory_space<vmem>>) target(%dma_start3A_310 : memref<10000x128xf32, #tpu.memory_space<vmem_shared>>) offsets(%dma_start3A_307 : memref<80xi32, #tpu.memory_space<vmem>>) semaphore(%arg13 : memref<!tpu.dma_semaphore, #tpu.memory_space<semaphore_mem>>) {add = true}
      %dma_wait3A_311 = arith.constant 0 : i32
      %dma_wait3A_312 = arith.constant 0 : i32
      %dma_wait3A_313 = arith.constant 0 : i32
      %dma_wait3A_314 = tpu.memref_slice %arg9[%dma_wait3A_311, %dma_wait3A_312, %dma_wait3A_313] : memref<2x80x128xf32, #tpu.memory_space<vmem>> -> memref<1x80x128xf32, #tpu.memory_space<vmem>>
      %dma_wait3A_315 = tpu.memref_squeeze %dma_wait3A_314 : memref<1x80x128xf32, #tpu.memory_space<vmem>> -> memref<80x128xf32, #tpu.memory_space<vmem>>
      %dma_wait3A_316 = arith.constant 0 : i32
      %dma_wait3A_317 = tpu.memref_slice %arg8[%add3A_299, %dma_wait3A_316] : memref<125x80xi32, #tpu.memory_space<vmem>> -> memref<1x80xi32, #tpu.memory_space<vmem>>
      %dma_wait3A_318 = tpu.memref_squeeze %dma_wait3A_317 : memref<1x80xi32, #tpu.memory_space<vmem>> -> memref<80xi32, #tpu.memory_space<vmem>>
      %dma_wait3A_319 = arith.constant 0 : i32
      %dma_wait3A_320 = arith.constant 0 : i32
      %dma_wait3A_321 = tpu.memref_slice %arg10[%dma_wait3A_319, %dma_wait3A_320] : memref<10000x128xf32, #tpu.memory_space<vmem_shared>> -> memref<10000x128xf32, #tpu.memory_space<vmem_shared>>
      tpu.wait_indirect_dma semaphore(%arg13 : memref<!tpu.dma_semaphore, #tpu.memory_space<semaphore_mem>>) src(%dma_wait3A_315 : memref<80x128xf32, #tpu.memory_space<vmem>>) dst(%dma_wait3A_321 : memref<10000x128xf32, #tpu.memory_space<vmem_shared>>)
      %dma_start3A_322 = arith.constant 4 : i32
      %dma_start3A_323 = arith.constant 0 : i32
      %dma_start3A_324 = arith.constant 0 : i32
      %dma_start3A_325 = arith.constant 0 : i32
      %dma_start3A_326 = tpu.memref_slice %arg9[%dma_start3A_323, %dma_start3A_324, %dma_start3A_325] : memref<2x80x128xf32, #tpu.memory_space<vmem>> -> memref<1x80x128xf32, #tpu.memory_space<vmem>>
      %dma_start3A_327 = tpu.memref_squeeze %dma_start3A_326 : memref<1x80x128xf32, #tpu.memory_space<vmem>> -> memref<80x128xf32, #tpu.memory_space<vmem>>
      %dma_start3A_328 = arith.constant 0 : i32
      %dma_start3A_329 = tpu.memref_slice %arg7[%dma_start3A_322, %dma_start3A_328] : memref<5x80xi32, #tpu.memory_space<vmem>> -> memref<1x80xi32, #tpu.memory_space<vmem>>
      %dma_start3A_330 = tpu.memref_squeeze %dma_start3A_329 : memref<1x80xi32, #tpu.memory_space<vmem>> -> memref<80xi32, #tpu.memory_space<vmem>>
      %dma_start3A_331 = arith.constant 0 : i32
      %dma_start3A_332 = arith.constant 0 : i32
      %dma_start3A_333 = tpu.memref_slice %arg2[%dma_start3A_331, %dma_start3A_332] : memref<10000x128xf32, #tpu.memory_space<hbm>> -> memref<10000x128xf32, #tpu.memory_space<hbm>>
      tpu.enqueue_indirect_dma source(%dma_start3A_333 : memref<10000x128xf32, #tpu.memory_space<hbm>>) target(%dma_start3A_327 : memref<80x128xf32, #tpu.memory_space<vmem>>) offsets(%dma_start3A_330 : memref<80xi32, #tpu.memory_space<vmem>>) semaphore(%arg12 : memref<!tpu.dma_semaphore, #tpu.memory_space<semaphore_mem>>)
      %dma_wait3A_334 = arith.constant 3 : i32
      %dma_wait3A_335 = arith.constant 1 : i32
      %dma_wait3A_336 = arith.constant 0 : i32
      %dma_wait3A_337 = arith.constant 0 : i32
      %dma_wait3A_338 = tpu.memref_slice %arg9[%dma_wait3A_335, %dma_wait3A_336, %dma_wait3A_337] : memref<2x80x128xf32, #tpu.memory_space<vmem>> -> memref<1x80x128xf32, #tpu.memory_space<vmem>>
      %dma_wait3A_339 = tpu.memref_squeeze %dma_wait3A_338 : memref<1x80x128xf32, #tpu.memory_space<vmem>> -> memref<80x128xf32, #tpu.memory_space<vmem>>
      %dma_wait3A_340 = arith.constant 0 : i32
      %dma_wait3A_341 = tpu.memref_slice %arg7[%dma_wait3A_334, %dma_wait3A_340] : memref<5x80xi32, #tpu.memory_space<vmem>> -> memref<1x80xi32, #tpu.memory_space<vmem>>
      %dma_wait3A_342 = tpu.memref_squeeze %dma_wait3A_341 : memref<1x80xi32, #tpu.memory_space<vmem>> -> memref<80xi32, #tpu.memory_space<vmem>>
      %dma_wait3A_343 = arith.constant 0 : i32
      %dma_wait3A_344 = arith.constant 0 : i32
      %dma_wait3A_345 = tpu.memref_slice %arg2[%dma_wait3A_343, %dma_wait3A_344] : memref<10000x128xf32, #tpu.memory_space<hbm>> -> memref<10000x128xf32, #tpu.memory_space<hbm>>
      tpu.wait_indirect_dma semaphore(%arg12 : memref<!tpu.dma_semaphore, #tpu.memory_space<semaphore_mem>>) src(%dma_wait3A_345 : memref<10000x128xf32, #tpu.memory_space<hbm>>) dst(%dma_wait3A_339 : memref<80x128xf32, #tpu.memory_space<vmem>>)
      %add3A_346 = arith.constant 3 : i32
      %add3A_347 = arith.addi %mul3A_27, %add3A_346 : i32
      %dma_start3A_348 = arith.constant 1 : i32
      %dma_start3A_349 = arith.constant 0 : i32
      %dma_start3A_350 = arith.constant 0 : i32
      %dma_start3A_351 = tpu.memref_slice %arg9[%dma_start3A_348, %dma_start3A_349, %dma_start3A_350] : memref<2x80x128xf32, #tpu.memory_space<vmem>> -> memref<1x80x128xf32, #tpu.memory_space<vmem>>
      %dma_start3A_352 = tpu.memref_squeeze %dma_start3A_351 : memref<1x80x128xf32, #tpu.memory_space<vmem>> -> memref<80x128xf32, #tpu.memory_space<vmem>>
      %dma_start3A_353 = arith.constant 0 : i32
      %dma_start3A_354 = tpu.memref_slice %arg8[%add3A_347, %dma_start3A_353] : memref<125x80xi32, #tpu.memory_space<vmem>> -> memref<1x80xi32, #tpu.memory_space<vmem>>
      %dma_start3A_355 = tpu.memref_squeeze %dma_start3A_354 : memref<1x80xi32, #tpu.memory_space<vmem>> -> memref<80xi32, #tpu.memory_space<vmem>>
      %dma_start3A_356 = arith.constant 0 : i32
      %dma_start3A_357 = arith.constant 0 : i32
      %dma_start3A_358 = tpu.memref_slice %arg10[%dma_start3A_356, %dma_start3A_357] : memref<10000x128xf32, #tpu.memory_space<vmem_shared>> -> memref<10000x128xf32, #tpu.memory_space<vmem_shared>>
      tpu.enqueue_indirect_dma source(%dma_start3A_352 : memref<80x128xf32, #tpu.memory_space<vmem>>) target(%dma_start3A_358 : memref<10000x128xf32, #tpu.memory_space<vmem_shared>>) offsets(%dma_start3A_355 : memref<80xi32, #tpu.memory_space<vmem>>) semaphore(%arg13 : memref<!tpu.dma_semaphore, #tpu.memory_space<semaphore_mem>>) {add = true}
      %dma_wait3A_359 = arith.constant 4 : i32
      %dma_wait3A_360 = arith.constant 0 : i32
      %dma_wait3A_361 = arith.constant 0 : i32
      %dma_wait3A_362 = arith.constant 0 : i32
      %dma_wait3A_363 = tpu.memref_slice %arg9[%dma_wait3A_360, %dma_wait3A_361, %dma_wait3A_362] : memref<2x80x128xf32, #tpu.memory_space<vmem>> -> memref<1x80x128xf32, #tpu.memory_space<vmem>>
      %dma_wait3A_364 = tpu.memref_squeeze %dma_wait3A_363 : memref<1x80x128xf32, #tpu.memory_space<vmem>> -> memref<80x128xf32, #tpu.memory_space<vmem>>
      %dma_wait3A_365 = arith.constant 0 : i32
      %dma_wait3A_366 = tpu.memref_slice %arg7[%dma_wait3A_359, %dma_wait3A_365] : memref<5x80xi32, #tpu.memory_space<vmem>> -> memref<1x80xi32, #tpu.memory_space<vmem>>
      %dma_wait3A_367 = tpu.memref_squeeze %dma_wait3A_366 : memref<1x80xi32, #tpu.memory_space<vmem>> -> memref<80xi32, #tpu.memory_space<vmem>>
      %dma_wait3A_368 = arith.constant 0 : i32
      %dma_wait3A_369 = arith.constant 0 : i32
      %dma_wait3A_370 = tpu.memref_slice %arg2[%dma_wait3A_368, %dma_wait3A_369] : memref<10000x128xf32, #tpu.memory_space<hbm>> -> memref<10000x128xf32, #tpu.memory_space<hbm>>
      tpu.wait_indirect_dma semaphore(%arg12 : memref<!tpu.dma_semaphore, #tpu.memory_space<semaphore_mem>>) src(%dma_wait3A_370 : memref<10000x128xf32, #tpu.memory_space<hbm>>) dst(%dma_wait3A_364 : memref<80x128xf32, #tpu.memory_space<vmem>>)
      %add3A_371 = arith.constant 4 : i32
      %add3A_372 = arith.addi %mul3A_27, %add3A_371 : i32
      %dma_start3A_373 = arith.constant 0 : i32
      %dma_start3A_374 = arith.constant 0 : i32
      %dma_start3A_375 = arith.constant 0 : i32
      %dma_start3A_376 = tpu.memref_slice %arg9[%dma_start3A_373, %dma_start3A_374, %dma_start3A_375] : memref<2x80x128xf32, #tpu.memory_space<vmem>> -> memref<1x80x128xf32, #tpu.memory_space<vmem>>
      %dma_start3A_377 = tpu.memref_squeeze %dma_start3A_376 : memref<1x80x128xf32, #tpu.memory_space<vmem>> -> memref<80x128xf32, #tpu.memory_space<vmem>>
      %dma_start3A_378 = arith.constant 0 : i32
      %dma_start3A_379 = tpu.memref_slice %arg8[%add3A_372, %dma_start3A_378] : memref<125x80xi32, #tpu.memory_space<vmem>> -> memref<1x80xi32, #tpu.memory_space<vmem>>
      %dma_start3A_380 = tpu.memref_squeeze %dma_start3A_379 : memref<1x80xi32, #tpu.memory_space<vmem>> -> memref<80xi32, #tpu.memory_space<vmem>>
      %dma_start3A_381 = arith.constant 0 : i32
      %dma_start3A_382 = arith.constant 0 : i32
      %dma_start3A_383 = tpu.memref_slice %arg10[%dma_start3A_381, %dma_start3A_382] : memref<10000x128xf32, #tpu.memory_space<vmem_shared>> -> memref<10000x128xf32, #tpu.memory_space<vmem_shared>>
      tpu.enqueue_indirect_dma source(%dma_start3A_377 : memref<80x128xf32, #tpu.memory_space<vmem>>) target(%dma_start3A_383 : memref<10000x128xf32, #tpu.memory_space<vmem_shared>>) offsets(%dma_start3A_380 : memref<80xi32, #tpu.memory_space<vmem>>) semaphore(%arg13 : memref<!tpu.dma_semaphore, #tpu.memory_space<semaphore_mem>>) {add = true}
      %dma_wait3A_384 = arith.constant 1 : i32
      %dma_wait3A_385 = arith.constant 0 : i32
      %dma_wait3A_386 = arith.constant 0 : i32
      %dma_wait3A_387 = tpu.memref_slice %arg9[%dma_wait3A_384, %dma_wait3A_385, %dma_wait3A_386] : memref<2x80x128xf32, #tpu.memory_space<vmem>> -> memref<1x80x128xf32, #tpu.memory_space<vmem>>
      %dma_wait3A_388 = tpu.memref_squeeze %dma_wait3A_387 : memref<1x80x128xf32, #tpu.memory_space<vmem>> -> memref<80x128xf32, #tpu.memory_space<vmem>>
      %dma_wait3A_389 = arith.constant 0 : i32
      %dma_wait3A_390 = tpu.memref_slice %arg8[%add3A_347, %dma_wait3A_389] : memref<125x80xi32, #tpu.memory_space<vmem>> -> memref<1x80xi32, #tpu.memory_space<vmem>>
      %dma_wait3A_391 = tpu.memref_squeeze %dma_wait3A_390 : memref<1x80xi32, #tpu.memory_space<vmem>> -> memref<80xi32, #tpu.memory_space<vmem>>
      %dma_wait3A_392 = arith.constant 0 : i32
      %dma_wait3A_393 = arith.constant 0 : i32
      %dma_wait3A_394 = tpu.memref_slice %arg10[%dma_wait3A_392, %dma_wait3A_393] : memref<10000x128xf32, #tpu.memory_space<vmem_shared>> -> memref<10000x128xf32, #tpu.memory_space<vmem_shared>>
      tpu.wait_indirect_dma semaphore(%arg13 : memref<!tpu.dma_semaphore, #tpu.memory_space<semaphore_mem>>) src(%dma_wait3A_388 : memref<80x128xf32, #tpu.memory_space<vmem>>) dst(%dma_wait3A_394 : memref<10000x128xf32, #tpu.memory_space<vmem_shared>>)
      %dma_wait3A_395 = arith.constant 0 : i32
      %dma_wait3A_396 = arith.constant 0 : i32
      %dma_wait3A_397 = arith.constant 0 : i32
      %dma_wait3A_398 = tpu.memref_slice %arg9[%dma_wait3A_395, %dma_wait3A_396, %dma_wait3A_397] : memref<2x80x128xf32, #tpu.memory_space<vmem>> -> memref<1x80x128xf32, #tpu.memory_space<vmem>>
      %dma_wait3A_399 = tpu.memref_squeeze %dma_wait3A_398 : memref<1x80x128xf32, #tpu.memory_space<vmem>> -> memref<80x128xf32, #tpu.memory_space<vmem>>
      %dma_wait3A_400 = arith.constant 0 : i32
      %dma_wait3A_401 = tpu.memref_slice %arg8[%add3A_372, %dma_wait3A_400] : memref<125x80xi32, #tpu.memory_space<vmem>> -> memref<1x80xi32, #tpu.memory_space<vmem>>
      %dma_wait3A_402 = tpu.memref_squeeze %dma_wait3A_401 : memref<1x80xi32, #tpu.memory_space<vmem>> -> memref<80xi32, #tpu.memory_space<vmem>>
      %dma_wait3A_403 = arith.constant 0 : i32
      %dma_wait3A_404 = arith.constant 0 : i32
      %dma_wait3A_405 = tpu.memref_slice %arg10[%dma_wait3A_403, %dma_wait3A_404] : memref<10000x128xf32, #tpu.memory_space<vmem_shared>> -> memref<10000x128xf32, #tpu.memory_space<vmem_shared>>
      tpu.wait_indirect_dma semaphore(%arg13 : memref<!tpu.dma_semaphore, #tpu.memory_space<semaphore_mem>>) src(%dma_wait3A_399 : memref<80x128xf32, #tpu.memory_space<vmem>>) dst(%dma_wait3A_405 : memref<10000x128xf32, #tpu.memory_space<vmem_shared>>)
    }
    %scan3A_13 = arith.constant 25 : i32
    %barrier3A_14 = arith.constant 0 : index
    tpu.barrier barrier_id(%barrier3A_14)
    %lt3A_15 = arith.constant 15 : i32
    %lt3A_16 = arith.cmpi slt, %arg1, %lt3A_15 : i32
    %convert_element_type3A_17 = arith.extui %lt3A_16 : i1 to i32
    %cond3A_18 = arith.constant 0 : i32
    %cond3A_19 = arith.cmpi ne, %convert_element_type3A_17, %cond3A_18 : i32
    scf.if %cond3A_19 {
      "tpu.region"() ({
        %run_scoped3A = tpu.sem_alloc : memref<!tpu.dma_semaphore, #tpu.memory_space<semaphore_mem>>
        %dma_start3A = arith.constant 0 : i32
        %dma_start3A_25 = tpu.memref_slice %arg6[%arg0, %mul3A_2, %dma_start3A] : memref<2x10000x128xf32, #tpu.memory_space<hbm>> -> memref<1x624x128xf32, #tpu.memory_space<hbm>>
        %dma_start3A_26 = tpu.memref_squeeze %dma_start3A_25 : memref<1x624x128xf32, #tpu.memory_space<hbm>> -> memref<624x128xf32, #tpu.memory_space<hbm>>
        %dma_start3A_27 = arith.constant 0 : i32
        %dma_start3A_28 = tpu.memref_slice %arg10[%mul3A_2, %dma_start3A_27] : memref<10000x128xf32, #tpu.memory_space<vmem_shared>> -> memref<624x128xf32, #tpu.memory_space<vmem_shared>>
        tpu.enqueue_dma source(%dma_start3A_28 : memref<624x128xf32, #tpu.memory_space<vmem_shared>>) target(%dma_start3A_26 : memref<624x128xf32, #tpu.memory_space<hbm>>) target_semaphore(%run_scoped3A : memref<!tpu.dma_semaphore, #tpu.memory_space<semaphore_mem>>)
        %dma_wait3A = arith.constant 0 : i32
        %dma_wait3A_29 = tpu.memref_slice %arg6[%arg0, %mul3A_2, %dma_wait3A] : memref<2x10000x128xf32, #tpu.memory_space<hbm>> -> memref<1x624x128xf32, #tpu.memory_space<hbm>>
        %dma_wait3A_30 = tpu.memref_squeeze %dma_wait3A_29 : memref<1x624x128xf32, #tpu.memory_space<hbm>> -> memref<624x128xf32, #tpu.memory_space<hbm>>
        %dma_wait3A_31 = arith.constant 0 : i32
        %dma_wait3A_32 = tpu.memref_slice %arg10[%mul3A_2, %dma_wait3A_31] : memref<10000x128xf32, #tpu.memory_space<vmem_shared>> -> memref<624x128xf32, #tpu.memory_space<vmem_shared>>
        tpu.wait_dma2 semaphore(%run_scoped3A : memref<!tpu.dma_semaphore, #tpu.memory_space<semaphore_mem>>) src(%dma_wait3A_32 : memref<624x128xf32, #tpu.memory_space<vmem_shared>>) dst(%dma_wait3A_30 : memref<624x128xf32, #tpu.memory_space<hbm>>)
        tpu.yield
      }) : () -> ()
    } else {
    }
    %eq3A_20 = arith.constant 15 : i32
    %eq3A_21 = arith.cmpi eq, %arg1, %eq3A_20 : i32
    %convert_element_type3A_22 = arith.extui %eq3A_21 : i1 to i32
    %cond3A_23 = arith.constant 0 : i32
    %cond3A_24 = arith.cmpi ne, %convert_element_type3A_22, %cond3A_23 : i32
    scf.if %cond3A_24 {
      "tpu.region"() ({
        %run_scoped3A = tpu.sem_alloc : memref<!tpu.dma_semaphore, #tpu.memory_space<semaphore_mem>>
        %dma_start3A = arith.constant 0 : i32
        %dma_start3A_25 = tpu.memref_slice %arg6[%arg0, %mul3A_2, %dma_start3A] : memref<2x10000x128xf32, #tpu.memory_space<hbm>> -> memref<1x640x128xf32, #tpu.memory_space<hbm>>
        %dma_start3A_26 = tpu.memref_squeeze %dma_start3A_25 : memref<1x640x128xf32, #tpu.memory_space<hbm>> -> memref<640x128xf32, #tpu.memory_space<hbm>>
        %dma_start3A_27 = arith.constant 0 : i32
        %dma_start3A_28 = tpu.memref_slice %arg10[%mul3A_2, %dma_start3A_27] : memref<10000x128xf32, #tpu.memory_space<vmem_shared>> -> memref<640x128xf32, #tpu.memory_space<vmem_shared>>
        tpu.enqueue_dma source(%dma_start3A_28 : memref<640x128xf32, #tpu.memory_space<vmem_shared>>) target(%dma_start3A_26 : memref<640x128xf32, #tpu.memory_space<hbm>>) target_semaphore(%run_scoped3A : memref<!tpu.dma_semaphore, #tpu.memory_space<semaphore_mem>>)
        %dma_wait3A = arith.constant 0 : i32
        %dma_wait3A_29 = tpu.memref_slice %arg6[%arg0, %mul3A_2, %dma_wait3A] : memref<2x10000x128xf32, #tpu.memory_space<hbm>> -> memref<1x640x128xf32, #tpu.memory_space<hbm>>
        %dma_wait3A_30 = tpu.memref_squeeze %dma_wait3A_29 : memref<1x640x128xf32, #tpu.memory_space<hbm>> -> memref<640x128xf32, #tpu.memory_space<hbm>>
        %dma_wait3A_31 = arith.constant 0 : i32
        %dma_wait3A_32 = tpu.memref_slice %arg10[%mul3A_2, %dma_wait3A_31] : memref<10000x128xf32, #tpu.memory_space<vmem_shared>> -> memref<640x128xf32, #tpu.memory_space<vmem_shared>>
        tpu.wait_dma2 semaphore(%run_scoped3A : memref<!tpu.dma_semaphore, #tpu.memory_space<semaphore_mem>>) src(%dma_wait3A_32 : memref<640x128xf32, #tpu.memory_space<vmem_shared>>) dst(%dma_wait3A_30 : memref<640x128xf32, #tpu.memory_space<hbm>>)
        tpu.yield
      }) : () -> ()
    } else {
    }
    return
  }
}

module attributes {stable_mosaic.version = 14 : i64} {
  func.func @_mm1_body(%arg0: i32, %arg1: memref<2x1280x128xf32, #tpu.memory_space<vmem>>, %arg2: memref<1280x128xf32, #tpu.memory_space<vmem>>, %arg3: memref<128x128xf32, #tpu.memory_space<vmem>>, %arg4: memref<1280x128xf32, #tpu.memory_space<vmem>>, %arg5: memref<1280x128xf32, #tpu.memory_space<vmem>>) attributes {dimension_semantics = [#tpu.dimension_semantics<arbitrary>], iteration_bounds = array<i64: 8>, scalar_prefetch = 0 : i64, scratch_operands = 0 : i64, tpu.core_type = #tpu.core_type<tc>, window_params = [{transform_indices = @transform_0, window_bounds = array<i64: 2, 1280, 128>}, {transform_indices = @transform_1, window_bounds = array<i64: 1280, 128>}, {pipeline_mode = #tpu.pipeline_mode<synchronous>, transform_indices = @transform_2, window_bounds = array<i64: 128, 128>}, {transform_indices = @transform_3, window_bounds = array<i64: 1280, 128>}, {transform_indices = @transform_4, window_bounds = array<i64: 1280, 128>}]} {
    %get3A = arith.constant 0 : index
    %get3A_0 = arith.constant 0 : index
    %get3A_1 = arith.constant 0 : index
    %get3A_2 = vector.load %arg1[%get3A, %get3A_0, %get3A_1] : memref<2x1280x128xf32, #tpu.memory_space<vmem>>, vector<1x1280x1xf32>
    %get3A_3 = vector.shape_cast %get3A_2 : vector<1x1280x1xf32> to vector<1280x1xf32>
    %get3A_4 = arith.constant 1 : index
    %get3A_5 = arith.constant 0 : index
    %get3A_6 = arith.constant 0 : index
    %get3A_7 = vector.load %arg1[%get3A_4, %get3A_5, %get3A_6] : memref<2x1280x128xf32, #tpu.memory_space<vmem>>, vector<1x1280x1xf32>
    %get3A_8 = vector.shape_cast %get3A_7 : vector<1x1280x1xf32> to vector<1280x1xf32>
    %add3A = arith.addf %get3A_3, %get3A_8 : vector<1280x1xf32>
    %add3A_9 = arith.constant 1.000000e+00 : f32
    %add3A_10 = vector.broadcast %add3A_9 : f32 to vector<1280x1xf32>
    %add3A_11 = arith.addf %add3A, %add3A_10 : vector<1280x1xf32>
    %rsqrt3A = math.rsqrt %add3A_11 : vector<1280x1xf32>
    %broadcast_in_dim3A = vector.shape_cast %rsqrt3A : vector<1280x1xf32> to vector<1280x1xf32>
    %broadcast_in_dim3A_12 = vector.broadcast %broadcast_in_dim3A : vector<1280x1xf32> to vector<1280x128xf32>
    %swap3A = arith.constant 0 : index
    %swap3A_13 = arith.constant 0 : index
    %swap3A_14 = vector.load %arg5[%swap3A, %swap3A_13] : memref<1280x128xf32, #tpu.memory_space<vmem>>, vector<1280x128xf32>
    tpu.vector_store %arg5[%swap3A, %swap3A_13], %broadcast_in_dim3A_12 {strides = array<i32>} : memref<1280x128xf32, #tpu.memory_space<vmem>>, vector<1280x128xf32>,
    %get3A_15 = arith.constant 0 : index
    %get3A_16 = arith.constant 0 : index
    %get3A_17 = vector.load %arg2[%get3A_15, %get3A_16] : memref<1280x128xf32, #tpu.memory_space<vmem>>, vector<1280x128xf32>
    %get3A_18 = arith.constant 0 : index
    %get3A_19 = arith.constant 0 : index
    %get3A_20 = vector.load %arg3[%get3A_18, %get3A_19] : memref<128x128xf32, #tpu.memory_space<vmem>>, vector<128x128xf32>
    %dot_general3A = arith.constant dense<0.000000e+00> : vector<1280x128xf32>
    %dot_general3A_21 = tpu.matmul %get3A_17, %get3A_20, %dot_general3A {dimension_numbers = #tpu.dot_dimension_numbers<[1], [0], [0], [1], [0, 0, 1, 1], [], []>, transpose_lhs_hint = false} : vector<1280x128xf32>, vector<128x128xf32>, vector<1280x128xf32> -> vector<1280x128xf32>
    %mul3A = vector.broadcast %rsqrt3A : vector<1280x1xf32> to vector<1280x128xf32>
    %mul3A_22 = arith.mulf %dot_general3A_21, %mul3A : vector<1280x128xf32>
    %swap3A_23 = arith.constant 0 : index
    %swap3A_24 = arith.constant 0 : index
    %swap3A_25 = vector.load %arg4[%swap3A_23, %swap3A_24] : memref<1280x128xf32, #tpu.memory_space<vmem>>, vector<1280x128xf32>
    tpu.vector_store %arg4[%swap3A_23, %swap3A_24], %mul3A_22 {strides = array<i32>} : memref<1280x128xf32, #tpu.memory_space<vmem>>, vector<1280x128xf32>,
    return
  }
  func.func @transform_0(%arg0: i32) -> (i32, i32, i32) {
    %c0_i32 = arith.constant 0 : i32
    %c0_i32_0 = arith.constant 0 : i32
    %c0_i32_1 = arith.constant 0 : i32
    return %c0_i32, %arg0, %c0_i32_0 : i32, i32, i32
  }
  func.func @transform_1(%arg0: i32) -> (i32, i32) {
    %c0_i32 = arith.constant 0 : i32
    %c0_i32_0 = arith.constant 0 : i32
    return %arg0, %c0_i32 : i32, i32
  }
  func.func @transform_2(%arg0: i32) -> (i32, i32) {
    %c0_i32 = arith.constant 0 : i32
    %c0_i32_0 = arith.constant 0 : i32
    %c0_i32_1 = arith.constant 0 : i32
    return %c0_i32, %c0_i32_0 : i32, i32
  }
  func.func @transform_3(%arg0: i32) -> (i32, i32) {
    %c0_i32 = arith.constant 0 : i32
    %c0_i32_0 = arith.constant 0 : i32
    return %arg0, %c0_i32 : i32, i32
  }
  func.func @transform_4(%arg0: i32) -> (i32, i32) {
    %c0_i32 = arith.constant 0 : i32
    %c0_i32_0 = arith.constant 0 : i32
    return %arg0, %c0_i32 : i32, i32
  }
}

module attributes {stable_mosaic.version = 14 : i64} {
  func.func @_mid_body(%arg0: i32, %arg1: memref<1280x128xf32, #tpu.memory_space<vmem>>, %arg2: memref<2x1280x128xf32, #tpu.memory_space<vmem>>, %arg3: memref<1280x128xf32, #tpu.memory_space<vmem>>, %arg4: memref<1x128xf32, #tpu.memory_space<vmem>>, %arg5: memref<128x128xf32, #tpu.memory_space<vmem>>, %arg6: memref<1280x128xf32, #tpu.memory_space<vmem>>) attributes {dimension_semantics = [#tpu.dimension_semantics<arbitrary>], iteration_bounds = array<i64: 8>, scalar_prefetch = 0 : i64, scratch_operands = 0 : i64, tpu.core_type = #tpu.core_type<tc>, window_params = [{transform_indices = @transform_0, window_bounds = array<i64: 1280, 128>}, {transform_indices = @transform_1, window_bounds = array<i64: 2, 1280, 128>}, {transform_indices = @transform_2, window_bounds = array<i64: 1280, 128>}, {pipeline_mode = #tpu.pipeline_mode<synchronous>, transform_indices = @transform_3, window_bounds = array<i64: 1, 128>}, {pipeline_mode = #tpu.pipeline_mode<synchronous>, transform_indices = @transform_4, window_bounds = array<i64: 128, 128>}, {transform_indices = @transform_5, window_bounds = array<i64: 1280, 128>}]} {
    %get3A = arith.constant 0 : index
    %get3A_0 = arith.constant 0 : index
    %get3A_1 = vector.load %arg1[%get3A, %get3A_0] : memref<1280x128xf32, #tpu.memory_space<vmem>>, vector<1280x128xf32>
    %get3A_2 = arith.constant 0 : index
    %get3A_3 = arith.constant 0 : index
    %get3A_4 = arith.constant 0 : index
    %get3A_5 = vector.load %arg2[%get3A_2, %get3A_3, %get3A_4] : memref<2x1280x128xf32, #tpu.memory_space<vmem>>, vector<1x1280x128xf32>
    %get3A_6 = vector.shape_cast %get3A_5 : vector<1x1280x128xf32> to vector<1280x128xf32>
    %get3A_7 = arith.constant 1 : index
    %get3A_8 = arith.constant 0 : index
    %get3A_9 = arith.constant 0 : index
    %get3A_10 = vector.load %arg2[%get3A_7, %get3A_8, %get3A_9] : memref<2x1280x128xf32, #tpu.memory_space<vmem>>, vector<1x1280x128xf32>
    %get3A_11 = vector.shape_cast %get3A_10 : vector<1x1280x128xf32> to vector<1280x128xf32>
    %add3A = arith.addf %get3A_6, %get3A_11 : vector<1280x128xf32>
    %get3A_12 = arith.constant 0 : index
    %get3A_13 = arith.constant 0 : index
    %get3A_14 = vector.load %arg3[%get3A_12, %get3A_13] : memref<1280x128xf32, #tpu.memory_space<vmem>>, vector<1280x128xf32>
    %add3A_15 = arith.addf %add3A, %get3A_14 : vector<1280x128xf32>
    %mul3A = arith.mulf %get3A_1, %add3A_15 : vector<1280x128xf32>
    %get3A_16 = arith.constant 0 : index
    %get3A_17 = arith.constant 0 : index
    %get3A_18 = vector.load %arg4[%get3A_16, %get3A_17] : memref<1x128xf32, #tpu.memory_space<vmem>>, vector<1x128xf32>
    %add3A_19 = vector.broadcast %get3A_18 : vector<1x128xf32> to vector<1280x128xf32>
    %add3A_20 = arith.addf %mul3A, %add3A_19 : vector<1280x128xf32>
    %max3A = arith.constant 0.000000e+00 : f32
    %max3A_21 = vector.broadcast %max3A : f32 to vector<1280x128xf32>
    %max3A_22 = arith.maximumf %add3A_20, %max3A_21 : vector<1280x128xf32>
    %get3A_23 = arith.constant 0 : index
    %get3A_24 = arith.constant 0 : index
    %get3A_25 = vector.load %arg5[%get3A_23, %get3A_24] : memref<128x128xf32, #tpu.memory_space<vmem>>, vector<128x128xf32>
    %dot_general3A = arith.constant dense<0.000000e+00> : vector<1280x128xf32>
    %dot_general3A_26 = tpu.matmul %max3A_22, %get3A_25, %dot_general3A {dimension_numbers = #tpu.dot_dimension_numbers<[1], [0], [0], [1], [0, 0, 1, 1], [], []>, transpose_lhs_hint = false} : vector<1280x128xf32>, vector<128x128xf32>, vector<1280x128xf32> -> vector<1280x128xf32>
    %mul3A_27 = arith.mulf %dot_general3A_26, %get3A_1 : vector<1280x128xf32>
    %swap3A = arith.constant 0 : index
    %swap3A_28 = arith.constant 0 : index
    %swap3A_29 = vector.load %arg6[%swap3A, %swap3A_28] : memref<1280x128xf32, #tpu.memory_space<vmem>>, vector<1280x128xf32>
    tpu.vector_store %arg6[%swap3A, %swap3A_28], %mul3A_27 {strides = array<i32>} : memref<1280x128xf32, #tpu.memory_space<vmem>>, vector<1280x128xf32>,
    return
  }
  func.func @transform_0(%arg0: i32) -> (i32, i32) {
    %c0_i32 = arith.constant 0 : i32
    %c0_i32_0 = arith.constant 0 : i32
    return %arg0, %c0_i32 : i32, i32
  }
  func.func @transform_1(%arg0: i32) -> (i32, i32, i32) {
    %c0_i32 = arith.constant 0 : i32
    %c0_i32_0 = arith.constant 0 : i32
    %c0_i32_1 = arith.constant 0 : i32
    return %c0_i32, %arg0, %c0_i32_0 : i32, i32, i32
  }
  func.func @transform_2(%arg0: i32) -> (i32, i32) {
    %c0_i32 = arith.constant 0 : i32
    %c0_i32_0 = arith.constant 0 : i32
    return %arg0, %c0_i32 : i32, i32
  }
  func.func @transform_3(%arg0: i32) -> (i32, i32) {
    %c0_i32 = arith.constant 0 : i32
    %c0_i32_0 = arith.constant 0 : i32
    %c0_i32_1 = arith.constant 0 : i32
    return %c0_i32, %c0_i32_0 : i32, i32
  }
  func.func @transform_4(%arg0: i32) -> (i32, i32) {
    %c0_i32 = arith.constant 0 : i32
    %c0_i32_0 = arith.constant 0 : i32
    %c0_i32_1 = arith.constant 0 : i32
    return %c0_i32, %c0_i32_0 : i32, i32
  }
  func.func @transform_5(%arg0: i32) -> (i32, i32) {
    %c0_i32 = arith.constant 0 : i32
    %c0_i32_0 = arith.constant 0 : i32
    return %arg0, %c0_i32 : i32, i32
  }
}

module attributes {stable_mosaic.version = 14 : i64} {
  func.func @_fin_body(%arg0: i32, %arg1: memref<1280x128xf32, #tpu.memory_space<vmem>>, %arg2: memref<2x1280x128xf32, #tpu.memory_space<vmem>>, %arg3: memref<1280x128xf32, #tpu.memory_space<vmem>>, %arg4: memref<1x128xf32, #tpu.memory_space<vmem>>, %arg5: memref<1280x128xf32, #tpu.memory_space<vmem>>) attributes {dimension_semantics = [#tpu.dimension_semantics<arbitrary>], iteration_bounds = array<i64: 8>, scalar_prefetch = 0 : i64, scratch_operands = 0 : i64, tpu.core_type = #tpu.core_type<tc>, window_params = [{transform_indices = @transform_0, window_bounds = array<i64: 1280, 128>}, {transform_indices = @transform_1, window_bounds = array<i64: 2, 1280, 128>}, {transform_indices = @transform_2, window_bounds = array<i64: 1280, 128>}, {pipeline_mode = #tpu.pipeline_mode<synchronous>, transform_indices = @transform_3, window_bounds = array<i64: 1, 128>}, {transform_indices = @transform_4, window_bounds = array<i64: 1280, 128>}]} {
    %get3A = arith.constant 0 : index
    %get3A_0 = arith.constant 0 : index
    %get3A_1 = vector.load %arg1[%get3A, %get3A_0] : memref<1280x128xf32, #tpu.memory_space<vmem>>, vector<1280x128xf32>
    %get3A_2 = arith.constant 0 : index
    %get3A_3 = arith.constant 0 : index
    %get3A_4 = arith.constant 0 : index
    %get3A_5 = vector.load %arg2[%get3A_2, %get3A_3, %get3A_4] : memref<2x1280x128xf32, #tpu.memory_space<vmem>>, vector<1x1280x128xf32>
    %get3A_6 = vector.shape_cast %get3A_5 : vector<1x1280x128xf32> to vector<1280x128xf32>
    %get3A_7 = arith.constant 1 : index
    %get3A_8 = arith.constant 0 : index
    %get3A_9 = arith.constant 0 : index
    %get3A_10 = vector.load %arg2[%get3A_7, %get3A_8, %get3A_9] : memref<2x1280x128xf32, #tpu.memory_space<vmem>>, vector<1x1280x128xf32>
    %get3A_11 = vector.shape_cast %get3A_10 : vector<1x1280x128xf32> to vector<1280x128xf32>
    %add3A = arith.addf %get3A_6, %get3A_11 : vector<1280x128xf32>
    %get3A_12 = arith.constant 0 : index
    %get3A_13 = arith.constant 0 : index
    %get3A_14 = vector.load %arg3[%get3A_12, %get3A_13] : memref<1280x128xf32, #tpu.memory_space<vmem>>, vector<1280x128xf32>
    %add3A_15 = arith.addf %add3A, %get3A_14 : vector<1280x128xf32>
    %mul3A = arith.mulf %get3A_1, %add3A_15 : vector<1280x128xf32>
    %get3A_16 = arith.constant 0 : index
    %get3A_17 = arith.constant 0 : index
    %get3A_18 = vector.load %arg4[%get3A_16, %get3A_17] : memref<1x128xf32, #tpu.memory_space<vmem>>, vector<1x128xf32>
    %add3A_19 = vector.broadcast %get3A_18 : vector<1x128xf32> to vector<1280x128xf32>
    %add3A_20 = arith.addf %mul3A, %add3A_19 : vector<1280x128xf32>
    %swap3A = arith.constant 0 : index
    %swap3A_21 = arith.constant 0 : index
    %swap3A_22 = vector.load %arg5[%swap3A, %swap3A_21] : memref<1280x128xf32, #tpu.memory_space<vmem>>, vector<1280x128xf32>
    tpu.vector_store %arg5[%swap3A, %swap3A_21], %add3A_20 {strides = array<i32>} : memref<1280x128xf32, #tpu.memory_space<vmem>>, vector<1280x128xf32>,
    return
  }
  func.func @transform_0(%arg0: i32) -> (i32, i32) {
    %c0_i32 = arith.constant 0 : i32
    %c0_i32_0 = arith.constant 0 : i32
    return %arg0, %c0_i32 : i32, i32
  }
  func.func @transform_1(%arg0: i32) -> (i32, i32, i32) {
    %c0_i32 = arith.constant 0 : i32
    %c0_i32_0 = arith.constant 0 : i32
    %c0_i32_1 = arith.constant 0 : i32
    return %c0_i32, %arg0, %c0_i32_0 : i32, i32, i32
  }
  func.func @transform_2(%arg0: i32) -> (i32, i32) {
    %c0_i32 = arith.constant 0 : i32
    %c0_i32_0 = arith.constant 0 : i32
    return %arg0, %c0_i32 : i32, i32
  }
  func.func @transform_3(%arg0: i32) -> (i32, i32) {
    %c0_i32 = arith.constant 0 : i32
    %c0_i32_0 = arith.constant 0 : i32
    %c0_i32_1 = arith.constant 0 : i32
    return %c0_i32, %c0_i32_0 : i32, i32
  }
  func.func @transform_4(%arg0: i32) -> (i32, i32) {
    %c0_i32 = arith.constant 0 : i32
    %c0_i32_0 = arith.constant 0 : i32
    return %arg0, %c0_i32 : i32, i32
  }
}

</mosaic_0001>

<sc_bundles>
// kernel: kernel.11.cloned.1.call-start
scs
__scs_entry_jumppad:
0x0: {  	(pc) =	sbr.rel $0x88, $3  }
0x1: {  	(tag) =	ssettag $0x0;
	lr =	simm.s32 $0x1  }
0x2: {  	[smem:$0x3F9B] =	sst lr;
	_ =	strace $0xD0000000  }
0x3: {  	_ = 	snop  }
0x4: {  	_ = 	snop  }
0x5: {  	_ = 	snop  }
0x6: {  	_ = 	snop  }
0x7: {  	_ = 	snop  }
__scs_overlays_trampoline_lowered:
0x8: {  	[smem:$0x3FAA] =	sst s0  }
0x9: {  	[smem:$0x3FAB] =	sst s1  }
0xa: {  	[smem:$0x3FAC] =	sst s2  }
0xb: {  	[smem:$0x3FAD] =	sst s3  }
0xc: {  	[smem:$0x3FAE] =	sst s4  }
0xd: {  	[smem:$0x3FAF] =	sst s5  }
0xe: {  	[smem:$0x3FB0] =	sst s6  }
0xf: {  	[smem:$0x3FB1] =	sst s7  }
0x10: {  	[smem:$0x3FB2] =	sst s8  }
0x11: {  	[smem:$0x3FB3] =	sst s9;
	s0 =	simm.s32 @!p0 $0x0  }
0x12: {  	s1 =	sld [smem:$0x3F99];
	s0 =	simm.s32 @p0 $0x1  }
0x13: {  	[smem:$0x3FB4] =	sst s0;
	s0 =	simm.s32 @!p1 $0x0  }
0x14: {  	s2 =	sld [smem:$0x3F98];
	s0 =	simm.s32 @p1 $0x1  }
0x15: {  	[smem:$0x3FB5] =	sst s0;
	s0 =	simm.s32 @!p2 $0x0  }
0x16: {  	s3 =	sld [smem:$0x3FDB];
	s0 =	simm.s32 @p2 $0x1  }
0x17: {  	s4 =	simm.s32 $0x1BF5;
	[smem:$0x3FB7] =	sst s0  }
0x18: {  	s0 =	sld [smem:$0x3F9A];
	_ =	swait.ge [sflag:s4], $0x0  }
0x19: {  	s7 =	sld [smem:$0x3F9B]  }
0x1a: {  	s8 =	sadd.s32 $0xFFFFE003, lr  }
0x1b: {  	s9 =	sadd.s32 $0xFFFFFEF7, lr;
	s5 =	simm.s32 $0xFFFFFFFF;
	p2 =	slt.u32 s8, $0xFFFFF086  }
0x1c: {  	p1 =	slt.u32 s9, $0xF7A;
	s5 =	simm.s32 @!p2 $0x0  }
0x1d: {  	s5 =	simm.s32 @p1 $0x1;
	p0 =	seq.s32 s7, s2  }
0x1e: {  	s7 =	smul.u32 @!p0 $0xF7A, s2;
	p2 =	seq.s32 @!p0 s5, $0x0  }
0x1f: {  	s9 =	smul.u32 $0xF7A, s1;
	s8 =	simm.s32 @!p0 $0x1BF5;
	p2 =	por !p2, p0  }
0x20: {  	[sflag:s8] =	ssyncset.s32 @!p0 $0xFFFFF086;
	s6 =	sadd.s32 @!p0 s3, s7;
	s7 =	simm.s32 @!p0 $0x108  }
0x21: {  	s3 =	sadd.s32 s3, s9;
	s6 =	sadd.s32 @!p0 $0x88, s6;
	s7 =	simm.s32 @p2 $0x1082  }
0x22: {  	[simem:s7], [sflag:s8] =	dma.local @!p0 [hbm:s6], $0xF7A  }
0x23: {  	s9 =	sor.u32 $0xD0000000, s2;
	s6 =	simm.s32 $0x108;
	_ =	swait.ge @!p0 [sflag:s8], $0x0  }
0x24: {  	s3 =	sadd.s32 $0x88, s3;
	s6 =	simm.s32 @!p1 $0x1082;
	[sflag:s4] =	ssyncset.s32 $0xFFFFF086  }
0x25: {  	[simem:s6], [sflag:s4] =	dma.local [hbm:s3], $0xF7A  }
0x26: {  	[smem:$0x3F9B] =	sst s1;
	(tag) =	ssettag s2;
	_ =	strace s9  }
0x27: {  	s1 =	sld [smem:$0x3FAB]  }
0x28: {  	s2 =	sld [smem:$0x3FAC]  }
0x29: {  	s4 =	sld [smem:$0x3FAE]  }
0x2a: {  	p0 =	seq.s32 s5, $0x0;
	s5 =	sld [smem:$0x3FAF]  }
0x2b: {  	s6 =	sld [smem:$0x3FB0]  }
0x2c: {  	s7 =	sld [smem:$0x3FB1]  }
0x2d: {  	s3 =	simm.s32 $0x108;
	s8 =	sld [smem:$0x3FB2]  }
0x2e: {  	s3 =	simm.s32 @!p0 $0x1082;
	s9 =	sld [smem:$0x3FB3]  }
0x2f: {  	lr =	sadd.s32 s0, s3;
	s0 =	sld [smem:$0x3FAA]  }
0x30: {  	s3 =	sld [smem:$0x3FAD]  }
0x31: {  	[smem:$0x3FB6] =	sst s10  }
0x32: {  	s10 =	sld [smem:$0x3FB4];
	_ =	sdelay $0x3  }
0x33: {  	p0 =	seq.s32 s10, $0x1;
	s10 =	sld [smem:$0x3FB6];
	_ =	sdelay $0x3  }
0x34: {  	[smem:$0x3FB6] =	sst s10  }
0x35: {  	s10 =	sld [smem:$0x3FB5];
	_ =	sdelay $0x3  }
0x36: {  	p1 =	seq.s32 s10, $0x1;
	s10 =	sld [smem:$0x3FB6];
	_ =	sdelay $0x3  }
0x37: {  	[smem:$0x3FB6] =	sst s10  }
0x38: {  	s10 =	sld [smem:$0x3FB7]  }
0x39: {  	_ = 	snop;
	(pc) =	sbr.ind lr, $3  }
0x3a: {  	_ = 	snop  }
0x3b: {  	_ = 	snop  }
0x3c: {  	p2 =	seq.s32 s10, $0x1;
	s10 =	sld [smem:$0x3FB6]  }
0x3d: {  	_ =	shalt  }
0x3e: {  	_ =	shalt  }
0x3f: {  	_ =	shalt  }
0x40: {  	_ =	shalt  }
0x41: {  	_ =	shalt  }
0x42: {  	_ =	shalt  }
0x43: {  	_ =	shalt  }
0x44: {  	_ =	shalt  }
0x45: {  	_ =	shalt  }
0x46: {  	_ =	shalt  }
0x47: {  	_ =	shalt  }
0x48: {  	_ =	shalt  }
0x49: {  	_ =	shalt  }
0x4a: {  	_ =	shalt  }
0x4b: {  	_ =	shalt  }
0x4c: {  	_ =	shalt  }
0x4d: {  	_ =	shalt  }
0x4e: {  	_ =	shalt  }
0x4f: {  	_ =	shalt  }
0x50: {  	_ =	shalt  }
0x51: {  	_ =	shalt  }
0x52: {  	_ =	shalt  }
0x53: {  	_ =	shalt  }
0x54: {  	_ =	shalt  }
0x55: {  	_ =	shalt  }
0x56: {  	_ =	shalt  }
0x57: {  	_ =	shalt  }
0x58: {  	_ =	shalt  }
0x59: {  	_ =	shalt  }
0x5a: {  	_ =	shalt  }
0x5b: {  	_ =	shalt  }
0x5c: {  	_ =	shalt  }
0x5d: {  	_ =	shalt  }
0x5e: {  	_ =	shalt  }
0x5f: {  	_ =	shalt  }
0x60: {  	_ =	shalt  }
0x61: {  	_ =	shalt  }
0x62: {  	_ =	shalt  }
0x63: {  	_ =	shalt  }
0x64: {  	_ =	shalt  }
0x65: {  	_ =	shalt  }
0x66: {  	_ =	shalt  }
0x67: {  	_ =	shalt  }
0x68: {  	_ =	shalt  }
0x69: {  	_ =	shalt  }
0x6a: {  	_ =	shalt  }
0x6b: {  	_ =	shalt  }
0x6c: {  	_ =	shalt  }
0x6d: {  	_ =	shalt  }
0x6e: {  	_ =	shalt  }
0x6f: {  	_ =	shalt  }
0x70: {  	_ =	shalt  }
0x71: {  	_ =	shalt  }
0x72: {  	_ =	shalt  }
0x73: {  	_ =	shalt  }
0x74: {  	_ =	shalt  }
0x75: {  	_ =	shalt  }
0x76: {  	_ =	shalt  }
0x77: {  	_ =	shalt  }
0x78: {  	_ =	shalt  }
0x79: {  	_ =	shalt  }
0x7a: {  	_ =	shalt  }
0x7b: {  	_ =	shalt  }
0x7c: {  	_ =	shalt  }
0x7d: {  	_ =	shalt  }
0x7e: {  	_ =	shalt  }
0x7f: {  	_ =	shalt  }
0x80: {  	_ =	shalt  }
0x81: {  	_ =	shalt  }
0x82: {  	_ =	shalt  }
0x83: {  	_ =	shalt  }
0x84: {  	_ =	shalt  }
0x85: {  	_ =	shalt  }
0x86: {  	_ =	shalt  }
0x87: {  	_ =	shalt  }
.Lfunc_end0:
.L_simem_size_0:
called_computation.1_lowered:
.L_overlay_start_0:
0x88: {  	s2 =	sld [smem:$0x3FD9]  }
0x89: {  	s3 =	sld [smem:$0x3FFE];
	_ =	sdelay $0x1  }
0x8a: {  	s1 =	srdreg.scid  }
0x8b: {  	s0 =	sand.u32 $0x1, s1  }
0x8c: {  	s17 =	sshll.u32 s0, $0xA;
	s2 =	sadd.s32 s3, s2  }
0x8d: {  	s2 =	sadd.s32 s2, s17  }
0x8e: {  	[smem:$0x3FC2] =	sst s2  }
0x8f: {  	_ = 	snop  }
0x90: {  	s2 =	sld [smem:$0x3FD0];
	(tm) =	ssettm $0x1  }
0x91: {  	s18 =	sld [smem:$0x3FFB];
	_ =	sdelay $0x3  }
0x92: {  	_ =	strace s18  }
0x93: {  	s3 =	sld [smem:$0x3FFC];
	_ =	sdelay $0x3  }
0x94: {  	_ =	strace s3  }
0x95: {  	s3 =	sld [smem:$0x3FFD];
	_ =	sdelay $0x3  }
0x96: {  	_ =	strace s3  }
0x97: {  	_ =	strace $0x8FFFFFFF  }
0x98: {  	s19 =	sld [smem:$0x3FDB];
	_ =	sdelay $0x1  }
0x99: {  	s4 =	simm.s32 $_scs_section_size  }
0x9a: {  	s5 =	simm.s32 $_size__tile_overlayer_lowered;
	s6 =	simm.s32 $_tile_overlayer_lowered  }
0x9b: {  	s22 =	simm.s32 $0x1BFF;
	s21 =	sshll.u32 s6, $0x1;
	s3 =	sadd.s32 s4, s19  }
0x9c: {  	s7 =	simm.s32 $0x0;
	s20 =	sshll.u32 s5, $0x1;
	s5 =	sadd.s32 s21, s3  }
0x9d: {  	[timem:s7], [sflag:s22] =	dma.local [hbm:s5], s20  }
0x9e: {  	_ =	swait.ge [sflag:s22], s20  }
0x9f: {  	s4 =	ssub.s32 $0x0, s20;
	[sflag:s22] =	ssyncset.done $0x0  }
0xa0: {  	[sflag:s22] =	ssyncadd.s32 s4;
	_ =	sdelay $0x1  }
0xa1: {  	s23 =	simm.s32 $0x1B8B  }
0xa2: {  	_ =	swait.ge [sflag:s23], $0x1  }
0xa3: {  	[sflag:s23] =	ssyncset.done $0x0  }
0xa4: {  	s25 =	simm.s32 $0x1B8E;
	s24 =	sld [smem:$0x3FFE];
	[sflag:s23] =	ssyncadd.s32 $0xFFFFFFFF  }
0xa5: {  	s26 =	simm.s32 $execute0_lowered;
	[smem:$0x3FD2] =	sst s25  }
0xa6: {  	s5 =	sshll.u32 s26, $0x1;
	_ =	strace $0x80000049;
	[dreg:$0x1] =	wrdreg $0xFFFFFFFF  }
0xa7: {  	s28 =	simm.s32 $_size_execute0_lowered;
	s3 =	sadd.s32 s3, s5;
	[dreg:$0x0] =	wrdreg $0x0  }
0xa8: {  	s5 =	sshll.u32 s28, $0x1;
	[dreg:$0x2] =	wrdreg s3  }
0xa9: {  	[dreg:$0x3] =	wrdreg s5  }
0xaa: {  	[dreg:$0x4] =	wrdreg $0xC0  }
0xab: {  	_ =	task [dreg:s7], $0x5FFFF  }
0xac: {  	[dreg:$0x1] =	wrdreg $0xFFFFFFFF  }
0xad: {  	[dreg:$0x0] =	wrdreg $0x60  }
0xae: {  	[dreg:$0x2] =	wrdreg s2  }
0xaf: {  	[dreg:$0x3] =	wrdreg s24  }
0xb0: {  	[dreg:$0x4] =	wrdreg $0x94000  }
0xb1: {  	[dreg:$0x5] =	wrdreg $0x9  }
0xb2: {  	_ =	task.clear_ibuf [dreg:s7], $0x6FFFF;
	_ =	strace $0x90000049  }
0xb3: {  	s29 =	simm.s32 $0x9;
	_ =	strace $0x8000004B  }
0xb4: {  	_ =	swait.ge [sflag:s29], $0x1  }
0xb5: {  	[sflag:s29] =	ssyncadd.s32 $0xFFFFFFFF  }
0xb6: {  	_ =	strace $0x9000004B  }
0xb7: {  	_ =	sfence  }
0xb8: {  	s30 =	sld [smem:$0x0];
	_ =	sdelay $0x2  }
0xb9: {  	s31 =	sshll.u32 s1, $0xD;
	s1 =	sshrl.u32 s1, $0x2  }
0xba: {  	s3 =	sand.u32 $0x4000, s31;
	s1 =	sadd.s32 s1, s30  }
0xbb: {  	s0 =	sor.u32 s3, s0;
	s1 =	sshll.u32 s1, $0x11  }
0xbc: {  	s0 =	sor.u32 s1, s0  }
0xbd: {  	s0 =	sadd.s32 $0x8F2B, s0  }
0xbe: {  	[sflag:s0] =	ssyncadd.remote.s32 $0x1  }
0xbf: {  	_ =	sfence.sel $0xFFFF  }
0xc0: {  	[dreg:$0x0] =	wrdreg $0xFFFFFFFF;
	(pc) =	sbr.abs _section_cstart, $3  }
0xc1: {  	[dreg:$0x1] =	wrdreg $0xFFFFFFFF  }
0xc2: {  	_ =	task.clear_ibuf [dreg:s7], $0x2FFFF;
	_ =	strace $0x9FFFFFFF  }
0xc3: {  	(tm) =	ssettm $0x7FFFFFFF  }
tec
execute0_lowered:
.L_overlay_start_1:
0x0: {  	(tag) =	ssettag $0x1  }
0x1: {  	s1 =	rddreg [dreg:$0x0]  }
0x2: {  	s0 =	rddreg [dreg:$0x1]  }
0x3: {  	s3 =	rddreg [dreg:$0x2]  }
0x4: {  	s2 =	srdreg.scid;
	s12 =	stileid.u32;
	s4 =	simm.s32 $0x0  }
0x5: {  	s17 =	simm.s32 $0x80;
	s18 =	simm.s32 $0x100;
	s19 =	simm.s32 $0x180  }
0x6: {  	s20 =	simm.s32 $0x200;
	s21 =	simm.s32 $0x1;
	s22 =	simm.s32 $0x50  }
0x7: {  	s23 =	simm.s32 $0x4400;
	s24 =	simm.s32 $0x6C00;
	s28 =	simm.s32 $0x0  }
0x8: {  	s2 =	sand.u32 $0x1, s2;
	s5 =	sshll.u32 s12, $0xF;
	s8 =	smul.u32 $0x4E000, s12  }
0x9: {  	[smem:$0x7FF] =	sst s4;
	s9 =	sadd.s32 $0x12600, s0;
	s11 =	smul.u32 $0x13800, s12  }
0xa: {  	p0 =	seq.s32 s12, $0xF;
	s6 =	sshll.u32 s2, $0xE;
	_ =	strace $0x8000004A  }
0xb: {  	[dreg:$0x4] =	wrdreg s9;
	s25 =	ssub.s32 $0x2, s2;
	s2 =	smul.u32 $0x138800, s2  }
0xc: {  	s5 =	sor.u32 s6, s5;
	s6 =	sadd.s32 $0x63000, s0;
	s10 =	sshrl.u32 s25, $0x1  }
0xd: {  	s26 =	sshrl.u32 s8, $0x2;
	s7 =	sshrl.u32 s5, $0x3;
	s9 =	ssub.s32 s25, s10  }
0xe: {  	s29 =	sadd.s32 s11, s2;
	s2 =	sshrl.u32 s2, $0x3;
	s10 =	sadd.s32 $0x124800, s3  }
0xf: {  	s7 =	sadd.s32 s7, s0;
	s0 =	sadd.s32 $0x14E00, s0;
	s31 =	smax.u32 s9, $0x1  }
0x10: {  	s8 =	sshrl.u32 s29, $0x3;
	s7 =	sadd.s32 $0x2600, s7;
	[dreg:$0x8] =	wrdreg s31  }
0x11: {  	s2 =	sadd.s32 s0, s2;
	s0 =	sadd.s32 s0, s8;
	[dreg:$0x5] =	wrdreg s7  }
0x12: {  	[dreg:$0x6] =	wrdreg s0;
	s30 =	sadd.s32 $0x24900, s2;
	s0 =	sshll.u32 @!p0 s12, $0x6  }
0x13: {  	s7 =	sadd.s32 s26, s3;
	[dreg:$0x7] =	wrdreg s30;
	s9 =	sor.u32 @!p0 $0x1C04, s0  }
0x14: {  	s25 =	simm.s32 $0x2;
	s7 =	sshrl.u32 @!p0 s7, $0x3;
	[dreg:$0x9] =	wrdreg s9  }
0x15: {  	s8 =	sshrl.u32 @p0 s10, $0x3;
	s26 =	simm.s32 $0x3;
	[dreg:$0xa] =	wrdreg s7  }
.LBB2_1:
0x16: {  	s0 =	rddreg [dreg:$0x5];
	s12 =	simm.s32 $0x400;
	s2 =	simm.s32 $0x4  }
0x17: {  	[tilespmem:s12], [sflag:$0x4] =	stream.linear.gather [hbm4b:s0+s4], $0x3E80, $0x38;
	[tilespmem:$0x1CC80] =	vst v63  }
0x18: {  	_ =	swait.ge [sflag:s2], $0x3E80  }
0x19: {  	[sflag:s2] =	ssyncset.done $0x0  }
0x1a: {  	s0 =	simm.s32 @p0 $0x1FC4;
	[sflag:s2] =	ssyncadd.s32 $0xFFFFC180;
	s2 =	rddreg [dreg:$0x4]  }
0x1b: {  	[spmem:s8], [sflag:s0] =	dma.local @p0 [hbm:s2], $0x2800  }
0x1c: {  	s16 =	smov.u32 s8;
	s0 =	simm.s32 @p0 $0x4  }
0x1d: {  	s13 =	simm.s32 $0x80;
	s14 =	simm.s32 $0x100;
	_ =	swait.ge @p0 [sflag:s0], $0x2800  }
0x1e: {  	s11 =	simm.s32 $0x200;
	s15 =	sand.u32 $0x380, s13;
	[sflag:s0] =	ssyncset.done @p0 $0x0  }
0x1f: {  	s10 =	sand.u32 $0x380, s14;
	[sflag:s0] =	ssyncadd.s32 @p0 $0xFFFFD800;
	s0 =	simm.s32 @!p0 $0x4  }
0x20: {  	[spmem:s7], [sflag:s9] =	dma.local @!p0 [hbm:s2], $0x2700  }
0x21: {  	s8 =	sand.u32 $0x7C00, s4;
	s7 =	sand.u32 $0xFC00, s13;
	_ =	swait.ge @!p0 [sflag:s0], $0x2700  }
0x22: {  	s9 =	sand.u32 $0x380, s4;
	s7 =	sadd.s32 s5, s7;
	[sflag:s0] =	ssyncset.done @!p0 $0x0  }
0x23: {  	s2 =	sor.u32 s15, s7;
	[sflag:s0] =	ssyncadd.s32 @!p0 $0xFFFFD900;
	s0 =	sadd.s32 s5, s8  }
0x24: {  	s8 =	sand.u32 $0xFC00, s14;
	s2 =	sshrl.u32 s2, $0x3;
	s14 =	simm.s32 $0x180  }
0x25: {  	[bflag:$0x0] =	sbarrier.arrive $0xFFFF;
	s0 =	sor.u32 s9, s0;
	s13 =	sadd.s32 s5, s8  }
0x26: {  	s15 =	sand.u32 $0xFC00, s14;
	s8 =	sand.u32 $0x380, s14;
	s2 =	sadd.s32 s6, s2  }
0x27: {  	s0 =	sshrl.u32 s0, $0x3;
	s7 =	sor.u32 s10, s13;
	s10 =	sadd.s32 s5, s15  }
0x28: {  	s13 =	sand.u32 $0xFC00, s11;
	s15 =	sand.u32 $0x380, s11;
	s0 =	sadd.s32 s6, s0  }
0x29: {  	[tilespmem:s4], [sflag:$0x1] =	stream.linear.gather [hbm4b:s0+s4], $0x80, $0x38;
	[tilespmem:$0x1CC80] =	vst v63  }
0x2a: {  	s7 =	sshrl.u32 s7, $0x3;
	s14 =	sadd.s32 s5, s13;
	s0 =	sor.u32 s8, s10  }
0x2b: {  	[tilespmem:s17], [sflag:$0x1] =	stream.linear.gather [hbm4b:s2+s4], $0x80, $0x38;
	[tilespmem:$0x1CC80] =	vst v63  }
0x2c: {  	s7 =	sadd.s32 s6, s7;
	s8 =	sor.u32 s15, s14;
	s0 =	sshrl.u32 s0, $0x3  }
0x2d: {  	[tilespmem:s18], [sflag:$0x1] =	stream.linear.gather [hbm4b:s7+s4], $0x80, $0x38;
	[tilespmem:$0x1CC80] =	vst v63  }
0x2e: {  	s9 =	sshrl.u32 s8, $0x3;
	s0 =	sadd.s32 s6, s0  }
0x2f: {  	[tilespmem:s19], [sflag:$0x1] =	stream.linear.gather [hbm4b:s0+s4], $0x80, $0x38;
	[tilespmem:$0x1CC80] =	vst v63  }
0x30: {  	s10 =	sadd.s32 s6, s9  }
0x31: {  	[tilespmem:s20], [sflag:$0x1] =	stream.linear.gather [hbm4b:s10+s4], $0x80, $0x38;
	[tilespmem:$0x1CC80] =	vst v63  }
0x32: {  	_ =	swait.ge [sflag:s21], $0x80  }
0x33: {  	[sflag:s21] =	ssyncset.done $0x0  }
0x34: {  	[sflag:s21] =	ssyncadd.s32 $0xFFFFFF80  }
0x35: {  	_ =	swait.ge [sflag:s21], $0x80  }
0x36: {  	[sflag:s21] =	ssyncset.done $0x0  }
0x37: {  	[sflag:s21] =	ssyncadd.s32 $0xFFFFFF80  }
0x38: {  	_ =	swait.ge [sflag:s21], $0x80  }
0x39: {  	[sflag:s21] =	ssyncset.done $0x0  }
0x3a: {  	[sflag:s21] =	ssyncadd.s32 $0xFFFFFF80  }
0x3b: {  	_ =	swait.ge [sflag:s21], $0x80  }
0x3c: {  	[sflag:s21] =	ssyncset.done $0x0  }
0x3d: {  	[sflag:s21] =	ssyncadd.s32 $0xFFFFFF80  }
0x3e: {  	_ =	swait.ge [sflag:s21], $0x80  }
0x3f: {  	[sflag:s21] =	ssyncset.done $0x0  }
0x40: {  	[sflag:s21] =	ssyncadd.s32 $0xFFFFFF80  }
0x41: {  	[tilespmem:s23], [sflag:$0x2] =	stream.indirect.gather [hbm4b:s1+s22], $0x80, s4, s22, $0xb8;
	[tilespmem:$0x1CC80] =	vst v63  }
0x42: {  	_ = 	snop  }
0x43: {  	[tilespmem:s24], [sflag:$0x2] =	stream.indirect.gather [hbm4b:s1+s22], $0x80, s17, s22, $0xb8;
	[tilespmem:$0x1CC80] =	vst v63  }
0x44: {  	_ =	swait.ge [sflag:s25], $0x2800  }
0x45: {  	[sflag:s25] =	ssyncset.done $0x0  }
0x46: {  	[sflag:s25] =	ssyncadd.s32 $0xFFFFD800  }
0x47: {  	[spmem:s3] =	stream.indirect.scatter.add.f32 [tilespmem:s23], [sflag:$0x3], $0x80, s12, s22, $0xb8;
	[tilespmem:$0x1CC80] =	vst v63  }
0x48: {  	_ =	swait.ge [sflag:s26], $0x2800  }
0x49: {  	[sflag:s26] =	ssyncset.done $0x0  }
0x4a: {  	[sflag:s26] =	ssyncadd.s32 $0xFFFFD800  }
0x4b: {  	[tilespmem:s23], [sflag:$0x2] =	stream.indirect.gather [hbm4b:s1+s22], $0x80, s18, s22, $0xb8;
	[tilespmem:$0x1CC80] =	vst v63  }
0x4c: {  	_ =	swait.ge [sflag:s25], $0x2800  }
0x4d: {  	[sflag:s25] =	ssyncset.done $0x0  }
0x4e: {  	s11 =	simm.s32 $0x480;
	[sflag:s25] =	ssyncadd.s32 $0xFFFFD800  }
0x4f: {  	[spmem:s3] =	stream.indirect.scatter.add.f32 [tilespmem:s24], [sflag:$0x3], $0x80, s11, s22, $0xb8;
	[tilespmem:$0x1CC80] =	vst v63  }
0x50: {  	_ =	swait.ge [sflag:s26], $0x2800  }
0x51: {  	[sflag:s26] =	ssyncset.done $0x0  }
0x52: {  	[sflag:s26] =	ssyncadd.s32 $0xFFFFD800  }
0x53: {  	[tilespmem:s24], [sflag:$0x2] =	stream.indirect.gather [hbm4b:s1+s22], $0x80, s19, s22, $0xb8;
	[tilespmem:$0x1CC80] =	vst v63  }
0x54: {  	_ =	swait.ge [sflag:s25], $0x2800  }
0x55: {  	[sflag:s25] =	ssyncset.done $0x0  }
0x56: {  	s30 =	simm.s32 $0x680;
	s12 =	simm.s32 $0x500;
	[sflag:s25] =	ssyncadd.s32 $0xFFFFD800  }
0x57: {  	[spmem:s3] =	stream.indirect.scatter.add.f32 [tilespmem:s23], [sflag:$0x3], $0x80, s12, s22, $0xb8;
	[tilespmem:$0x1CC80] =	vst v63  }
0x58: {  	s29 =	simm.s32 $0x880;
	s31 =	simm.s32 $0x900;
	_ =	swait.ge [sflag:s26], $0x2800  }
0x59: {  	s13 =	simm.s32 $0x580;
	s15 =	simm.s32 $0x300;
	[sflag:s26] =	ssyncset.done $0x0  }
0x5a: {  	s8 =	sand.u32 $0xFC00, s15;
	s2 =	simm.s32 $0x600;
	[sflag:s26] =	ssyncadd.s32 $0xFFFFD800  }
0x5b: {  	[tilespmem:s23], [sflag:$0x2] =	stream.indirect.gather [hbm4b:s1+s22], $0x80, s20, s22, $0xb8;
	[tilespmem:$0x1CC80] =	vst v63  }
0x5c: {  	s7 =	sand.u32 $0x380, s15;
	s0 =	simm.s32 $0x280;
	_ =	swait.ge [sflag:s25], $0x2800  }
0x5d: {  	s9 =	sand.u32 $0x7C00, s0;
	s10 =	sand.u32 $0x380, s0;
	[sflag:s25] =	ssyncset.done $0x0  }
0x5e: {  	s14 =	sadd.s32 s5, s9;
	s9 =	simm.s32 $0x480;
	[sflag:s25] =	ssyncadd.s32 $0xFFFFD800  }
0x5f: {  	[spmem:s3] =	stream.indirect.scatter.add.f32 [tilespmem:s24], [sflag:$0x3], $0x80, s13, s22, $0xb8;
	[tilespmem:$0x1CC80] =	vst v63  }
0x60: {  	s14 =	sor.u32 s10, s14;
	s11 =	simm.s32 $0x380;
	_ =	swait.ge [sflag:s25], $0x2800  }
0x61: {  	s12 =	simm.s32 $0x500;
	s13 =	sand.u32 $0x380, s11;
	[sflag:s25] =	ssyncset.done $0x0  }
.LBB2_2:
0x62: {  	s10 =	sshrl.u32 s14, $0x3;
	s14 =	sadd.s32 s5, s8;
	[sflag:s25] =	ssyncadd.s32 $0xFFFFD800  }
0x63: {  	s15 =	smov.u32 s12;
	s8 =	smov.u32 s30;
	s30 =	smov.u32 s31  }
0x64: {  	[spmem:s3] =	stream.indirect.scatter.add.f32 [tilespmem:s23], [sflag:$0x3], $0x80, s2, s22, $0xb8;
	[tilespmem:$0x1CC80] =	vst v63  }
0x65: {  	s2 =	sor.u32 s7, s14;
	s7 =	sand.u32 $0xFC00, s11;
	_ =	swait.ge [sflag:s26], $0x2800  }
0x66: {  	s2 =	sshrl.u32 s2, $0x3;
	s7 =	sadd.s32 s5, s7;
	[sflag:s26] =	ssyncset.done $0x0  }
0x67: {  	s0 =	sadd.s32 $0x180, s0;
	s7 =	sor.u32 s13, s7;
	[sflag:s26] =	ssyncadd.s32 $0xFFFFD800  }
0x68: {  	s11 =	sand.u32 $0xFC00, s0;
	s7 =	sshrl.u32 s7, $0x3;
	_ =	swait.ge [sflag:s26], $0x2800  }
0x69: {  	s10 =	sadd.s32 s6, s10;
	s0 =	sand.u32 $0x380, s0;
	[sflag:s26] =	ssyncset.done $0x0  }
0x6a: {  	s11 =	sadd.s32 s5, s11;
	s7 =	sadd.s32 s6, s7;
	[sflag:s26] =	ssyncadd.s32 $0xFFFFD800  }
0x6b: {  	[tilespmem:s4], [sflag:$0x1] =	stream.linear.gather [hbm4b:s10+s4], $0x80, $0x38;
	[tilespmem:$0x1CC80] =	vst v63  }
0x6c: {  	s2 =	sadd.s32 s6, s2;
	s0 =	sor.u32 s0, s11;
	s10 =	sand.u32 $0xFC00, s9  }
0x6d: {  	s0 =	sshrl.u32 s0, $0x3;
	s9 =	sand.u32 $0x380, s9;
	s11 =	sadd.s32 s5, s10  }
0x6e: {  	[tilespmem:s17], [sflag:$0x1] =	stream.linear.gather [hbm4b:s2+s4], $0x80, $0x38;
	[tilespmem:$0x1CC80] =	vst v63  }
0x6f: {  	s13 =	sadd.s32 $0x200, s31;
	s10 =	sadd.s32 $0x280, s12;
	s2 =	sor.u32 s9, s11  }
0x70: {  	[tilespmem:s18], [sflag:$0x1] =	stream.linear.gather [hbm4b:s7+s4], $0x80, $0x38;
	[tilespmem:$0x1CC80] =	vst v63  }
0x71: {  	p1 =	sne.s32 s12, $0x3C00;
	s0 =	sadd.s32 s6, s0;
	s2 =	sshrl.u32 s2, $0x3  }
0x72: {  	[tilespmem:s19], [sflag:$0x1] =	stream.linear.gather [hbm4b:s0+s4], $0x80, $0x38;
	[tilespmem:$0x1CC80] =	vst v63  }
0x73: {  	s0 =	sadd.s32 s6, s2;
	s2 =	smov.u32 s29;
	s29 =	smov.u32 s13  }
0x74: {  	[tilespmem:s20], [sflag:$0x1] =	stream.linear.gather [hbm4b:s0+s4], $0x80, $0x38;
	[tilespmem:$0x1CC80] =	vst v63  }
0x75: {  	s0 =	smov.u32 s15;
	_ =	swait.ge [sflag:s21], $0x80  }
0x76: {  	[sflag:s21] =	ssyncset.done $0x0  }
0x77: {  	[sflag:s21] =	ssyncadd.s32 $0xFFFFFF80  }
0x78: {  	_ =	swait.ge [sflag:s21], $0x80  }
0x79: {  	[sflag:s21] =	ssyncset.done $0x0  }
0x7a: {  	[sflag:s21] =	ssyncadd.s32 $0xFFFFFF80  }
0x7b: {  	_ =	swait.ge [sflag:s21], $0x80  }
0x7c: {  	[sflag:s21] =	ssyncset.done $0x0  }
0x7d: {  	[sflag:s21] =	ssyncadd.s32 $0xFFFFFF80  }
0x7e: {  	_ =	swait.ge [sflag:s21], $0x80  }
0x7f: {  	[sflag:s21] =	ssyncset.done $0x0  }
0x80: {  	[sflag:s21] =	ssyncadd.s32 $0xFFFFFF80  }
0x81: {  	_ =	swait.ge [sflag:s21], $0x80  }
0x82: {  	[sflag:s21] =	ssyncset.done $0x0  }
0x83: {  	[sflag:s21] =	ssyncadd.s32 $0xFFFFFF80  }
0x84: {  	[tilespmem:s23], [sflag:$0x2] =	stream.indirect.gather [hbm4b:s1+s22], $0x80, s4, s22, $0xb8;
	[tilespmem:$0x1CC80] =	vst v63  }
0x85: {  	_ = 	snop  }
0x86: {  	[tilespmem:s24], [sflag:$0x2] =	stream.indirect.gather [hbm4b:s1+s22], $0x80, s17, s22, $0xb8;
	[tilespmem:$0x1CC80] =	vst v63  }
0x87: {  	_ =	swait.ge [sflag:s25], $0x2800  }
0x88: {  	[sflag:s25] =	ssyncset.done $0x0  }
0x89: {  	[sflag:s25] =	ssyncadd.s32 $0xFFFFD800  }
0x8a: {  	[spmem:s3] =	stream.indirect.scatter.add.f32 [tilespmem:s23], [sflag:$0x3], $0x80, s8, s22, $0xb8;
	[tilespmem:$0x1CC80] =	vst v63  }
0x8b: {  	_ =	swait.ge [sflag:s26], $0x2800  }
0x8c: {  	[sflag:s26] =	ssyncset.done $0x0  }
0x8d: {  	[sflag:s26] =	ssyncadd.s32 $0xFFFFD800  }
0x8e: {  	[tilespmem:s23], [sflag:$0x2] =	stream.indirect.gather [hbm4b:s1+s22], $0x80, s18, s22, $0xb8;
	[tilespmem:$0x1CC80] =	vst v63  }
0x8f: {  	_ =	swait.ge [sflag:s25], $0x2800  }
0x90: {  	[sflag:s25] =	ssyncset.done $0x0  }
0x91: {  	s7 =	sadd.s32 $0x80, s8;
	[sflag:s25] =	ssyncadd.s32 $0xFFFFD800  }
0x92: {  	[spmem:s3] =	stream.indirect.scatter.add.f32 [tilespmem:s24], [sflag:$0x3], $0x80, s7, s22, $0xb8;
	[tilespmem:$0x1CC80] =	vst v63  }
0x93: {  	_ =	swait.ge [sflag:s26], $0x2800  }
0x94: {  	[sflag:s26] =	ssyncset.done $0x0  }
0x95: {  	[sflag:s26] =	ssyncadd.s32 $0xFFFFD800  }
0x96: {  	[tilespmem:s24], [sflag:$0x2] =	stream.indirect.gather [hbm4b:s1+s22], $0x80, s19, s22, $0xb8;
	[tilespmem:$0x1CC80] =	vst v63  }
0x97: {  	_ =	swait.ge [sflag:s25], $0x2800  }
0x98: {  	[sflag:s25] =	ssyncset.done $0x0  }
0x99: {  	s7 =	sadd.s32 $0x100, s8;
	[sflag:s25] =	ssyncadd.s32 $0xFFFFD800  }
0x9a: {  	[spmem:s3] =	stream.indirect.scatter.add.f32 [tilespmem:s23], [sflag:$0x3], $0x80, s7, s22, $0xb8;
	[tilespmem:$0x1CC80] =	vst v63  }
0x9b: {  	_ =	swait.ge [sflag:s26], $0x2800  }
0x9c: {  	s31 =	sadd.s32 $0x280, s31;
	s12 =	sand.u32 $0x380, s0;
	[sflag:s26] =	ssyncset.done $0x0  }
0x9d: {  	s15 =	sadd.s32 $0x80, s0;
	s8 =	sadd.s32 $0x180, s8;
	[sflag:s26] =	ssyncadd.s32 $0xFFFFD800  }
0x9e: {  	[tilespmem:s23], [sflag:$0x2] =	stream.indirect.gather [hbm4b:s1+s22], $0x80, s20, s22, $0xb8;
	[tilespmem:$0x1CC80] =	vst v63  }
0x9f: {  	s11 =	sadd.s32 $0x100, s0;
	s7 =	sand.u32 $0x7C00, s0;
	_ =	swait.ge [sflag:s25], $0x2800  }
.Ltmp0:
0xa0: {  	s9 =	sadd.s32 $0x200, s0;
	[sflag:s25] =	ssyncset.done $0x0;
	(pc) =	sbr.rel @p1 .LBB2_2-.Ltmp0, $4  }
0xa1: {  	s14 =	sadd.s32 s5, s7;
	s7 =	sand.u32 $0x380, s15;
	[sflag:s25] =	ssyncadd.s32 $0xFFFFD800  }
0xa2: {  	[spmem:s3] =	stream.indirect.scatter.add.f32 [tilespmem:s24], [sflag:$0x3], $0x80, s8, s22, $0xb8;
	[tilespmem:$0x1CC80] =	vst v63  }
0xa3: {  	s13 =	sand.u32 $0x380, s11;
	s14 =	sor.u32 s12, s14;
	_ =	swait.ge [sflag:s25], $0x2800  }
0xa4: {  	s12 =	smov.u32 s10;
	s8 =	sand.u32 $0xFC00, s15;
	[sflag:s25] =	ssyncset.done $0x0  }
0xa5: {  	[sflag:s25] =	ssyncadd.s32 $0xFFFFD800  }
0xa6: {  	[spmem:s3] =	stream.indirect.scatter.add.f32 [tilespmem:s23], [sflag:$0x3], $0x80, s2, s22, $0xb8;
	[tilespmem:$0x1CC80] =	vst v63  }
0xa7: {  	_ =	swait.ge [sflag:s26], $0x2800  }
0xa8: {  	[sflag:s26] =	ssyncset.done $0x0  }
0xa9: {  	[sflag:s26] =	ssyncadd.s32 $0xFFFFD800  }
0xaa: {  	_ =	swait.ge [sflag:s26], $0x2800  }
0xab: {  	s14 =	sshrl.u32 s14, $0x3;
	s15 =	sadd.s32 s5, s8;
	[sflag:s26] =	ssyncset.done $0x0  }
0xac: {  	s31 =	sand.u32 $0xFC00, s11;
	s2 =	sadd.s32 s6, s14;
	[sflag:s26] =	ssyncadd.s32 $0xFFFFD800  }
0xad: {  	[tilespmem:s4], [sflag:$0x1] =	stream.linear.gather [hbm4b:s2+s4], $0x80, $0x38;
	[tilespmem:$0x1CC80] =	vst v63  }
0xae: {  	s2 =	sor.u32 s7, s15;
	s7 =	sadd.s32 s5, s31  }
0xaf: {  	s2 =	sshrl.u32 s2, $0x3;
	s7 =	sor.u32 s13, s7  }
0xb0: {  	s0 =	sadd.s32 $0x180, s0;
	s2 =	sadd.s32 s6, s2;
	s8 =	sshrl.u32 s7, $0x3  }
0xb1: {  	[tilespmem:s17], [sflag:$0x1] =	stream.linear.gather [hbm4b:s2+s4], $0x80, $0x38;
	[tilespmem:$0x1CC80] =	vst v63  }
0xb2: {  	s10 =	sand.u32 $0xFC00, s0;
	s2 =	sadd.s32 s6, s8  }
0xb3: {  	[tilespmem:s18], [sflag:$0x1] =	stream.linear.gather [hbm4b:s2+s4], $0x80, $0x38;
	[tilespmem:$0x1CC80] =	vst v63  }
0xb4: {  	s11 =	sand.u32 $0xFC00, s9;
	s0 =	sand.u32 $0x380, s0;
	s2 =	sadd.s32 s5, s10  }
0xb5: {  	s12 =	sand.u32 $0x380, s9;
	s0 =	sor.u32 s0, s2;
	s2 =	sadd.s32 s5, s11  }
0xb6: {  	s0 =	sshrl.u32 s0, $0x3;
	s2 =	sor.u32 s12, s2  }
0xb7: {  	s0 =	sadd.s32 s6, s0;
	s13 =	sshrl.u32 s2, $0x3  }
0xb8: {  	[tilespmem:s19], [sflag:$0x1] =	stream.linear.gather [hbm4b:s0+s4], $0x80, $0x38;
	[tilespmem:$0x1CC80] =	vst v63  }
0xb9: {  	s0 =	sadd.s32 s6, s13  }
0xba: {  	[tilespmem:s20], [sflag:$0x1] =	stream.linear.gather [hbm4b:s0+s4], $0x80, $0x38;
	[tilespmem:$0x1CC80] =	vst v63  }
0xbb: {  	_ =	swait.ge [sflag:s21], $0x80  }
0xbc: {  	[sflag:s21] =	ssyncset.done $0x0  }
0xbd: {  	[sflag:s21] =	ssyncadd.s32 $0xFFFFFF80  }
0xbe: {  	_ =	swait.ge [sflag:s21], $0x80  }
0xbf: {  	[sflag:s21] =	ssyncset.done $0x0  }
0xc0: {  	[sflag:s21] =	ssyncadd.s32 $0xFFFFFF80  }
0xc1: {  	_ =	swait.ge [sflag:s21], $0x80  }
0xc2: {  	[sflag:s21] =	ssyncset.done $0x0  }
0xc3: {  	[sflag:s21] =	ssyncadd.s32 $0xFFFFFF80  }
0xc4: {  	_ =	swait.ge [sflag:s21], $0x80  }
0xc5: {  	[sflag:s21] =	ssyncset.done $0x0  }
0xc6: {  	[sflag:s21] =	ssyncadd.s32 $0xFFFFFF80  }
0xc7: {  	_ =	swait.ge [sflag:s21], $0x80  }
0xc8: {  	[sflag:s21] =	ssyncset.done $0x0  }
0xc9: {  	[sflag:s21] =	ssyncadd.s32 $0xFFFFFF80  }
0xca: {  	[tilespmem:s23], [sflag:$0x2] =	stream.indirect.gather [hbm4b:s1+s22], $0x80, s4, s22, $0xb8;
	[tilespmem:$0x1CC80] =	vst v63  }
0xcb: {  	_ = 	snop  }
0xcc: {  	[tilespmem:s24], [sflag:$0x2] =	stream.indirect.gather [hbm4b:s1+s22], $0x80, s17, s22, $0xb8;
	[tilespmem:$0x1CC80] =	vst v63  }
0xcd: {  	_ =	swait.ge [sflag:s25], $0x2800  }
0xce: {  	[sflag:s25] =	ssyncset.done $0x0  }
0xcf: {  	[sflag:s25] =	ssyncadd.s32 $0xFFFFD800  }
0xd0: {  	[spmem:s3] =	stream.indirect.scatter.add.f32 [tilespmem:s23], [sflag:$0x3], $0x80, s30, s22, $0xb8;
	[tilespmem:$0x1CC80] =	vst v63  }
0xd1: {  	_ =	swait.ge [sflag:s26], $0x2800  }
0xd2: {  	[sflag:s26] =	ssyncset.done $0x0  }
0xd3: {  	[sflag:s26] =	ssyncadd.s32 $0xFFFFD800  }
0xd4: {  	[tilespmem:s23], [sflag:$0x2] =	stream.indirect.gather [hbm4b:s1+s22], $0x80, s18, s22, $0xb8;
	[tilespmem:$0x1CC80] =	vst v63  }
0xd5: {  	_ =	swait.ge [sflag:s25], $0x2800  }
0xd6: {  	[sflag:s25] =	ssyncset.done $0x0  }
0xd7: {  	s14 =	sadd.s32 $0x80, s30;
	[sflag:s25] =	ssyncadd.s32 $0xFFFFD800  }
0xd8: {  	[spmem:s3] =	stream.indirect.scatter.add.f32 [tilespmem:s24], [sflag:$0x3], $0x80, s14, s22, $0xb8;
	[tilespmem:$0x1CC80] =	vst v63  }
0xd9: {  	_ =	swait.ge [sflag:s26], $0x2800  }
0xda: {  	[sflag:s26] =	ssyncset.done $0x0  }
0xdb: {  	[sflag:s26] =	ssyncadd.s32 $0xFFFFD800  }
0xdc: {  	[tilespmem:s24], [sflag:$0x2] =	stream.indirect.gather [hbm4b:s1+s22], $0x80, s19, s22, $0xb8;
	[tilespmem:$0x1CC80] =	vst v63  }
0xdd: {  	_ =	swait.ge [sflag:s25], $0x2800  }
0xde: {  	[sflag:s25] =	ssyncset.done $0x0  }
0xdf: {  	s15 =	sadd.s32 $0x100, s30;
	[sflag:s25] =	ssyncadd.s32 $0xFFFFD800  }
0xe0: {  	[spmem:s3] =	stream.indirect.scatter.add.f32 [tilespmem:s23], [sflag:$0x3], $0x80, s15, s22, $0xb8;
	[tilespmem:$0x1CC80] =	vst v63  }
0xe1: {  	_ =	swait.ge [sflag:s26], $0x2800  }
0xe2: {  	[sflag:s26] =	ssyncset.done $0x0  }
0xe3: {  	[sflag:s26] =	ssyncadd.s32 $0xFFFFD800  }
0xe4: {  	[tilespmem:s23], [sflag:$0x2] =	stream.indirect.gather [hbm4b:s1+s22], $0x80, s20, s22, $0xb8;
	[tilespmem:$0x1CC80] =	vst v63  }
0xe5: {  	_ =	swait.ge [sflag:s25], $0x2800  }
0xe6: {  	[sflag:s25] =	ssyncset.done $0x0  }
0xe7: {  	s30 =	sadd.s32 $0x180, s30;
	[sflag:s25] =	ssyncadd.s32 $0xFFFFD800  }
0xe8: {  	[spmem:s3] =	stream.indirect.scatter.add.f32 [tilespmem:s24], [sflag:$0x3], $0x80, s30, s22, $0xb8;
	[tilespmem:$0x1CC80] =	vst v63  }
0xe9: {  	_ =	swait.ge [sflag:s25], $0x2800  }
0xea: {  	[sflag:s25] =	ssyncset.done $0x0  }
0xeb: {  	[sflag:s25] =	ssyncadd.s32 $0xFFFFD800  }
0xec: {  	[spmem:s3] =	stream.indirect.scatter.add.f32 [tilespmem:s23], [sflag:$0x3], $0x80, s29, s22, $0xb8;
	[tilespmem:$0x1CC80] =	vst v63  }
0xed: {  	_ =	swait.ge [sflag:s26], $0x2800  }
0xee: {  	[sflag:s26] =	ssyncset.done $0x0  }
0xef: {  	[sflag:s26] =	ssyncadd.s32 $0xFFFFD800  }
0xf0: {  	_ =	swait.ge [sflag:s26], $0x2800  }
0xf1: {  	[sflag:s26] =	ssyncset.done $0x0  }
0xf2: {  	[sflag:s26] =	ssyncadd.s32 $0xFFFFD800  }
0xf3: {  	[bflag:$0x0] =	sbarrier.arrive $0xFFFF  }
0xf4: {  	s0 =	simm.s32 @p0 $0x1FC4;
	s2 =	rddreg [dreg:$0x7]  }
0xf5: {  	[hbm:s2], [sflag:s0] =	dma.local @p0 [spmem:s16], $0x2800  }
0xf6: {  	s0 =	simm.s32 @p0 $0x4  }
0xf7: {  	_ =	swait.ge @p0 [sflag:s0], $0x2800  }
0xf8: {  	s9 =	rddreg [dreg:$0x9]  }
0xf9: {  	[sflag:s0] =	ssyncset.done @p0 $0x0;
	s7 =	rddreg [dreg:$0xa]  }
0xfa: {  	[sflag:s0] =	ssyncadd.s32 @p0 $0xFFFFD800;
	s0 =	rddreg [dreg:$0x6]  }
0xfb: {  	[hbm:s0], [sflag:s9] =	dma.local @!p0 [spmem:s7], $0x2700  }
0xfc: {  	s0 =	simm.s32 @!p0 $0x4  }
0xfd: {  	_ =	swait.ge @!p0 [sflag:s0], $0x2700  }
0xfe: {  	s28 =	sadd.s32 $0x1, s28;
	s31 =	rddreg [dreg:$0x8]  }
0xff: {  	p1 =	sne.s32 s28, s31  }
.Ltmp1:
0x100: {  	_ = 	snop;
	(pc) =	sbr.rel @p1 .LBB2_1-.Ltmp1, $3  }
0x101: {  	_ =	sdelay $0x1  }
0x102: {  	[sflag:s0] =	ssyncset.done @!p0 $0x0  }
0x103: {  	s8 =	smov.u32 s16;
	[sflag:s0] =	ssyncadd.s32 @!p0 $0xFFFFD900  }
0x104: {  	_ =	sfence.sel $0x180000  }
0x105: {  	[bflag:$0x0] =	sbarrier.arrive $0xFFFF  }
0x106: {  	_ =	strace $0x9000004A  }
0x107: {  	s0 =	stileid.u32;
	[bflag:$0x2] =	sbarrier.arrive $0xFFFF  }
0x108: {  	p0 =	sne.s32 s0, $0x0;
	s0 =	rddreg [dreg:$0x3]  }
0x109: {  	s0 =	sadd.s32 @!p0 $0x100000, s0  }
0x10a: {  	[sflag:s0] =	ssyncadd.tile.s32 @!p0 $0x1;
	_ =	shalt  }
.Lfunc_end2:
_tile_overlayer_lowered:
.L_overlay_start_2:
0x10b: {  	(tag) =	ssettag $0x2  }
0x10c: {  	s0 =	rddreg [dreg:$0x0];
	s2 =	stileid.u32  }
0x10d: {  	s1 =	rddreg [dreg:$0x1];
	p0 =	sne.s32 s2, $0x0  }
0x10e: {  	s3 =	rddreg [dreg:$0x2];
	[bflag:$0x3] =	sbarrier.arrive $0xFFFF;
	s2 =	simm.s32 @!p0 $0x1C04  }
0x10f: {  	[timem:s3], [sflag:s2] =	dma.local @!p0 [hbm:s0], s1  }
0x110: {  	s0 =	simm.s32 @!p0 $0x4  }
0x111: {  	_ =	swait.ge @!p0 [sflag:s0], s1  }
0x112: {  	s1 =	ssub.s32 @!p0 $0x0, s1;
	[sflag:s0] =	ssyncset.done @!p0 $0x0  }
0x113: {  	[sflag:s0] =	ssyncadd.s32 @!p0 s1  }
0x114: {  	[bflag:$0x3] =	sbarrier.arrive $0xFFFF  }
0x115: {  	_ =	shalt  }

// kernel: kernel.14.cloned.1.call-start
scs
__scs_entry_jumppad:
0x0: {  	(pc) =	sbr.rel $0x88, $3  }
0x1: {  	(tag) =	ssettag $0x0;
	lr =	simm.s32 $0x1  }
0x2: {  	[smem:$0x3F9B] =	sst lr;
	_ =	strace $0xD0000000  }
0x3: {  	_ = 	snop  }
0x4: {  	_ = 	snop  }
0x5: {  	_ = 	snop  }
0x6: {  	_ = 	snop  }
0x7: {  	_ = 	snop  }
__scs_overlays_trampoline_lowered:
0x8: {  	[smem:$0x3FAA] =	sst s0  }
0x9: {  	[smem:$0x3FAB] =	sst s1  }
0xa: {  	[smem:$0x3FAC] =	sst s2  }
0xb: {  	[smem:$0x3FAD] =	sst s3  }
0xc: {  	[smem:$0x3FAE] =	sst s4  }
0xd: {  	[smem:$0x3FAF] =	sst s5  }
0xe: {  	[smem:$0x3FB0] =	sst s6  }
0xf: {  	[smem:$0x3FB1] =	sst s7  }
0x10: {  	[smem:$0x3FB2] =	sst s8  }
0x11: {  	[smem:$0x3FB3] =	sst s9;
	s0 =	simm.s32 @!p0 $0x0  }
0x12: {  	s1 =	sld [smem:$0x3F99];
	s0 =	simm.s32 @p0 $0x1  }
0x13: {  	[smem:$0x3FB4] =	sst s0;
	s0 =	simm.s32 @!p1 $0x0  }
0x14: {  	s2 =	sld [smem:$0x3F98];
	s0 =	simm.s32 @p1 $0x1  }
0x15: {  	[smem:$0x3FB5] =	sst s0;
	s0 =	simm.s32 @!p2 $0x0  }
0x16: {  	s3 =	sld [smem:$0x3FDB];
	s0 =	simm.s32 @p2 $0x1  }
0x17: {  	s4 =	simm.s32 $0x1BF5;
	[smem:$0x3FB7] =	sst s0  }
0x18: {  	s0 =	sld [smem:$0x3F9A];
	_ =	swait.ge [sflag:s4], $0x0  }
0x19: {  	s7 =	sld [smem:$0x3F9B]  }
0x1a: {  	s8 =	sadd.s32 $0xFFFFE003, lr  }
0x1b: {  	s9 =	sadd.s32 $0xFFFFFEF7, lr;
	s5 =	simm.s32 $0xFFFFFFFF;
	p2 =	slt.u32 s8, $0xFFFFF086  }
0x1c: {  	p1 =	slt.u32 s9, $0xF7A;
	s5 =	simm.s32 @!p2 $0x0  }
0x1d: {  	s5 =	simm.s32 @p1 $0x1;
	p0 =	seq.s32 s7, s2  }
0x1e: {  	s7 =	smul.u32 @!p0 $0xF7A, s2;
	p2 =	seq.s32 @!p0 s5, $0x0  }
0x1f: {  	s9 =	smul.u32 $0xF7A, s1;
	s8 =	simm.s32 @!p0 $0x1BF5;
	p2 =	por !p2, p0  }
0x20: {  	[sflag:s8] =	ssyncset.s32 @!p0 $0xFFFFF086;
	s6 =	sadd.s32 @!p0 s3, s7;
	s7 =	simm.s32 @!p0 $0x108  }
0x21: {  	s3 =	sadd.s32 s3, s9;
	s6 =	sadd.s32 @!p0 $0x88, s6;
	s7 =	simm.s32 @p2 $0x1082  }
0x22: {  	[simem:s7], [sflag:s8] =	dma.local @!p0 [hbm:s6], $0xF7A  }
0x23: {  	s9 =	sor.u32 $0xD0000000, s2;
	s6 =	simm.s32 $0x108;
	_ =	swait.ge @!p0 [sflag:s8], $0x0  }
0x24: {  	s3 =	sadd.s32 $0x88, s3;
	s6 =	simm.s32 @!p1 $0x1082;
	[sflag:s4] =	ssyncset.s32 $0xFFFFF086  }
0x25: {  	[simem:s6], [sflag:s4] =	dma.local [hbm:s3], $0xF7A  }
0x26: {  	[smem:$0x3F9B] =	sst s1;
	(tag) =	ssettag s2;
	_ =	strace s9  }
0x27: {  	s1 =	sld [smem:$0x3FAB]  }
0x28: {  	s2 =	sld [smem:$0x3FAC]  }
0x29: {  	s4 =	sld [smem:$0x3FAE]  }
0x2a: {  	p0 =	seq.s32 s5, $0x0;
	s5 =	sld [smem:$0x3FAF]  }
0x2b: {  	s6 =	sld [smem:$0x3FB0]  }
0x2c: {  	s7 =	sld [smem:$0x3FB1]  }
0x2d: {  	s3 =	simm.s32 $0x108;
	s8 =	sld [smem:$0x3FB2]  }
0x2e: {  	s3 =	simm.s32 @!p0 $0x1082;
	s9 =	sld [smem:$0x3FB3]  }
0x2f: {  	lr =	sadd.s32 s0, s3;
	s0 =	sld [smem:$0x3FAA]  }
0x30: {  	s3 =	sld [smem:$0x3FAD]  }
0x31: {  	[smem:$0x3FB6] =	sst s10  }
0x32: {  	s10 =	sld [smem:$0x3FB4];
	_ =	sdelay $0x3  }
0x33: {  	p0 =	seq.s32 s10, $0x1;
	s10 =	sld [smem:$0x3FB6];
	_ =	sdelay $0x3  }
0x34: {  	[smem:$0x3FB6] =	sst s10  }
0x35: {  	s10 =	sld [smem:$0x3FB5];
	_ =	sdelay $0x3  }
0x36: {  	p1 =	seq.s32 s10, $0x1;
	s10 =	sld [smem:$0x3FB6];
	_ =	sdelay $0x3  }
0x37: {  	[smem:$0x3FB6] =	sst s10  }
0x38: {  	s10 =	sld [smem:$0x3FB7]  }
0x39: {  	_ = 	snop;
	(pc) =	sbr.ind lr, $3  }
0x3a: {  	_ = 	snop  }
0x3b: {  	_ = 	snop  }
0x3c: {  	p2 =	seq.s32 s10, $0x1;
	s10 =	sld [smem:$0x3FB6]  }
0x3d: {  	_ =	shalt  }
0x3e: {  	_ =	shalt  }
0x3f: {  	_ =	shalt  }
0x40: {  	_ =	shalt  }
0x41: {  	_ =	shalt  }
0x42: {  	_ =	shalt  }
0x43: {  	_ =	shalt  }
0x44: {  	_ =	shalt  }
0x45: {  	_ =	shalt  }
0x46: {  	_ =	shalt  }
0x47: {  	_ =	shalt  }
0x48: {  	_ =	shalt  }
0x49: {  	_ =	shalt  }
0x4a: {  	_ =	shalt  }
0x4b: {  	_ =	shalt  }
0x4c: {  	_ =	shalt  }
0x4d: {  	_ =	shalt  }
0x4e: {  	_ =	shalt  }
0x4f: {  	_ =	shalt  }
0x50: {  	_ =	shalt  }
0x51: {  	_ =	shalt  }
0x52: {  	_ =	shalt  }
0x53: {  	_ =	shalt  }
0x54: {  	_ =	shalt  }
0x55: {  	_ =	shalt  }
0x56: {  	_ =	shalt  }
0x57: {  	_ =	shalt  }
0x58: {  	_ =	shalt  }
0x59: {  	_ =	shalt  }
0x5a: {  	_ =	shalt  }
0x5b: {  	_ =	shalt  }
0x5c: {  	_ =	shalt  }
0x5d: {  	_ =	shalt  }
0x5e: {  	_ =	shalt  }
0x5f: {  	_ =	shalt  }
0x60: {  	_ =	shalt  }
0x61: {  	_ =	shalt  }
0x62: {  	_ =	shalt  }
0x63: {  	_ =	shalt  }
0x64: {  	_ =	shalt  }
0x65: {  	_ =	shalt  }
0x66: {  	_ =	shalt  }
0x67: {  	_ =	shalt  }
0x68: {  	_ =	shalt  }
0x69: {  	_ =	shalt  }
0x6a: {  	_ =	shalt  }
0x6b: {  	_ =	shalt  }
0x6c: {  	_ =	shalt  }
0x6d: {  	_ =	shalt  }
0x6e: {  	_ =	shalt  }
0x6f: {  	_ =	shalt  }
0x70: {  	_ =	shalt  }
0x71: {  	_ =	shalt  }
0x72: {  	_ =	shalt  }
0x73: {  	_ =	shalt  }
0x74: {  	_ =	shalt  }
0x75: {  	_ =	shalt  }
0x76: {  	_ =	shalt  }
0x77: {  	_ =	shalt  }
0x78: {  	_ =	shalt  }
0x79: {  	_ =	shalt  }
0x7a: {  	_ =	shalt  }
0x7b: {  	_ =	shalt  }
0x7c: {  	_ =	shalt  }
0x7d: {  	_ =	shalt  }
0x7e: {  	_ =	shalt  }
0x7f: {  	_ =	shalt  }
0x80: {  	_ =	shalt  }
0x81: {  	_ =	shalt  }
0x82: {  	_ =	shalt  }
0x83: {  	_ =	shalt  }
0x84: {  	_ =	shalt  }
0x85: {  	_ =	shalt  }
0x86: {  	_ =	shalt  }
0x87: {  	_ =	shalt  }
.Lfunc_end0:
.L_simem_size_0:
called_computation.2_lowered:
.L_overlay_start_0:
0x88: {  	s2 =	sld [smem:$0x3FD9]  }
0x89: {  	s3 =	sld [smem:$0x3FFE];
	_ =	sdelay $0x1  }
0x8a: {  	s1 =	srdreg.scid  }
0x8b: {  	s0 =	sand.u32 $0x1, s1  }
0x8c: {  	s17 =	sshll.u32 s0, $0xA;
	s2 =	sadd.s32 s3, s2  }
0x8d: {  	s2 =	sadd.s32 s2, s17  }
0x8e: {  	[smem:$0x3FC2] =	sst s2  }
0x8f: {  	_ = 	snop  }
0x90: {  	s2 =	sld [smem:$0x3FD0];
	(tm) =	ssettm $0x1  }
0x91: {  	s18 =	sld [smem:$0x3FFB];
	_ =	sdelay $0x3  }
0x92: {  	_ =	strace s18  }
0x93: {  	s3 =	sld [smem:$0x3FFC];
	_ =	sdelay $0x3  }
0x94: {  	_ =	strace s3  }
0x95: {  	s3 =	sld [smem:$0x3FFD];
	_ =	sdelay $0x3  }
0x96: {  	_ =	strace s3  }
0x97: {  	_ =	strace $0x8FFFFFFF  }
0x98: {  	s19 =	sld [smem:$0x3FDB];
	_ =	sdelay $0x1  }
0x99: {  	s4 =	simm.s32 $_scs_section_size  }
0x9a: {  	s5 =	simm.s32 $_size__tile_overlayer_lowered;
	s6 =	simm.s32 $_tile_overlayer_lowered  }
0x9b: {  	s22 =	simm.s32 $0x1BFF;
	s21 =	sshll.u32 s6, $0x1;
	s3 =	sadd.s32 s4, s19  }
0x9c: {  	s7 =	simm.s32 $0x0;
	s20 =	sshll.u32 s5, $0x1;
	s5 =	sadd.s32 s21, s3  }
0x9d: {  	[timem:s7], [sflag:s22] =	dma.local [hbm:s5], s20  }
0x9e: {  	_ =	swait.ge [sflag:s22], s20  }
0x9f: {  	s4 =	ssub.s32 $0x0, s20;
	[sflag:s22] =	ssyncset.done $0x0  }
0xa0: {  	[sflag:s22] =	ssyncadd.s32 s4;
	_ =	sdelay $0x1  }
0xa1: {  	s23 =	simm.s32 $0x1B8B  }
0xa2: {  	_ =	swait.ge [sflag:s23], $0x1  }
0xa3: {  	[sflag:s23] =	ssyncset.done $0x0  }
0xa4: {  	s25 =	simm.s32 $0x1B8E;
	s24 =	sld [smem:$0x3FFE];
	[sflag:s23] =	ssyncadd.s32 $0xFFFFFFFF  }
0xa5: {  	s26 =	simm.s32 $execute0_lowered;
	[smem:$0x3FD2] =	sst s25  }
0xa6: {  	s5 =	sshll.u32 s26, $0x1;
	_ =	strace $0x8000004C;
	[dreg:$0x1] =	wrdreg $0xFFFFFFFF  }
0xa7: {  	s28 =	simm.s32 $_size_execute0_lowered;
	s3 =	sadd.s32 s3, s5;
	[dreg:$0x0] =	wrdreg $0x0  }
0xa8: {  	s5 =	sshll.u32 s28, $0x1;
	[dreg:$0x2] =	wrdreg s3  }
0xa9: {  	[dreg:$0x3] =	wrdreg s5  }
0xaa: {  	[dreg:$0x4] =	wrdreg $0xC0  }
0xab: {  	_ =	task [dreg:s7], $0x5FFFF  }
0xac: {  	[dreg:$0x1] =	wrdreg $0xFFFFFFFF  }
0xad: {  	[dreg:$0x0] =	wrdreg $0x60  }
0xae: {  	[dreg:$0x2] =	wrdreg s2  }
0xaf: {  	[dreg:$0x3] =	wrdreg s24  }
0xb0: {  	[dreg:$0x4] =	wrdreg $0x94000  }
0xb1: {  	[dreg:$0x5] =	wrdreg $0x9  }
0xb2: {  	_ =	task.clear_ibuf [dreg:s7], $0x6FFFF;
	_ =	strace $0x9000004C  }
0xb3: {  	s29 =	simm.s32 $0x9;
	_ =	strace $0x8000004E  }
0xb4: {  	_ =	swait.ge [sflag:s29], $0x1  }
0xb5: {  	[sflag:s29] =	ssyncadd.s32 $0xFFFFFFFF  }
0xb6: {  	_ =	strace $0x9000004E  }
0xb7: {  	_ =	sfence  }
0xb8: {  	s30 =	sld [smem:$0x0];
	_ =	sdelay $0x2  }
0xb9: {  	s31 =	sshll.u32 s1, $0xD;
	s1 =	sshrl.u32 s1, $0x2  }
0xba: {  	s3 =	sand.u32 $0x4000, s31;
	s1 =	sadd.s32 s1, s30  }
0xbb: {  	s0 =	sor.u32 s3, s0;
	s1 =	sshll.u32 s1, $0x11  }
0xbc: {  	s0 =	sor.u32 s1, s0  }
0xbd: {  	s0 =	sadd.s32 $0x8F2B, s0  }
0xbe: {  	[sflag:s0] =	ssyncadd.remote.s32 $0x1  }
0xbf: {  	_ =	sfence.sel $0xFFFF  }
0xc0: {  	[dreg:$0x0] =	wrdreg $0xFFFFFFFF;
	(pc) =	sbr.abs _section_cstart, $3  }
0xc1: {  	[dreg:$0x1] =	wrdreg $0xFFFFFFFF  }
0xc2: {  	_ =	task.clear_ibuf [dreg:s7], $0x2FFFF;
	_ =	strace $0x9FFFFFFF  }
0xc3: {  	(tm) =	ssettm $0x7FFFFFFF  }
tec
execute0_lowered:
.L_overlay_start_1:
0x0: {  	(tag) =	ssettag $0x1  }
0x1: {  	s1 =	rddreg [dreg:$0x0]  }
0x2: {  	s0 =	rddreg [dreg:$0x1]  }
0x3: {  	s3 =	rddreg [dreg:$0x2]  }
0x4: {  	s2 =	srdreg.scid;
	s12 =	stileid.u32;
	s4 =	simm.s32 $0x0  }
0x5: {  	s17 =	simm.s32 $0x80;
	s18 =	simm.s32 $0x100;
	s19 =	simm.s32 $0x180  }
0x6: {  	s20 =	simm.s32 $0x200;
	s21 =	simm.s32 $0x1;
	s22 =	simm.s32 $0x50  }
0x7: {  	s23 =	simm.s32 $0x4400;
	s24 =	simm.s32 $0x6C00;
	s28 =	simm.s32 $0x0  }
0x8: {  	s2 =	sand.u32 $0x1, s2;
	s5 =	sshll.u32 s12, $0xF;
	s8 =	smul.u32 $0x4E000, s12  }
0x9: {  	[smem:$0x7FF] =	sst s4;
	s9 =	sadd.s32 $0x12600, s0;
	s11 =	smul.u32 $0x13800, s12  }
0xa: {  	p0 =	seq.s32 s12, $0xF;
	s6 =	sshll.u32 s2, $0xE;
	_ =	strace $0x8000004D  }
0xb: {  	[dreg:$0x4] =	wrdreg s9;
	s25 =	ssub.s32 $0x2, s2;
	s2 =	smul.u32 $0x138800, s2  }
0xc: {  	s5 =	sor.u32 s6, s5;
	s6 =	sadd.s32 $0x63000, s0;
	s10 =	sshrl.u32 s25, $0x1  }
0xd: {  	s26 =	sshrl.u32 s8, $0x2;
	s7 =	sshrl.u32 s5, $0x3;
	s9 =	ssub.s32 s25, s10  }
0xe: {  	s29 =	sadd.s32 s11, s2;
	s2 =	sshrl.u32 s2, $0x3;
	s10 =	sadd.s32 $0x124800, s3  }
0xf: {  	s7 =	sadd.s32 s7, s0;
	s0 =	sadd.s32 $0x14E00, s0;
	s31 =	smax.u32 s9, $0x1  }
0x10: {  	s8 =	sshrl.u32 s29, $0x3;
	s7 =	sadd.s32 $0x2600, s7;
	[dreg:$0x8] =	wrdreg s31  }
0x11: {  	s2 =	sadd.s32 s0, s2;
	s0 =	sadd.s32 s0, s8;
	[dreg:$0x5] =	wrdreg s7  }
0x12: {  	[dreg:$0x6] =	wrdreg s0;
	s30 =	sadd.s32 $0x24900, s2;
	s0 =	sshll.u32 @!p0 s12, $0x6  }
0x13: {  	s7 =	sadd.s32 s26, s3;
	[dreg:$0x7] =	wrdreg s30;
	s9 =	sor.u32 @!p0 $0x1C04, s0  }
0x14: {  	s25 =	simm.s32 $0x2;
	s7 =	sshrl.u32 @!p0 s7, $0x3;
	[dreg:$0x9] =	wrdreg s9  }
0x15: {  	s8 =	sshrl.u32 @p0 s10, $0x3;
	s26 =	simm.s32 $0x3;
	[dreg:$0xa] =	wrdreg s7  }
.LBB2_1:
0x16: {  	s0 =	rddreg [dreg:$0x5];
	s12 =	simm.s32 $0x400;
	s2 =	simm.s32 $0x4  }
0x17: {  	[tilespmem:s12], [sflag:$0x4] =	stream.linear.gather [hbm4b:s0+s4], $0x3E80, $0x38;
	[tilespmem:$0x1CC80] =	vst v63  }
0x18: {  	_ =	swait.ge [sflag:s2], $0x3E80  }
0x19: {  	[sflag:s2] =	ssyncset.done $0x0  }
0x1a: {  	s0 =	simm.s32 @p0 $0x1FC4;
	[sflag:s2] =	ssyncadd.s32 $0xFFFFC180;
	s2 =	rddreg [dreg:$0x4]  }
0x1b: {  	[spmem:s8], [sflag:s0] =	dma.local @p0 [hbm:s2], $0x2800  }
0x1c: {  	s16 =	smov.u32 s8;
	s0 =	simm.s32 @p0 $0x4  }
0x1d: {  	s13 =	simm.s32 $0x80;
	s14 =	simm.s32 $0x100;
	_ =	swait.ge @p0 [sflag:s0], $0x2800  }
0x1e: {  	s11 =	simm.s32 $0x200;
	s15 =	sand.u32 $0x380, s13;
	[sflag:s0] =	ssyncset.done @p0 $0x0  }
0x1f: {  	s10 =	sand.u32 $0x380, s14;
	[sflag:s0] =	ssyncadd.s32 @p0 $0xFFFFD800;
	s0 =	simm.s32 @!p0 $0x4  }
0x20: {  	[spmem:s7], [sflag:s9] =	dma.local @!p0 [hbm:s2], $0x2700  }
0x21: {  	s8 =	sand.u32 $0x7C00, s4;
	s7 =	sand.u32 $0xFC00, s13;
	_ =	swait.ge @!p0 [sflag:s0], $0x2700  }
0x22: {  	s9 =	sand.u32 $0x380, s4;
	s7 =	sadd.s32 s5, s7;
	[sflag:s0] =	ssyncset.done @!p0 $0x0  }
0x23: {  	s2 =	sor.u32 s15, s7;
	[sflag:s0] =	ssyncadd.s32 @!p0 $0xFFFFD900;
	s0 =	sadd.s32 s5, s8  }
0x24: {  	s8 =	sand.u32 $0xFC00, s14;
	s2 =	sshrl.u32 s2, $0x3;
	s14 =	simm.s32 $0x180  }
0x25: {  	[bflag:$0x0] =	sbarrier.arrive $0xFFFF;
	s0 =	sor.u32 s9, s0;
	s13 =	sadd.s32 s5, s8  }
0x26: {  	s15 =	sand.u32 $0xFC00, s14;
	s8 =	sand.u32 $0x380, s14;
	s2 =	sadd.s32 s6, s2  }
0x27: {  	s0 =	sshrl.u32 s0, $0x3;
	s7 =	sor.u32 s10, s13;
	s10 =	sadd.s32 s5, s15  }
0x28: {  	s13 =	sand.u32 $0xFC00, s11;
	s15 =	sand.u32 $0x380, s11;
	s0 =	sadd.s32 s6, s0  }
0x29: {  	[tilespmem:s4], [sflag:$0x1] =	stream.linear.gather [hbm4b:s0+s4], $0x80, $0x38;
	[tilespmem:$0x1CC80] =	vst v63  }
0x2a: {  	s7 =	sshrl.u32 s7, $0x3;
	s14 =	sadd.s32 s5, s13;
	s0 =	sor.u32 s8, s10  }
0x2b: {  	[tilespmem:s17], [sflag:$0x1] =	stream.linear.gather [hbm4b:s2+s4], $0x80, $0x38;
	[tilespmem:$0x1CC80] =	vst v63  }
0x2c: {  	s7 =	sadd.s32 s6, s7;
	s8 =	sor.u32 s15, s14;
	s0 =	sshrl.u32 s0, $0x3  }
0x2d: {  	[tilespmem:s18], [sflag:$0x1] =	stream.linear.gather [hbm4b:s7+s4], $0x80, $0x38;
	[tilespmem:$0x1CC80] =	vst v63  }
0x2e: {  	s9 =	sshrl.u32 s8, $0x3;
	s0 =	sadd.s32 s6, s0  }
0x2f: {  	[tilespmem:s19], [sflag:$0x1] =	stream.linear.gather [hbm4b:s0+s4], $0x80, $0x38;
	[tilespmem:$0x1CC80] =	vst v63  }
0x30: {  	s10 =	sadd.s32 s6, s9  }
0x31: {  	[tilespmem:s20], [sflag:$0x1] =	stream.linear.gather [hbm4b:s10+s4], $0x80, $0x38;
	[tilespmem:$0x1CC80] =	vst v63  }
0x32: {  	_ =	swait.ge [sflag:s21], $0x80  }
0x33: {  	[sflag:s21] =	ssyncset.done $0x0  }
0x34: {  	[sflag:s21] =	ssyncadd.s32 $0xFFFFFF80  }
0x35: {  	_ =	swait.ge [sflag:s21], $0x80  }
0x36: {  	[sflag:s21] =	ssyncset.done $0x0  }
0x37: {  	[sflag:s21] =	ssyncadd.s32 $0xFFFFFF80  }
0x38: {  	_ =	swait.ge [sflag:s21], $0x80  }
0x39: {  	[sflag:s21] =	ssyncset.done $0x0  }
0x3a: {  	[sflag:s21] =	ssyncadd.s32 $0xFFFFFF80  }
0x3b: {  	_ =	swait.ge [sflag:s21], $0x80  }
0x3c: {  	[sflag:s21] =	ssyncset.done $0x0  }
0x3d: {  	[sflag:s21] =	ssyncadd.s32 $0xFFFFFF80  }
0x3e: {  	_ =	swait.ge [sflag:s21], $0x80  }
0x3f: {  	[sflag:s21] =	ssyncset.done $0x0  }
0x40: {  	[sflag:s21] =	ssyncadd.s32 $0xFFFFFF80  }
0x41: {  	[tilespmem:s23], [sflag:$0x2] =	stream.indirect.gather [hbm4b:s1+s22], $0x80, s4, s22, $0xb8;
	[tilespmem:$0x1CC80] =	vst v63  }
0x42: {  	_ = 	snop  }
0x43: {  	[tilespmem:s24], [sflag:$0x2] =	stream.indirect.gather [hbm4b:s1+s22], $0x80, s17, s22, $0xb8;
	[tilespmem:$0x1CC80] =	vst v63  }
0x44: {  	_ =	swait.ge [sflag:s25], $0x2800  }
0x45: {  	[sflag:s25] =	ssyncset.done $0x0  }
0x46: {  	[sflag:s25] =	ssyncadd.s32 $0xFFFFD800  }
0x47: {  	[spmem:s3] =	stream.indirect.scatter.add.f32 [tilespmem:s23], [sflag:$0x3], $0x80, s12, s22, $0xb8;
	[tilespmem:$0x1CC80] =	vst v63  }
0x48: {  	_ =	swait.ge [sflag:s26], $0x2800  }
0x49: {  	[sflag:s26] =	ssyncset.done $0x0  }
0x4a: {  	[sflag:s26] =	ssyncadd.s32 $0xFFFFD800  }
0x4b: {  	[tilespmem:s23], [sflag:$0x2] =	stream.indirect.gather [hbm4b:s1+s22], $0x80, s18, s22, $0xb8;
	[tilespmem:$0x1CC80] =	vst v63  }
0x4c: {  	_ =	swait.ge [sflag:s25], $0x2800  }
0x4d: {  	[sflag:s25] =	ssyncset.done $0x0  }
0x4e: {  	s11 =	simm.s32 $0x480;
	[sflag:s25] =	ssyncadd.s32 $0xFFFFD800  }
0x4f: {  	[spmem:s3] =	stream.indirect.scatter.add.f32 [tilespmem:s24], [sflag:$0x3], $0x80, s11, s22, $0xb8;
	[tilespmem:$0x1CC80] =	vst v63  }
0x50: {  	_ =	swait.ge [sflag:s26], $0x2800  }
0x51: {  	[sflag:s26] =	ssyncset.done $0x0  }
0x52: {  	[sflag:s26] =	ssyncadd.s32 $0xFFFFD800  }
0x53: {  	[tilespmem:s24], [sflag:$0x2] =	stream.indirect.gather [hbm4b:s1+s22], $0x80, s19, s22, $0xb8;
	[tilespmem:$0x1CC80] =	vst v63  }
0x54: {  	_ =	swait.ge [sflag:s25], $0x2800  }
0x55: {  	[sflag:s25] =	ssyncset.done $0x0  }
0x56: {  	s30 =	simm.s32 $0x680;
	s12 =	simm.s32 $0x500;
	[sflag:s25] =	ssyncadd.s32 $0xFFFFD800  }
0x57: {  	[spmem:s3] =	stream.indirect.scatter.add.f32 [tilespmem:s23], [sflag:$0x3], $0x80, s12, s22, $0xb8;
	[tilespmem:$0x1CC80] =	vst v63  }
0x58: {  	s29 =	simm.s32 $0x880;
	s31 =	simm.s32 $0x900;
	_ =	swait.ge [sflag:s26], $0x2800  }
0x59: {  	s13 =	simm.s32 $0x580;
	s15 =	simm.s32 $0x300;
	[sflag:s26] =	ssyncset.done $0x0  }
0x5a: {  	s8 =	sand.u32 $0xFC00, s15;
	s2 =	simm.s32 $0x600;
	[sflag:s26] =	ssyncadd.s32 $0xFFFFD800  }
0x5b: {  	[tilespmem:s23], [sflag:$0x2] =	stream.indirect.gather [hbm4b:s1+s22], $0x80, s20, s22, $0xb8;
	[tilespmem:$0x1CC80] =	vst v63  }
0x5c: {  	s7 =	sand.u32 $0x380, s15;
	s0 =	simm.s32 $0x280;
	_ =	swait.ge [sflag:s25], $0x2800  }
0x5d: {  	s9 =	sand.u32 $0x7C00, s0;
	s10 =	sand.u32 $0x380, s0;
	[sflag:s25] =	ssyncset.done $0x0  }
0x5e: {  	s14 =	sadd.s32 s5, s9;
	s9 =	simm.s32 $0x480;
	[sflag:s25] =	ssyncadd.s32 $0xFFFFD800  }
0x5f: {  	[spmem:s3] =	stream.indirect.scatter.add.f32 [tilespmem:s24], [sflag:$0x3], $0x80, s13, s22, $0xb8;
	[tilespmem:$0x1CC80] =	vst v63  }
0x60: {  	s14 =	sor.u32 s10, s14;
	s11 =	simm.s32 $0x380;
	_ =	swait.ge [sflag:s25], $0x2800  }
0x61: {  	s12 =	simm.s32 $0x500;
	s13 =	sand.u32 $0x380, s11;
	[sflag:s25] =	ssyncset.done $0x0  }
.LBB2_2:
0x62: {  	s10 =	sshrl.u32 s14, $0x3;
	s14 =	sadd.s32 s5, s8;
	[sflag:s25] =	ssyncadd.s32 $0xFFFFD800  }
0x63: {  	s15 =	smov.u32 s12;
	s8 =	smov.u32 s30;
	s30 =	smov.u32 s31  }
0x64: {  	[spmem:s3] =	stream.indirect.scatter.add.f32 [tilespmem:s23], [sflag:$0x3], $0x80, s2, s22, $0xb8;
	[tilespmem:$0x1CC80] =	vst v63  }
0x65: {  	s2 =	sor.u32 s7, s14;
	s7 =	sand.u32 $0xFC00, s11;
	_ =	swait.ge [sflag:s26], $0x2800  }
0x66: {  	s2 =	sshrl.u32 s2, $0x3;
	s7 =	sadd.s32 s5, s7;
	[sflag:s26] =	ssyncset.done $0x0  }
0x67: {  	s0 =	sadd.s32 $0x180, s0;
	s7 =	sor.u32 s13, s7;
	[sflag:s26] =	ssyncadd.s32 $0xFFFFD800  }
0x68: {  	s11 =	sand.u32 $0xFC00, s0;
	s7 =	sshrl.u32 s7, $0x3;
	_ =	swait.ge [sflag:s26], $0x2800  }
0x69: {  	s10 =	sadd.s32 s6, s10;
	s0 =	sand.u32 $0x380, s0;
	[sflag:s26] =	ssyncset.done $0x0  }
0x6a: {  	s11 =	sadd.s32 s5, s11;
	s7 =	sadd.s32 s6, s7;
	[sflag:s26] =	ssyncadd.s32 $0xFFFFD800  }
0x6b: {  	[tilespmem:s4], [sflag:$0x1] =	stream.linear.gather [hbm4b:s10+s4], $0x80, $0x38;
	[tilespmem:$0x1CC80] =	vst v63  }
0x6c: {  	s2 =	sadd.s32 s6, s2;
	s0 =	sor.u32 s0, s11;
	s10 =	sand.u32 $0xFC00, s9  }
0x6d: {  	s0 =	sshrl.u32 s0, $0x3;
	s9 =	sand.u32 $0x380, s9;
	s11 =	sadd.s32 s5, s10  }
0x6e: {  	[tilespmem:s17], [sflag:$0x1] =	stream.linear.gather [hbm4b:s2+s4], $0x80, $0x38;
	[tilespmem:$0x1CC80] =	vst v63  }
0x6f: {  	s13 =	sadd.s32 $0x200, s31;
	s10 =	sadd.s32 $0x280, s12;
	s2 =	sor.u32 s9, s11  }
0x70: {  	[tilespmem:s18], [sflag:$0x1] =	stream.linear.gather [hbm4b:s7+s4], $0x80, $0x38;
	[tilespmem:$0x1CC80] =	vst v63  }
0x71: {  	p1 =	sne.s32 s12, $0x3C00;
	s0 =	sadd.s32 s6, s0;
	s2 =	sshrl.u32 s2, $0x3  }
0x72: {  	[tilespmem:s19], [sflag:$0x1] =	stream.linear.gather [hbm4b:s0+s4], $0x80, $0x38;
	[tilespmem:$0x1CC80] =	vst v63  }
0x73: {  	s0 =	sadd.s32 s6, s2;
	s2 =	smov.u32 s29;
	s29 =	smov.u32 s13  }
0x74: {  	[tilespmem:s20], [sflag:$0x1] =	stream.linear.gather [hbm4b:s0+s4], $0x80, $0x38;
	[tilespmem:$0x1CC80] =	vst v63  }
0x75: {  	s0 =	smov.u32 s15;
	_ =	swait.ge [sflag:s21], $0x80  }
0x76: {  	[sflag:s21] =	ssyncset.done $0x0  }
0x77: {  	[sflag:s21] =	ssyncadd.s32 $0xFFFFFF80  }
0x78: {  	_ =	swait.ge [sflag:s21], $0x80  }
0x79: {  	[sflag:s21] =	ssyncset.done $0x0  }
0x7a: {  	[sflag:s21] =	ssyncadd.s32 $0xFFFFFF80  }
0x7b: {  	_ =	swait.ge [sflag:s21], $0x80  }
0x7c: {  	[sflag:s21] =	ssyncset.done $0x0  }
0x7d: {  	[sflag:s21] =	ssyncadd.s32 $0xFFFFFF80  }
0x7e: {  	_ =	swait.ge [sflag:s21], $0x80  }
0x7f: {  	[sflag:s21] =	ssyncset.done $0x0  }
0x80: {  	[sflag:s21] =	ssyncadd.s32 $0xFFFFFF80  }
0x81: {  	_ =	swait.ge [sflag:s21], $0x80  }
0x82: {  	[sflag:s21] =	ssyncset.done $0x0  }
0x83: {  	[sflag:s21] =	ssyncadd.s32 $0xFFFFFF80  }
0x84: {  	[tilespmem:s23], [sflag:$0x2] =	stream.indirect.gather [hbm4b:s1+s22], $0x80, s4, s22, $0xb8;
	[tilespmem:$0x1CC80] =	vst v63  }
0x85: {  	_ = 	snop  }
0x86: {  	[tilespmem:s24], [sflag:$0x2] =	stream.indirect.gather [hbm4b:s1+s22], $0x80, s17, s22, $0xb8;
	[tilespmem:$0x1CC80] =	vst v63  }
0x87: {  	_ =	swait.ge [sflag:s25], $0x2800  }
0x88: {  	[sflag:s25] =	ssyncset.done $0x0  }
0x89: {  	[sflag:s25] =	ssyncadd.s32 $0xFFFFD800  }
0x8a: {  	[spmem:s3] =	stream.indirect.scatter.add.f32 [tilespmem:s23], [sflag:$0x3], $0x80, s8, s22, $0xb8;
	[tilespmem:$0x1CC80] =	vst v63  }
0x8b: {  	_ =	swait.ge [sflag:s26], $0x2800  }
0x8c: {  	[sflag:s26] =	ssyncset.done $0x0  }
0x8d: {  	[sflag:s26] =	ssyncadd.s32 $0xFFFFD800  }
0x8e: {  	[tilespmem:s23], [sflag:$0x2] =	stream.indirect.gather [hbm4b:s1+s22], $0x80, s18, s22, $0xb8;
	[tilespmem:$0x1CC80] =	vst v63  }
0x8f: {  	_ =	swait.ge [sflag:s25], $0x2800  }
0x90: {  	[sflag:s25] =	ssyncset.done $0x0  }
0x91: {  	s7 =	sadd.s32 $0x80, s8;
	[sflag:s25] =	ssyncadd.s32 $0xFFFFD800  }
0x92: {  	[spmem:s3] =	stream.indirect.scatter.add.f32 [tilespmem:s24], [sflag:$0x3], $0x80, s7, s22, $0xb8;
	[tilespmem:$0x1CC80] =	vst v63  }
0x93: {  	_ =	swait.ge [sflag:s26], $0x2800  }
0x94: {  	[sflag:s26] =	ssyncset.done $0x0  }
0x95: {  	[sflag:s26] =	ssyncadd.s32 $0xFFFFD800  }
0x96: {  	[tilespmem:s24], [sflag:$0x2] =	stream.indirect.gather [hbm4b:s1+s22], $0x80, s19, s22, $0xb8;
	[tilespmem:$0x1CC80] =	vst v63  }
0x97: {  	_ =	swait.ge [sflag:s25], $0x2800  }
0x98: {  	[sflag:s25] =	ssyncset.done $0x0  }
0x99: {  	s7 =	sadd.s32 $0x100, s8;
	[sflag:s25] =	ssyncadd.s32 $0xFFFFD800  }
0x9a: {  	[spmem:s3] =	stream.indirect.scatter.add.f32 [tilespmem:s23], [sflag:$0x3], $0x80, s7, s22, $0xb8;
	[tilespmem:$0x1CC80] =	vst v63  }
0x9b: {  	_ =	swait.ge [sflag:s26], $0x2800  }
0x9c: {  	s31 =	sadd.s32 $0x280, s31;
	s12 =	sand.u32 $0x380, s0;
	[sflag:s26] =	ssyncset.done $0x0  }
0x9d: {  	s15 =	sadd.s32 $0x80, s0;
	s8 =	sadd.s32 $0x180, s8;
	[sflag:s26] =	ssyncadd.s32 $0xFFFFD800  }
0x9e: {  	[tilespmem:s23], [sflag:$0x2] =	stream.indirect.gather [hbm4b:s1+s22], $0x80, s20, s22, $0xb8;
	[tilespmem:$0x1CC80] =	vst v63  }
0x9f: {  	s11 =	sadd.s32 $0x100, s0;
	s7 =	sand.u32 $0x7C00, s0;
	_ =	swait.ge [sflag:s25], $0x2800  }
.Ltmp0:
0xa0: {  	s9 =	sadd.s32 $0x200, s0;
	[sflag:s25] =	ssyncset.done $0x0;
	(pc) =	sbr.rel @p1 .LBB2_2-.Ltmp0, $4  }
0xa1: {  	s14 =	sadd.s32 s5, s7;
	s7 =	sand.u32 $0x380, s15;
	[sflag:s25] =	ssyncadd.s32 $0xFFFFD800  }
0xa2: {  	[spmem:s3] =	stream.indirect.scatter.add.f32 [tilespmem:s24], [sflag:$0x3], $0x80, s8, s22, $0xb8;
	[tilespmem:$0x1CC80] =	vst v63  }
0xa3: {  	s13 =	sand.u32 $0x380, s11;
	s14 =	sor.u32 s12, s14;
	_ =	swait.ge [sflag:s25], $0x2800  }
0xa4: {  	s12 =	smov.u32 s10;
	s8 =	sand.u32 $0xFC00, s15;
	[sflag:s25] =	ssyncset.done $0x0  }
0xa5: {  	[sflag:s25] =	ssyncadd.s32 $0xFFFFD800  }
0xa6: {  	[spmem:s3] =	stream.indirect.scatter.add.f32 [tilespmem:s23], [sflag:$0x3], $0x80, s2, s22, $0xb8;
	[tilespmem:$0x1CC80] =	vst v63  }
0xa7: {  	_ =	swait.ge [sflag:s26], $0x2800  }
0xa8: {  	[sflag:s26] =	ssyncset.done $0x0  }
0xa9: {  	[sflag:s26] =	ssyncadd.s32 $0xFFFFD800  }
0xaa: {  	_ =	swait.ge [sflag:s26], $0x2800  }
0xab: {  	s14 =	sshrl.u32 s14, $0x3;
	s15 =	sadd.s32 s5, s8;
	[sflag:s26] =	ssyncset.done $0x0  }
0xac: {  	s31 =	sand.u32 $0xFC00, s11;
	s2 =	sadd.s32 s6, s14;
	[sflag:s26] =	ssyncadd.s32 $0xFFFFD800  }
0xad: {  	[tilespmem:s4], [sflag:$0x1] =	stream.linear.gather [hbm4b:s2+s4], $0x80, $0x38;
	[tilespmem:$0x1CC80] =	vst v63  }
0xae: {  	s2 =	sor.u32 s7, s15;
	s7 =	sadd.s32 s5, s31  }
0xaf: {  	s2 =	sshrl.u32 s2, $0x3;
	s7 =	sor.u32 s13, s7  }
0xb0: {  	s0 =	sadd.s32 $0x180, s0;
	s2 =	sadd.s32 s6, s2;
	s8 =	sshrl.u32 s7, $0x3  }
0xb1: {  	[tilespmem:s17], [sflag:$0x1] =	stream.linear.gather [hbm4b:s2+s4], $0x80, $0x38;
	[tilespmem:$0x1CC80] =	vst v63  }
0xb2: {  	s10 =	sand.u32 $0xFC00, s0;
	s2 =	sadd.s32 s6, s8  }
0xb3: {  	[tilespmem:s18], [sflag:$0x1] =	stream.linear.gather [hbm4b:s2+s4], $0x80, $0x38;
	[tilespmem:$0x1CC80] =	vst v63  }
0xb4: {  	s11 =	sand.u32 $0xFC00, s9;
	s0 =	sand.u32 $0x380, s0;
	s2 =	sadd.s32 s5, s10  }
0xb5: {  	s12 =	sand.u32 $0x380, s9;
	s0 =	sor.u32 s0, s2;
	s2 =	sadd.s32 s5, s11  }
0xb6: {  	s0 =	sshrl.u32 s0, $0x3;
	s2 =	sor.u32 s12, s2  }
0xb7: {  	s0 =	sadd.s32 s6, s0;
	s13 =	sshrl.u32 s2, $0x3  }
0xb8: {  	[tilespmem:s19], [sflag:$0x1] =	stream.linear.gather [hbm4b:s0+s4], $0x80, $0x38;
	[tilespmem:$0x1CC80] =	vst v63  }
0xb9: {  	s0 =	sadd.s32 s6, s13  }
0xba: {  	[tilespmem:s20], [sflag:$0x1] =	stream.linear.gather [hbm4b:s0+s4], $0x80, $0x38;
	[tilespmem:$0x1CC80] =	vst v63  }
0xbb: {  	_ =	swait.ge [sflag:s21], $0x80  }
0xbc: {  	[sflag:s21] =	ssyncset.done $0x0  }
0xbd: {  	[sflag:s21] =	ssyncadd.s32 $0xFFFFFF80  }
0xbe: {  	_ =	swait.ge [sflag:s21], $0x80  }
0xbf: {  	[sflag:s21] =	ssyncset.done $0x0  }
0xc0: {  	[sflag:s21] =	ssyncadd.s32 $0xFFFFFF80  }
0xc1: {  	_ =	swait.ge [sflag:s21], $0x80  }
0xc2: {  	[sflag:s21] =	ssyncset.done $0x0  }
0xc3: {  	[sflag:s21] =	ssyncadd.s32 $0xFFFFFF80  }
0xc4: {  	_ =	swait.ge [sflag:s21], $0x80  }
0xc5: {  	[sflag:s21] =	ssyncset.done $0x0  }
0xc6: {  	[sflag:s21] =	ssyncadd.s32 $0xFFFFFF80  }
0xc7: {  	_ =	swait.ge [sflag:s21], $0x80  }
0xc8: {  	[sflag:s21] =	ssyncset.done $0x0  }
0xc9: {  	[sflag:s21] =	ssyncadd.s32 $0xFFFFFF80  }
0xca: {  	[tilespmem:s23], [sflag:$0x2] =	stream.indirect.gather [hbm4b:s1+s22], $0x80, s4, s22, $0xb8;
	[tilespmem:$0x1CC80] =	vst v63  }
0xcb: {  	_ = 	snop  }
0xcc: {  	[tilespmem:s24], [sflag:$0x2] =	stream.indirect.gather [hbm4b:s1+s22], $0x80, s17, s22, $0xb8;
	[tilespmem:$0x1CC80] =	vst v63  }
0xcd: {  	_ =	swait.ge [sflag:s25], $0x2800  }
0xce: {  	[sflag:s25] =	ssyncset.done $0x0  }
0xcf: {  	[sflag:s25] =	ssyncadd.s32 $0xFFFFD800  }
0xd0: {  	[spmem:s3] =	stream.indirect.scatter.add.f32 [tilespmem:s23], [sflag:$0x3], $0x80, s30, s22, $0xb8;
	[tilespmem:$0x1CC80] =	vst v63  }
0xd1: {  	_ =	swait.ge [sflag:s26], $0x2800  }
0xd2: {  	[sflag:s26] =	ssyncset.done $0x0  }
0xd3: {  	[sflag:s26] =	ssyncadd.s32 $0xFFFFD800  }
0xd4: {  	[tilespmem:s23], [sflag:$0x2] =	stream.indirect.gather [hbm4b:s1+s22], $0x80, s18, s22, $0xb8;
	[tilespmem:$0x1CC80] =	vst v63  }
0xd5: {  	_ =	swait.ge [sflag:s25], $0x2800  }
0xd6: {  	[sflag:s25] =	ssyncset.done $0x0  }
0xd7: {  	s14 =	sadd.s32 $0x80, s30;
	[sflag:s25] =	ssyncadd.s32 $0xFFFFD800  }
0xd8: {  	[spmem:s3] =	stream.indirect.scatter.add.f32 [tilespmem:s24], [sflag:$0x3], $0x80, s14, s22, $0xb8;
	[tilespmem:$0x1CC80] =	vst v63  }
0xd9: {  	_ =	swait.ge [sflag:s26], $0x2800  }
0xda: {  	[sflag:s26] =	ssyncset.done $0x0  }
0xdb: {  	[sflag:s26] =	ssyncadd.s32 $0xFFFFD800  }
0xdc: {  	[tilespmem:s24], [sflag:$0x2] =	stream.indirect.gather [hbm4b:s1+s22], $0x80, s19, s22, $0xb8;
	[tilespmem:$0x1CC80] =	vst v63  }
0xdd: {  	_ =	swait.ge [sflag:s25], $0x2800  }
0xde: {  	[sflag:s25] =	ssyncset.done $0x0  }
0xdf: {  	s15 =	sadd.s32 $0x100, s30;
	[sflag:s25] =	ssyncadd.s32 $0xFFFFD800  }
0xe0: {  	[spmem:s3] =	stream.indirect.scatter.add.f32 [tilespmem:s23], [sflag:$0x3], $0x80, s15, s22, $0xb8;
	[tilespmem:$0x1CC80] =	vst v63  }
0xe1: {  	_ =	swait.ge [sflag:s26], $0x2800  }
0xe2: {  	[sflag:s26] =	ssyncset.done $0x0  }
0xe3: {  	[sflag:s26] =	ssyncadd.s32 $0xFFFFD800  }
0xe4: {  	[tilespmem:s23], [sflag:$0x2] =	stream.indirect.gather [hbm4b:s1+s22], $0x80, s20, s22, $0xb8;
	[tilespmem:$0x1CC80] =	vst v63  }
0xe5: {  	_ =	swait.ge [sflag:s25], $0x2800  }
0xe6: {  	[sflag:s25] =	ssyncset.done $0x0  }
0xe7: {  	s30 =	sadd.s32 $0x180, s30;
	[sflag:s25] =	ssyncadd.s32 $0xFFFFD800  }
0xe8: {  	[spmem:s3] =	stream.indirect.scatter.add.f32 [tilespmem:s24], [sflag:$0x3], $0x80, s30, s22, $0xb8;
	[tilespmem:$0x1CC80] =	vst v63  }
0xe9: {  	_ =	swait.ge [sflag:s25], $0x2800  }
0xea: {  	[sflag:s25] =	ssyncset.done $0x0  }
0xeb: {  	[sflag:s25] =	ssyncadd.s32 $0xFFFFD800  }
0xec: {  	[spmem:s3] =	stream.indirect.scatter.add.f32 [tilespmem:s23], [sflag:$0x3], $0x80, s29, s22, $0xb8;
	[tilespmem:$0x1CC80] =	vst v63  }
0xed: {  	_ =	swait.ge [sflag:s26], $0x2800  }
0xee: {  	[sflag:s26] =	ssyncset.done $0x0  }
0xef: {  	[sflag:s26] =	ssyncadd.s32 $0xFFFFD800  }
0xf0: {  	_ =	swait.ge [sflag:s26], $0x2800  }
0xf1: {  	[sflag:s26] =	ssyncset.done $0x0  }
0xf2: {  	[sflag:s26] =	ssyncadd.s32 $0xFFFFD800  }
0xf3: {  	[bflag:$0x0] =	sbarrier.arrive $0xFFFF  }
0xf4: {  	s0 =	simm.s32 @p0 $0x1FC4;
	s2 =	rddreg [dreg:$0x7]  }
0xf5: {  	[hbm:s2], [sflag:s0] =	dma.local @p0 [spmem:s16], $0x2800  }
0xf6: {  	s0 =	simm.s32 @p0 $0x4  }
0xf7: {  	_ =	swait.ge @p0 [sflag:s0], $0x2800  }
0xf8: {  	s9 =	rddreg [dreg:$0x9]  }
0xf9: {  	[sflag:s0] =	ssyncset.done @p0 $0x0;
	s7 =	rddreg [dreg:$0xa]  }
0xfa: {  	[sflag:s0] =	ssyncadd.s32 @p0 $0xFFFFD800;
	s0 =	rddreg [dreg:$0x6]  }
0xfb: {  	[hbm:s0], [sflag:s9] =	dma.local @!p0 [spmem:s7], $0x2700  }
0xfc: {  	s0 =	simm.s32 @!p0 $0x4  }
0xfd: {  	_ =	swait.ge @!p0 [sflag:s0], $0x2700  }
0xfe: {  	s28 =	sadd.s32 $0x1, s28;
	s31 =	rddreg [dreg:$0x8]  }
0xff: {  	p1 =	sne.s32 s28, s31  }
.Ltmp1:
0x100: {  	_ = 	snop;
	(pc) =	sbr.rel @p1 .LBB2_1-.Ltmp1, $3  }
0x101: {  	_ =	sdelay $0x1  }
0x102: {  	[sflag:s0] =	ssyncset.done @!p0 $0x0  }
0x103: {  	s8 =	smov.u32 s16;
	[sflag:s0] =	ssyncadd.s32 @!p0 $0xFFFFD900  }
0x104: {  	_ =	sfence.sel $0x180000  }
0x105: {  	[bflag:$0x0] =	sbarrier.arrive $0xFFFF  }
0x106: {  	_ =	strace $0x9000004D  }
0x107: {  	s0 =	stileid.u32;
	[bflag:$0x2] =	sbarrier.arrive $0xFFFF  }
0x108: {  	p0 =	sne.s32 s0, $0x0;
	s0 =	rddreg [dreg:$0x3]  }
0x109: {  	s0 =	sadd.s32 @!p0 $0x100000, s0  }
0x10a: {  	[sflag:s0] =	ssyncadd.tile.s32 @!p0 $0x1;
	_ =	shalt  }
.Lfunc_end2:
_tile_overlayer_lowered:
.L_overlay_start_2:
0x10b: {  	(tag) =	ssettag $0x2  }
0x10c: {  	s0 =	rddreg [dreg:$0x0];
	s2 =	stileid.u32  }
0x10d: {  	s1 =	rddreg [dreg:$0x1];
	p0 =	sne.s32 s2, $0x0  }
0x10e: {  	s3 =	rddreg [dreg:$0x2];
	[bflag:$0x3] =	sbarrier.arrive $0xFFFF;
	s2 =	simm.s32 @!p0 $0x1C04  }
0x10f: {  	[timem:s3], [sflag:s2] =	dma.local @!p0 [hbm:s0], s1  }
0x110: {  	s0 =	simm.s32 @!p0 $0x4  }
0x111: {  	_ =	swait.ge @!p0 [sflag:s0], s1  }
0x112: {  	s1 =	ssub.s32 @!p0 $0x0, s1;
	[sflag:s0] =	ssyncset.done @!p0 $0x0  }
0x113: {  	[sflag:s0] =	ssyncadd.s32 @!p0 s1  }
0x114: {  	[bflag:$0x3] =	sbarrier.arrive $0xFFFF  }
0x115: {  	_ =	shalt  }

// kernel: kernel.8.cloned.1.call-start
scs
__scs_entry_jumppad:
0x0: {  	(pc) =	sbr.rel $0x88, $3  }
0x1: {  	(tag) =	ssettag $0x0;
	lr =	simm.s32 $0x1  }
0x2: {  	[smem:$0x3F9B] =	sst lr;
	_ =	strace $0xD0000000  }
0x3: {  	_ = 	snop  }
0x4: {  	_ = 	snop  }
0x5: {  	_ = 	snop  }
0x6: {  	_ = 	snop  }
0x7: {  	_ = 	snop  }
__scs_overlays_trampoline_lowered:
0x8: {  	[smem:$0x3FAA] =	sst s0  }
0x9: {  	[smem:$0x3FAB] =	sst s1  }
0xa: {  	[smem:$0x3FAC] =	sst s2  }
0xb: {  	[smem:$0x3FAD] =	sst s3  }
0xc: {  	[smem:$0x3FAE] =	sst s4  }
0xd: {  	[smem:$0x3FAF] =	sst s5  }
0xe: {  	[smem:$0x3FB0] =	sst s6  }
0xf: {  	[smem:$0x3FB1] =	sst s7  }
0x10: {  	[smem:$0x3FB2] =	sst s8  }
0x11: {  	[smem:$0x3FB3] =	sst s9;
	s0 =	simm.s32 @!p0 $0x0  }
0x12: {  	s1 =	sld [smem:$0x3F99];
	s0 =	simm.s32 @p0 $0x1  }
0x13: {  	[smem:$0x3FB4] =	sst s0;
	s0 =	simm.s32 @!p1 $0x0  }
0x14: {  	s2 =	sld [smem:$0x3F98];
	s0 =	simm.s32 @p1 $0x1  }
0x15: {  	[smem:$0x3FB5] =	sst s0;
	s0 =	simm.s32 @!p2 $0x0  }
0x16: {  	s3 =	sld [smem:$0x3FDB];
	s0 =	simm.s32 @p2 $0x1  }
0x17: {  	s4 =	simm.s32 $0x1BF5;
	[smem:$0x3FB7] =	sst s0  }
0x18: {  	s0 =	sld [smem:$0x3F9A];
	_ =	swait.ge [sflag:s4], $0x0  }
0x19: {  	s7 =	sld [smem:$0x3F9B]  }
0x1a: {  	s8 =	sadd.s32 $0xFFFFE003, lr  }
0x1b: {  	s9 =	sadd.s32 $0xFFFFFEF7, lr;
	s5 =	simm.s32 $0xFFFFFFFF;
	p2 =	slt.u32 s8, $0xFFFFF086  }
0x1c: {  	p1 =	slt.u32 s9, $0xF7A;
	s5 =	simm.s32 @!p2 $0x0  }
0x1d: {  	s5 =	simm.s32 @p1 $0x1;
	p0 =	seq.s32 s7, s2  }
0x1e: {  	s7 =	smul.u32 @!p0 $0xF7A, s2;
	p2 =	seq.s32 @!p0 s5, $0x0  }
0x1f: {  	s9 =	smul.u32 $0xF7A, s1;
	s8 =	simm.s32 @!p0 $0x1BF5;
	p2 =	por !p2, p0  }
0x20: {  	[sflag:s8] =	ssyncset.s32 @!p0 $0xFFFFF086;
	s6 =	sadd.s32 @!p0 s3, s7;
	s7 =	simm.s32 @!p0 $0x108  }
0x21: {  	s3 =	sadd.s32 s3, s9;
	s6 =	sadd.s32 @!p0 $0x88, s6;
	s7 =	simm.s32 @p2 $0x1082  }
0x22: {  	[simem:s7], [sflag:s8] =	dma.local @!p0 [hbm:s6], $0xF7A  }
0x23: {  	s9 =	sor.u32 $0xD0000000, s2;
	s6 =	simm.s32 $0x108;
	_ =	swait.ge @!p0 [sflag:s8], $0x0  }
0x24: {  	s3 =	sadd.s32 $0x88, s3;
	s6 =	simm.s32 @!p1 $0x1082;
	[sflag:s4] =	ssyncset.s32 $0xFFFFF086  }
0x25: {  	[simem:s6], [sflag:s4] =	dma.local [hbm:s3], $0xF7A  }
0x26: {  	[smem:$0x3F9B] =	sst s1;
	(tag) =	ssettag s2;
	_ =	strace s9  }
0x27: {  	s1 =	sld [smem:$0x3FAB]  }
0x28: {  	s2 =	sld [smem:$0x3FAC]  }
0x29: {  	s4 =	sld [smem:$0x3FAE]  }
0x2a: {  	p0 =	seq.s32 s5, $0x0;
	s5 =	sld [smem:$0x3FAF]  }
0x2b: {  	s6 =	sld [smem:$0x3FB0]  }
0x2c: {  	s7 =	sld [smem:$0x3FB1]  }
0x2d: {  	s3 =	simm.s32 $0x108;
	s8 =	sld [smem:$0x3FB2]  }
0x2e: {  	s3 =	simm.s32 @!p0 $0x1082;
	s9 =	sld [smem:$0x3FB3]  }
0x2f: {  	lr =	sadd.s32 s0, s3;
	s0 =	sld [smem:$0x3FAA]  }
0x30: {  	s3 =	sld [smem:$0x3FAD]  }
0x31: {  	[smem:$0x3FB6] =	sst s10  }
0x32: {  	s10 =	sld [smem:$0x3FB4];
	_ =	sdelay $0x3  }
0x33: {  	p0 =	seq.s32 s10, $0x1;
	s10 =	sld [smem:$0x3FB6];
	_ =	sdelay $0x3  }
0x34: {  	[smem:$0x3FB6] =	sst s10  }
0x35: {  	s10 =	sld [smem:$0x3FB5];
	_ =	sdelay $0x3  }
0x36: {  	p1 =	seq.s32 s10, $0x1;
	s10 =	sld [smem:$0x3FB6];
	_ =	sdelay $0x3  }
0x37: {  	[smem:$0x3FB6] =	sst s10  }
0x38: {  	s10 =	sld [smem:$0x3FB7]  }
0x39: {  	_ = 	snop;
	(pc) =	sbr.ind lr, $3  }
0x3a: {  	_ = 	snop  }
0x3b: {  	_ = 	snop  }
0x3c: {  	p2 =	seq.s32 s10, $0x1;
	s10 =	sld [smem:$0x3FB6]  }
0x3d: {  	_ =	shalt  }
0x3e: {  	_ =	shalt  }
0x3f: {  	_ =	shalt  }
0x40: {  	_ =	shalt  }
0x41: {  	_ =	shalt  }
0x42: {  	_ =	shalt  }
0x43: {  	_ =	shalt  }
0x44: {  	_ =	shalt  }
0x45: {  	_ =	shalt  }
0x46: {  	_ =	shalt  }
0x47: {  	_ =	shalt  }
0x48: {  	_ =	shalt  }
0x49: {  	_ =	shalt  }
0x4a: {  	_ =	shalt  }
0x4b: {  	_ =	shalt  }
0x4c: {  	_ =	shalt  }
0x4d: {  	_ =	shalt  }
0x4e: {  	_ =	shalt  }
0x4f: {  	_ =	shalt  }
0x50: {  	_ =	shalt  }
0x51: {  	_ =	shalt  }
0x52: {  	_ =	shalt  }
0x53: {  	_ =	shalt  }
0x54: {  	_ =	shalt  }
0x55: {  	_ =	shalt  }
0x56: {  	_ =	shalt  }
0x57: {  	_ =	shalt  }
0x58: {  	_ =	shalt  }
0x59: {  	_ =	shalt  }
0x5a: {  	_ =	shalt  }
0x5b: {  	_ =	shalt  }
0x5c: {  	_ =	shalt  }
0x5d: {  	_ =	shalt  }
0x5e: {  	_ =	shalt  }
0x5f: {  	_ =	shalt  }
0x60: {  	_ =	shalt  }
0x61: {  	_ =	shalt  }
0x62: {  	_ =	shalt  }
0x63: {  	_ =	shalt  }
0x64: {  	_ =	shalt  }
0x65: {  	_ =	shalt  }
0x66: {  	_ =	shalt  }
0x67: {  	_ =	shalt  }
0x68: {  	_ =	shalt  }
0x69: {  	_ =	shalt  }
0x6a: {  	_ =	shalt  }
0x6b: {  	_ =	shalt  }
0x6c: {  	_ =	shalt  }
0x6d: {  	_ =	shalt  }
0x6e: {  	_ =	shalt  }
0x6f: {  	_ =	shalt  }
0x70: {  	_ =	shalt  }
0x71: {  	_ =	shalt  }
0x72: {  	_ =	shalt  }
0x73: {  	_ =	shalt  }
0x74: {  	_ =	shalt  }
0x75: {  	_ =	shalt  }
0x76: {  	_ =	shalt  }
0x77: {  	_ =	shalt  }
0x78: {  	_ =	shalt  }
0x79: {  	_ =	shalt  }
0x7a: {  	_ =	shalt  }
0x7b: {  	_ =	shalt  }
0x7c: {  	_ =	shalt  }
0x7d: {  	_ =	shalt  }
0x7e: {  	_ =	shalt  }
0x7f: {  	_ =	shalt  }
0x80: {  	_ =	shalt  }
0x81: {  	_ =	shalt  }
0x82: {  	_ =	shalt  }
0x83: {  	_ =	shalt  }
0x84: {  	_ =	shalt  }
0x85: {  	_ =	shalt  }
0x86: {  	_ =	shalt  }
0x87: {  	_ =	shalt  }
.Lfunc_end0:
.L_simem_size_0:
called_computation_lowered:
.L_overlay_start_0:
0x88: {  	s2 =	sld [smem:$0x3FD9]  }
0x89: {  	s3 =	sld [smem:$0x3FFE];
	_ =	sdelay $0x1  }
0x8a: {  	s1 =	srdreg.scid  }
0x8b: {  	s0 =	sand.u32 $0x1, s1  }
0x8c: {  	s17 =	sshll.u32 s0, $0xA;
	s2 =	sadd.s32 s3, s2  }
0x8d: {  	s2 =	sadd.s32 s2, s17  }
0x8e: {  	[smem:$0x3FC2] =	sst s2  }
0x8f: {  	_ = 	snop  }
0x90: {  	s2 =	sld [smem:$0x3FD0];
	(tm) =	ssettm $0x1  }
0x91: {  	s18 =	sld [smem:$0x3FFB];
	_ =	sdelay $0x3  }
0x92: {  	_ =	strace s18  }
0x93: {  	s3 =	sld [smem:$0x3FFC];
	_ =	sdelay $0x3  }
0x94: {  	_ =	strace s3  }
0x95: {  	s3 =	sld [smem:$0x3FFD];
	_ =	sdelay $0x3  }
0x96: {  	_ =	strace s3  }
0x97: {  	_ =	strace $0x8FFFFFFF  }
0x98: {  	s19 =	sld [smem:$0x3FDB];
	_ =	sdelay $0x1  }
0x99: {  	s4 =	simm.s32 $_scs_section_size  }
0x9a: {  	s5 =	simm.s32 $_size__tile_overlayer_lowered;
	s6 =	simm.s32 $_tile_overlayer_lowered  }
0x9b: {  	s22 =	simm.s32 $0x1BFF;
	s21 =	sshll.u32 s6, $0x1;
	s3 =	sadd.s32 s4, s19  }
0x9c: {  	s7 =	simm.s32 $0x0;
	s20 =	sshll.u32 s5, $0x1;
	s5 =	sadd.s32 s21, s3  }
0x9d: {  	[timem:s7], [sflag:s22] =	dma.local [hbm:s5], s20  }
0x9e: {  	_ =	swait.ge [sflag:s22], s20  }
0x9f: {  	s4 =	ssub.s32 $0x0, s20;
	[sflag:s22] =	ssyncset.done $0x0  }
0xa0: {  	[sflag:s22] =	ssyncadd.s32 s4;
	_ =	sdelay $0x1  }
0xa1: {  	s23 =	simm.s32 $0x1B8B  }
0xa2: {  	_ =	swait.ge [sflag:s23], $0x1  }
0xa3: {  	[sflag:s23] =	ssyncset.done $0x0  }
0xa4: {  	s25 =	simm.s32 $0x1B8E;
	s24 =	sld [smem:$0x3FFE];
	[sflag:s23] =	ssyncadd.s32 $0xFFFFFFFF  }
0xa5: {  	s26 =	simm.s32 $execute0_lowered;
	[smem:$0x3FD2] =	sst s25  }
0xa6: {  	s5 =	sshll.u32 s26, $0x1;
	_ =	strace $0x80000046;
	[dreg:$0x1] =	wrdreg $0xFFFFFFFF  }
0xa7: {  	s28 =	simm.s32 $_size_execute0_lowered;
	s3 =	sadd.s32 s3, s5;
	[dreg:$0x0] =	wrdreg $0x0  }
0xa8: {  	s5 =	sshll.u32 s28, $0x1;
	[dreg:$0x2] =	wrdreg s3  }
0xa9: {  	[dreg:$0x3] =	wrdreg s5  }
0xaa: {  	[dreg:$0x4] =	wrdreg $0xC0  }
0xab: {  	_ =	task [dreg:s7], $0x5FFFF  }
0xac: {  	[dreg:$0x1] =	wrdreg $0xFFFFFFFF  }
0xad: {  	[dreg:$0x0] =	wrdreg $0x60  }
0xae: {  	[dreg:$0x2] =	wrdreg s24  }
0xaf: {  	[dreg:$0x3] =	wrdreg s2  }
0xb0: {  	[dreg:$0x4] =	wrdreg $0x68000  }
0xb1: {  	[dreg:$0x5] =	wrdreg $0x9  }
0xb2: {  	_ =	task.clear_ibuf [dreg:s7], $0x6FFFF;
	_ =	strace $0x90000046  }
0xb3: {  	s29 =	simm.s32 $0x9;
	_ =	strace $0x80000048  }
0xb4: {  	_ =	swait.ge [sflag:s29], $0x1  }
0xb5: {  	[sflag:s29] =	ssyncadd.s32 $0xFFFFFFFF  }
0xb6: {  	_ =	strace $0x90000048  }
0xb7: {  	_ =	sfence  }
0xb8: {  	s30 =	sld [smem:$0x0];
	_ =	sdelay $0x2  }
0xb9: {  	s31 =	sshll.u32 s1, $0xD;
	s1 =	sshrl.u32 s1, $0x2  }
0xba: {  	s3 =	sand.u32 $0x4000, s31;
	s1 =	sadd.s32 s1, s30  }
0xbb: {  	s0 =	sor.u32 s3, s0;
	s1 =	sshll.u32 s1, $0x11  }
0xbc: {  	s0 =	sor.u32 s1, s0  }
0xbd: {  	s0 =	sadd.s32 $0x8F2B, s0  }
0xbe: {  	[sflag:s0] =	ssyncadd.remote.s32 $0x1  }
0xbf: {  	_ =	sfence.sel $0xFFFF  }
0xc0: {  	[dreg:$0x0] =	wrdreg $0xFFFFFFFF;
	(pc) =	sbr.abs _section_cstart, $3  }
0xc1: {  	[dreg:$0x1] =	wrdreg $0xFFFFFFFF  }
0xc2: {  	_ =	task.clear_ibuf [dreg:s7], $0x2FFFF;
	_ =	strace $0x9FFFFFFF  }
0xc3: {  	(tm) =	ssettm $0x7FFFFFFF  }
tec
execute0_lowered:
.L_overlay_start_1:
0x0: {  	(tag) =	ssettag $0x1  }
0x1: {  	s6 =	rddreg [dreg:$0x0]  }
0x2: {  	s1 =	rddreg [dreg:$0x1]  }
0x3: {  	s2 =	rddreg [dreg:$0x2];
	s3 =	srdreg.scid  }
0x4: {  	s0 =	rddreg [dreg:$0x3];
	s4 =	simm.s32 $0x0;
	s16 =	simm.s32 $0x1  }
0x5: {  	s17 =	simm.s32 $0x0;
	s7 =	sand.u32 $0x1, s3;
	s3 =	stileid.u32  }
0x6: {  	[smem:$0x7FF] =	sst s4;
	s14 =	sadd.s32 $0x14E00, s6;
	s9 =	smul.u32 $0x4E000, s3  }
0x7: {  	s5 =	sshll.u32 s7, $0xB;
	s10 =	ssub.s32 $0x2, s7;
	s7 =	smul.u32 $0x138800, s7  }
0x8: {  	_ =	strace $0x80000047;
	s12 =	sshll.u32 s3, $0xC;
	s13 =	smul.u32 $0x13800, s3  }
0x9: {  	p0 =	seq.s32 s3, $0xF;
	s8 =	sadd.s32 s5, s6;
	s11 =	sshrl.u32 s10, $0x1  }
0xa: {  	s5 =	sadd.s32 $0x12600, s6;
	s10 =	ssub.s32 s10, s11;
	s25 =	sadd.s32 s12, s8  }
0xb: {  	s26 =	sshrl.u32 s9, $0x2;
	s28 =	sadd.s32 s13, s7;
	s30 =	sshrl.u32 s7, $0x3  }
0xc: {  	s12 =	sadd.s32 $0x124800, s2;
	s11 =	simm.s32 $0x2;
	s13 =	sshll.u32 @!p0 s3, $0x6  }
0xd: {  	s6 =	sadd.s32 $0x2600, s25;
	s15 =	sadd.s32 s26, s2;
	s29 =	sshrl.u32 s28, $0x3  }
0xe: {  	s31 =	sadd.s32 s14, s30;
	s9 =	smax.u32 s10, $0x1;
	s10 =	simm.s32 $0x4000  }
0xf: {  	s12 =	sshrl.u32 @p0 s12, $0x3;
	s13 =	sor.u32 @!p0 $0x1C02, s13;
	s7 =	sadd.s32 s14, s29  }
0x10: {  	s8 =	sadd.s32 $0x24900, s31;
	s14 =	sshrl.u32 @!p0 s15, $0x3;
	s15 =	simm.s32 $0x50  }
.LBB2_1:
0x11: {  	[tilespmem:s10], [sflag:$0x2] =	stream.linear.gather [hbm4b:s1+s4], $0x2800, $0x38;
	[tilespmem:$0x1A080] =	vst v63  }
0x12: {  	_ =	swait.ge [sflag:s11], $0x2800  }
0x13: {  	[sflag:s11] =	ssyncset.done $0x0  }
0x14: {  	[sflag:s11] =	ssyncadd.s32 $0xFFFFD800  }
0x15: {  	[tilespmem:s4], [sflag:$0x2] =	stream.linear.gather [hbm4b:s6+s4], $0x3E80, $0x38;
	[tilespmem:$0x1A080] =	vst v63  }
0x16: {  	_ =	swait.ge [sflag:s11], $0x3E80  }
0x17: {  	[sflag:s11] =	ssyncset.done $0x0  }
0x18: {  	s18 =	simm.s32 @p0 $0x1FC2;
	[sflag:s11] =	ssyncadd.s32 $0xFFFFC180  }
0x19: {  	[spmem:s12], [sflag:s18] =	dma.local @p0 [hbm:s5], $0x2800  }
0x1a: {  	s18 =	simm.s32 @p0 $0x2  }
0x1b: {  	_ =	swait.ge @p0 [sflag:s18], $0x2800  }
0x1c: {  	[sflag:s18] =	ssyncset.done @p0 $0x0  }
0x1d: {  	[sflag:s18] =	ssyncadd.s32 @p0 $0xFFFFD800;
	s18 =	simm.s32 @!p0 $0x2  }
0x1e: {  	[spmem:s14], [sflag:s13] =	dma.local @!p0 [hbm:s5], $0x2700  }
0x1f: {  	_ =	swait.ge @!p0 [sflag:s18], $0x2700  }
0x20: {  	[sflag:s18] =	ssyncset.done @!p0 $0x0  }
0x21: {  	[sflag:s18] =	ssyncadd.s32 @!p0 $0xFFFFD900  }
0x22: {  	s26 =	simm.s32 $0x0;
	[bflag:$0x0] =	sbarrier.arrive $0xFFFF  }
0x23: {  	[spmem:s2] =	stream.indirect.scatter.add.f32 [tilespmem:s10], [sflag:$0x1], $0x80, s26, s15, $0xb8;
	[tilespmem:$0x1A080] =	vst v63  }
0x24: {  	s28 =	simm.s32 $0x80  }
0x25: {  	[spmem:s2] =	stream.indirect.scatter.add.f32 [tilespmem:s10], [sflag:$0x1], $0x80, s28, s15, $0xb8;
	[tilespmem:$0x1A080] =	vst v63  }
0x26: {  	s29 =	simm.s32 $0x100  }
0x27: {  	[spmem:s2] =	stream.indirect.scatter.add.f32 [tilespmem:s10], [sflag:$0x1], $0x80, s29, s15, $0xb8;
	[tilespmem:$0x1A080] =	vst v63  }
0x28: {  	s30 =	simm.s32 $0x180  }
0x29: {  	[spmem:s2] =	stream.indirect.scatter.add.f32 [tilespmem:s10], [sflag:$0x1], $0x80, s30, s15, $0xb8;
	[tilespmem:$0x1A080] =	vst v63  }
0x2a: {  	s31 =	simm.s32 $0x200  }
0x2b: {  	[spmem:s2] =	stream.indirect.scatter.add.f32 [tilespmem:s10], [sflag:$0x1], $0x80, s31, s15, $0xb8;
	[tilespmem:$0x1A080] =	vst v63  }
0x2c: {  	_ =	swait.ge [sflag:s16], $0x2800  }
0x2d: {  	[sflag:s16] =	ssyncset.done $0x0  }
0x2e: {  	[sflag:s16] =	ssyncadd.s32 $0xFFFFD800  }
0x2f: {  	_ =	swait.ge [sflag:s16], $0x2800  }
0x30: {  	[sflag:s16] =	ssyncset.done $0x0  }
0x31: {  	[sflag:s16] =	ssyncadd.s32 $0xFFFFD800  }
0x32: {  	_ =	swait.ge [sflag:s16], $0x2800  }
0x33: {  	[sflag:s16] =	ssyncset.done $0x0  }
0x34: {  	[sflag:s16] =	ssyncadd.s32 $0xFFFFD800  }
0x35: {  	_ =	swait.ge [sflag:s16], $0x2800  }
0x36: {  	[sflag:s16] =	ssyncset.done $0x0  }
0x37: {  	[sflag:s16] =	ssyncadd.s32 $0xFFFFD800  }
0x38: {  	_ =	swait.ge [sflag:s16], $0x2800  }
0x39: {  	s19 =	simm.s32 $0x1400;
	s18 =	simm.s32 $0xA00;
	[sflag:s16] =	ssyncset.done $0x0  }
.LBB2_2:
0x3a: {  	s20 =	sshra.s32 s18, $0x2  }
0x3b: {  	[sflag:s16] =	ssyncadd.s32 $0xFFFFD800;
	s18 =	smov.u32 s19;
	s21 =	sadd.s32 $0xA00, s19  }
0x3c: {  	[spmem:s2] =	stream.indirect.scatter.add.f32 [tilespmem:s10], [sflag:$0x1], $0x80, s20, s15, $0xb8;
	[tilespmem:$0x1A080] =	vst v63  }
0x3d: {  	p1 =	sne.s32 s19, $0xF000;
	s19 =	sadd.s32 $0x80, s20  }
0x3e: {  	[spmem:s2] =	stream.indirect.scatter.add.f32 [tilespmem:s10], [sflag:$0x1], $0x80, s19, s15, $0xb8;
	[tilespmem:$0x1A080] =	vst v63  }
0x3f: {  	s19 =	sadd.s32 $0x100, s20  }
0x40: {  	[spmem:s2] =	stream.indirect.scatter.add.f32 [tilespmem:s10], [sflag:$0x1], $0x80, s19, s15, $0xb8;
	[tilespmem:$0x1A080] =	vst v63  }
0x41: {  	s19 =	sadd.s32 $0x180, s20  }
0x42: {  	[spmem:s2] =	stream.indirect.scatter.add.f32 [tilespmem:s10], [sflag:$0x1], $0x80, s19, s15, $0xb8;
	[tilespmem:$0x1A080] =	vst v63  }
0x43: {  	s19 =	sadd.s32 $0x200, s20  }
0x44: {  	[spmem:s2] =	stream.indirect.scatter.add.f32 [tilespmem:s10], [sflag:$0x1], $0x80, s19, s15, $0xb8;
	[tilespmem:$0x1A080] =	vst v63  }
0x45: {  	_ =	swait.ge [sflag:s16], $0x2800  }
0x46: {  	[sflag:s16] =	ssyncset.done $0x0  }
0x47: {  	[sflag:s16] =	ssyncadd.s32 $0xFFFFD800  }
0x48: {  	_ =	swait.ge [sflag:s16], $0x2800  }
0x49: {  	[sflag:s16] =	ssyncset.done $0x0  }
0x4a: {  	[sflag:s16] =	ssyncadd.s32 $0xFFFFD800  }
0x4b: {  	_ =	swait.ge [sflag:s16], $0x2800  }
0x4c: {  	[sflag:s16] =	ssyncset.done $0x0  }
0x4d: {  	[sflag:s16] =	ssyncadd.s32 $0xFFFFD800  }
.Ltmp0:
0x4e: {  	_ =	swait.ge [sflag:s16], $0x2800;
	(pc) =	sbr.rel @p1 .LBB2_2-.Ltmp0, $4  }
0x4f: {  	[sflag:s16] =	ssyncset.done $0x0  }
0x50: {  	[sflag:s16] =	ssyncadd.s32 $0xFFFFD800  }
0x51: {  	_ =	swait.ge [sflag:s16], $0x2800  }
0x52: {  	s19 =	smov.u32 s21;
	[sflag:s16] =	ssyncset.done $0x0  }
0x53: {  	s18 =	sshra.s32 s18, $0x2;
	[sflag:s16] =	ssyncadd.s32 $0xFFFFD800  }
0x54: {  	[spmem:s2] =	stream.indirect.scatter.add.f32 [tilespmem:s10], [sflag:$0x1], $0x80, s18, s15, $0xb8;
	[tilespmem:$0x1A080] =	vst v63  }
0x55: {  	s19 =	sadd.s32 $0x80, s18  }
0x56: {  	[spmem:s2] =	stream.indirect.scatter.add.f32 [tilespmem:s10], [sflag:$0x1], $0x80, s19, s15, $0xb8;
	[tilespmem:$0x1A080] =	vst v63  }
0x57: {  	s30 =	sadd.s32 $0x100, s18  }
0x58: {  	[spmem:s2] =	stream.indirect.scatter.add.f32 [tilespmem:s10], [sflag:$0x1], $0x80, s30, s15, $0xb8;
	[tilespmem:$0x1A080] =	vst v63  }
0x59: {  	s31 =	sadd.s32 $0x180, s18  }
0x5a: {  	[spmem:s2] =	stream.indirect.scatter.add.f32 [tilespmem:s10], [sflag:$0x1], $0x80, s31, s15, $0xb8;
	[tilespmem:$0x1A080] =	vst v63  }
0x5b: {  	s18 =	sadd.s32 $0x200, s18  }
0x5c: {  	[spmem:s2] =	stream.indirect.scatter.add.f32 [tilespmem:s10], [sflag:$0x1], $0x80, s18, s15, $0xb8;
	[tilespmem:$0x1A080] =	vst v63  }
0x5d: {  	_ =	swait.ge [sflag:s16], $0x2800  }
0x5e: {  	[sflag:s16] =	ssyncset.done $0x0  }
0x5f: {  	[sflag:s16] =	ssyncadd.s32 $0xFFFFD800  }
0x60: {  	_ =	swait.ge [sflag:s16], $0x2800  }
0x61: {  	[sflag:s16] =	ssyncset.done $0x0  }
0x62: {  	[sflag:s16] =	ssyncadd.s32 $0xFFFFD800  }
0x63: {  	_ =	swait.ge [sflag:s16], $0x2800  }
0x64: {  	[sflag:s16] =	ssyncset.done $0x0  }
0x65: {  	[sflag:s16] =	ssyncadd.s32 $0xFFFFD800  }
0x66: {  	_ =	swait.ge [sflag:s16], $0x2800  }
0x67: {  	[sflag:s16] =	ssyncset.done $0x0  }
0x68: {  	[sflag:s16] =	ssyncadd.s32 $0xFFFFD800  }
0x69: {  	_ =	swait.ge [sflag:s16], $0x2800  }
0x6a: {  	[sflag:s16] =	ssyncset.done $0x0  }
0x6b: {  	[sflag:s16] =	ssyncadd.s32 $0xFFFFD800  }
0x6c: {  	s18 =	simm.s32 @p0 $0x1FC2;
	[bflag:$0x0] =	sbarrier.arrive $0xFFFF  }
0x6d: {  	[hbm:s8], [sflag:s18] =	dma.local @p0 [spmem:s12], $0x2800  }
0x6e: {  	s18 =	simm.s32 @p0 $0x2  }
0x6f: {  	s17 =	sadd.s32 $0x1, s17;
	_ =	swait.ge @p0 [sflag:s18], $0x2800  }
0x70: {  	p1 =	sne.s32 s17, s9;
	[sflag:s18] =	ssyncset.done @p0 $0x0  }
.Ltmp1:
0x71: {  	[sflag:s18] =	ssyncadd.s32 @p0 $0xFFFFD800;
	s18 =	simm.s32 @!p0 $0x2;
	(pc) =	sbr.rel @p1 .LBB2_1-.Ltmp1, $4  }
0x72: {  	[hbm:s7], [sflag:s13] =	dma.local @!p0 [spmem:s14], $0x2700  }
0x73: {  	_ =	swait.ge @!p0 [sflag:s18], $0x2700  }
0x74: {  	[sflag:s18] =	ssyncset.done @!p0 $0x0  }
0x75: {  	[sflag:s18] =	ssyncadd.s32 @!p0 $0xFFFFD900  }
0x76: {  	_ =	sfence.sel $0x180000  }
0x77: {  	[bflag:$0x0] =	sbarrier.arrive $0xFFFF  }
0x78: {  	p0 =	sne.s32 s3, $0x0;
	_ =	strace $0x90000047  }
0x79: {  	s0 =	sadd.s32 @!p0 $0x100000, s0;
	[bflag:$0x2] =	sbarrier.arrive $0xFFFF  }
0x7a: {  	[sflag:s0] =	ssyncadd.tile.s32 @!p0 $0x1;
	_ =	shalt  }
.Lfunc_end2:
_tile_overlayer_lowered:
.L_overlay_start_2:
0x7b: {  	(tag) =	ssettag $0x2  }
0x7c: {  	s0 =	rddreg [dreg:$0x0];
	s2 =	stileid.u32  }
0x7d: {  	s1 =	rddreg [dreg:$0x1];
	p0 =	sne.s32 s2, $0x0  }
0x7e: {  	s3 =	rddreg [dreg:$0x2];
	[bflag:$0x3] =	sbarrier.arrive $0xFFFF;
	s2 =	simm.s32 @!p0 $0x1C02  }
0x7f: {  	[timem:s3], [sflag:s2] =	dma.local @!p0 [hbm:s0], s1  }
0x80: {  	s0 =	simm.s32 @!p0 $0x2  }
0x81: {  	_ =	swait.ge @!p0 [sflag:s0], s1  }
0x82: {  	s1 =	ssub.s32 @!p0 $0x0, s1;
	[sflag:s0] =	ssyncset.done @!p0 $0x0  }
0x83: {  	[sflag:s0] =	ssyncadd.s32 @!p0 s1  }
0x84: {  	[bflag:$0x3] =	sbarrier.arrive $0xFFFF  }
0x85: {  	_ =	shalt  }

</sc_bundles>
